<compile_context>
chip_gen: v7x
topology: tpu7x:2x2x1
jax: 0.10.2.dev20260603
libtpu: 0.0.44.dev20260713+nightly
codegen_flags: <defaults>
</compile_context>

<pallas_src>
import functools
import jax
import jax.numpy as jnp
from jax import lax
from jax.experimental import pallas as pl
from jax.experimental.pallas import tpu as pltpu
from jax.experimental.pallas import tpu_sc as plsc

N = 10000
E = 320000
D = 128
N_PAD = 10240
NW = 32
K = 80
EPT = 10080
E_PAD = EPT * NW
C = EPT // K
RPT = N_PAD // 16
N_ACC = 10048
HALF = N_ACC // 8

_mesh = plsc.VectorSubcoreMesh(core_axis_name="c", subcore_axis_name="s")


def _deg_body(dst_hbm, zeros_hbm, out_hbm, dst_v, deg_l, acc_v, tmp_v, stage_sh):
    cid = lax.axis_index("c")
    sid = lax.axis_index("s")
    wid = sid * 2 + cid
    pltpu.sync_copy(zeros_hbm, deg_l)
    pltpu.sync_copy(dst_hbm.at[wid], dst_v)
    ones = jnp.ones((16,), jnp.float32)

    def body(i, carry):
        for j in range(K // 16):
            dv = dst_v[i, pl.ds(j * 16, 16)]
            plsc.addupdate_scatter(deg_l, [dv], ones)
        return carry

    lax.fori_loop(0, C, body, 0)
    pltpu.sync_copy(deg_l, stage_sh.at[sid])
    plsc.subcore_barrier()
    r0 = sid * RPT
    pltpu.sync_copy(stage_sh.at[0, pl.ds(r0, RPT)], acc_v)
    for t2 in range(1, 16):
        pltpu.sync_copy(stage_sh.at[t2, pl.ds(r0, RPT)], tmp_v)

        def radd(i, carry):
            o = i * 16
            acc_v[pl.ds(o, 16)] = acc_v[pl.ds(o, 16)] + tmp_v[pl.ds(o, 16)]
            return carry

        lax.fori_loop(0, RPT // 16, radd, 0)
    pltpu.sync_copy(acc_v, out_hbm.at[cid, pl.ds(r0, RPT)])


_deg_call = functools.partial(
    pl.kernel,
    out_type=jax.ShapeDtypeStruct((2, N_PAD), jnp.float32),
    mesh=_mesh,
    compiler_params=pltpu.CompilerParams(needs_layout_passes=False),
    scratch_types=[
        pltpu.VMEM((C, K), jnp.int32),
        pltpu.VMEM((N_PAD,), jnp.float32),
        pltpu.VMEM((RPT,), jnp.float32),
        pltpu.VMEM((RPT,), jnp.float32),
        pltpu.VMEM_SHARED((16, N_PAD), jnp.float32),
    ],
)(_deg_body)


NBUF = 3
NIDX = 5


def _scat_body(g_hbm, idx_hbm, zeros_hbm, out_hbm,
               idx_v, rows_v, acc_sh, sem_g, sem_s, sem_i):
    cid = lax.axis_index("c")
    sid = lax.axis_index("s")
    wid = sid * 2 + cid

    @pl.when(sid < 8)
    def _():
        pltpu.sync_copy(zeros_hbm, acc_sh.at[pl.ds(sid * HALF, HALF)])

    def idx_start(i, s):
        pltpu.async_copy(idx_hbm.at[wid, i], idx_v.at[s], sem_i.at[s])

    def idx_wait(i, s):
        pltpu.make_async_copy(idx_hbm.at[wid, i], idx_v.at[s],
                              sem_i.at[s]).wait()

    def gather(i, b):
        pltpu.async_copy(g_hbm.at[idx_v.at[lax.rem(i, NIDX), 0]],
                         rows_v.at[b], sem_g.at[b])

    def wait_g(i, b):
        pltpu.make_async_copy(g_hbm.at[idx_v.at[lax.rem(i, NIDX), 0]],
                              rows_v.at[b], sem_g.at[b]).wait()

    def scat(i, b):
        pltpu.async_copy(rows_v.at[b],
                         acc_sh.at[idx_v.at[lax.rem(i, NIDX), 1]],
                         sem_s.at[b], add=True)

    def wait_s(i, b):
        pltpu.make_async_copy(rows_v.at[b],
                              acc_sh.at[idx_v.at[lax.rem(i, NIDX), 1]],
                              sem_s.at[b]).wait()

    for j in range(4):
        idx_start(j, j)
    for j in range(2):
        idx_wait(j, j)
        gather(j, j)
    plsc.subcore_barrier()

    def body(i, carry):
        b = lax.rem(i, NBUF)
        wait_g(i, b)
        scat(i, b)

        @pl.when(i >= 1)
        def _():
            wait_s(i - 1, lax.rem(i - 1, NBUF))

        @pl.when(i + 4 < C)
        def _():
            idx_start(i + 4, lax.rem(i + 4, NIDX))

        @pl.when(i + 2 < C)
        def _():
            idx_wait(i + 2, lax.rem(i + 2, NIDX))
            gather(i + 2, lax.rem(i + 2, NBUF))

        return carry

    lax.fori_loop(0, C, body, 0)
    wait_s(C - 1, lax.rem(C - 1, NBUF))
    plsc.subcore_barrier()

    @pl.when(sid < 8)
    def _():
        pltpu.sync_copy(acc_sh.at[pl.ds(sid * HALF, HALF)],
                        out_hbm.at[cid, pl.ds(sid * HALF, HALF)])


_scat_call = functools.partial(
    pl.kernel,
    out_type=jax.ShapeDtypeStruct((2, N_PAD, D), jnp.float32),
    mesh=_mesh,
    scratch_types=[
        pltpu.VMEM((NIDX, 2, K), jnp.int32),
        pltpu.VMEM((NBUF, K, D), jnp.float32),
        pltpu.VMEM_SHARED((N_ACC, D), jnp.float32),
        pltpu.SemaphoreType.DMA((NBUF,)),
        pltpu.SemaphoreType.DMA((NBUF,)),
        pltpu.SemaphoreType.DMA((NIDX,)),
    ],
)(_scat_body)


RB = 512
_GRID = N_PAD // RB


def _mm1_body(deg_ref, x_ref, w_ref, g_ref, dinv_ref):
    deg = deg_ref[0] + deg_ref[1] + 1.0
    dinv = lax.rsqrt(deg)
    h = jnp.dot(x_ref[...], w_ref[...], preferred_element_type=jnp.float32)
    g_ref[...] = h * dinv
    dinv_ref[...] = dinv


def _mm1(deg_p, x_p, W1):
    return pl.pallas_call(
        _mm1_body,
        grid=(_GRID,),
        in_specs=[
            pl.BlockSpec((2, RB, 1), lambda i: (0, i, 0)),
            pl.BlockSpec((RB, D), lambda i: (i, 0)),
            pl.BlockSpec((D, D), lambda i: (0, 0)),
        ],
        out_specs=[
            pl.BlockSpec((RB, D), lambda i: (i, 0)),
            pl.BlockSpec((RB, 1), lambda i: (i, 0)),
        ],
        out_shape=[
            jax.ShapeDtypeStruct((N_PAD, D), jnp.float32),
            jax.ShapeDtypeStruct((N_PAD, 1), jnp.float32),
        ],
    )(deg_p, x_p, W1)


def _mid_body(p_ref, g_ref, dinv_ref, b_ref, a_ref, w_ref, g2_ref):
    dinv = dinv_ref[...]
    s = dinv * (p_ref[0] + p_ref[1] + g_ref[...]) + b_ref[...]
    aa = a_ref[0, 0]
    z = jnp.where(s >= 0, s, aa * s)
    h2 = jnp.dot(z, w_ref[...], preferred_element_type=jnp.float32)
    g2_ref[...] = h2 * dinv


def _mid(p1, g1, dinv, b1r, ar, W2):
    return pl.pallas_call(
        _mid_body,
        grid=(_GRID,),
        in_specs=[
            pl.BlockSpec((2, RB, D), lambda i: (0, i, 0)),
            pl.BlockSpec((RB, D), lambda i: (i, 0)),
            pl.BlockSpec((RB, 1), lambda i: (i, 0)),
            pl.BlockSpec((1, D), lambda i: (0, 0)),
            pl.BlockSpec((1, 1), lambda i: (0, 0)),
            pl.BlockSpec((D, D), lambda i: (0, 0)),
        ],
        out_specs=pl.BlockSpec((RB, D), lambda i: (i, 0)),
        out_shape=jax.ShapeDtypeStruct((N_PAD, D), jnp.float32),
    )(p1, g1, dinv, b1r, ar, W2)


def _fin_body(p_ref, g_ref, dinv_ref, b_ref, a_ref, out_ref):
    dinv = dinv_ref[...]
    s = dinv * (p_ref[0] + p_ref[1] + g_ref[...]) + b_ref[...]
    aa = a_ref[0, 0]
    out_ref[...] = jnp.where(s >= 0, s, aa * s)


def _fin(p2, g2, dinv, b2r, ar):
    return pl.pallas_call(
        _fin_body,
        grid=(_GRID,),
        in_specs=[
            pl.BlockSpec((2, RB, D), lambda i: (0, i, 0)),
            pl.BlockSpec((RB, D), lambda i: (i, 0)),
            pl.BlockSpec((RB, 1), lambda i: (i, 0)),
            pl.BlockSpec((1, D), lambda i: (0, 0)),
            pl.BlockSpec((1, 1), lambda i: (0, 0)),
        ],
        out_specs=pl.BlockSpec((RB, D), lambda i: (i, 0)),
        out_shape=jax.ShapeDtypeStruct((N_PAD, D), jnp.float32),
    )(p2, g2, dinv, b2r, ar)


def kernel(x, edge_index, W1, b1, W2, b2, a):
    src = edge_index[0]
    dst = edge_index[1]
    pad_idx = jnp.full((E_PAD - E,), N, dtype=jnp.int32)
    src_p = jnp.concatenate([src, pad_idx]).reshape(NW, C, K)
    dst_p = jnp.concatenate([dst, pad_idx]).reshape(NW, C, K)
    idx_p = jnp.stack([src_p, dst_p], axis=2)
    x_p = jnp.concatenate([x, jnp.zeros((N_PAD - N, D), x.dtype)])
    zerosN = jnp.zeros((N_PAD,), jnp.float32)
    zerosD = jnp.zeros((HALF, D), jnp.float32)
    b1r = b1.reshape(1, D)
    b2r = b2.reshape(1, D)
    ar = a.reshape(1, 1)

    deg_p = _deg_call(dst_p, zerosN).reshape(2, N_PAD, 1)
    g1, dinv = _mm1(deg_p, x_p, W1)
    p1 = _scat_call(g1, idx_p, zerosD)
    g2 = _mid(p1, g1, dinv, b1r, ar, W2)
    p2 = _scat_call(g2, idx_p, zerosD)
    out = _fin(p2, g2, dinv, b2r, ar)
    return out[:N]

# --- scband reference (transcript-rebuilt; emitter-appended) ---
"""Pipeline reference for scband-combined-model-45603962749631 (READ-ONLY COPY).

The authoritative reference and input builder live on the scoring server;
editing this copy changes nothing except your own understanding.
"""

import jax, jax.numpy as jnp
import numpy as np

N = 10000
E = 320000
D_IN = 128
D_H = 128


def setup_inputs(seed: int = 0) -> dict:
    key = jax.random.key(seed)
    ks = jax.random.split(key, 8)
    x = jax.random.normal(ks[0], (N, D_IN), dtype=jnp.float32)
    edge_index = jax.random.randint(ks[1], (2, E), 0, N, dtype=jnp.int32)
    W1 = jax.random.normal(ks[2], (D_IN, D_H), dtype=jnp.float32) * (1.0 / np.sqrt(D_IN))
    b1 = jnp.zeros((D_H,), dtype=jnp.float32)
    W2 = jax.random.normal(ks[3], (D_H, D_H), dtype=jnp.float32) * (1.0 / np.sqrt(D_H))
    b2 = jnp.zeros((D_H,), dtype=jnp.float32)
    a = jnp.asarray(0.25, dtype=jnp.float32)  # shared PReLU weight (nn.PReLU default)
    return {"x": x, "edge_index": edge_index, "W1": W1, "b1": b1, "W2": W2, "b2": b2, "a": a}


def _gcn_layer(x, src, dst, W, b):
    # GCNConv: linear transform, add self-loops, symmetric normalization, scatter-add
    h = x @ W
    loop = jnp.arange(N, dtype=src.dtype)
    s = jnp.concatenate([src, loop])
    d = jnp.concatenate([dst, loop])
    deg = jnp.zeros((N,), dtype=h.dtype).at[d].add(1.0)
    dinv = jnp.where(deg > 0, jax.lax.rsqrt(deg), 0.0)
    norm = dinv[s] * dinv[d]
    msg = h[s] * norm[:, None]
    out = jax.ops.segment_sum(msg, d, num_segments=N)
    return out + b


def _prelu(h, a):
    return jnp.where(h >= 0, h, a * h)


def reference(x, edge_index, W1, b1, W2, b2, a):
    src = edge_index[0]
    dst = edge_index[1]
    h = _gcn_layer(x, src, dst, W1, b1)
    h = _prelu(h, a)
    # dropout is identity in eval mode
    h = _gcn_layer(h, src, dst, W2, b2)
    h = _prelu(h, a)
    return h

if __name__ == "__main__":
    import jax
    _d = setup_inputs()
    print(jax.jit(kernel)(*tuple(_d.values())))

</pallas_src>

<mosaic_0001>
#map = affine_map<(d0, d1) -> (0, 0)>
#map1 = affine_map<(d0, d1) -> (0, 0, 0, 0)>
#map2 = affine_map<(d0, d1) -> (0, 0, 0)>
module attributes {stable_mosaic.version = 14 : i64} {
  func.func @_scat_body(%arg0: i32, %arg1: i32, %arg2: memref<10240x128xf32, #tpu.memory_space<hbm>>, %arg3: memref<32x126x2x80xi32, #tpu.memory_space<hbm>>, %arg4: memref<1256x128xf32, #tpu.memory_space<hbm>>, %arg5: memref<2x10240x128xf32, #tpu.memory_space<hbm>>, %arg6: memref<5x2x80xi32, #tpu.memory_space<vmem>>, %arg7: memref<3x80x128xf32, #tpu.memory_space<vmem>>, %arg8: memref<10048x128xf32, #tpu.memory_space<vmem_shared>>, %arg9: memref<3x!tpu.dma_semaphore, #tpu.memory_space<semaphore_mem>>, %arg10: memref<3x!tpu.dma_semaphore, #tpu.memory_space<semaphore_mem>>, %arg11: memref<5x!tpu.dma_semaphore, #tpu.memory_space<semaphore_mem>>) attributes {dimension_semantics = [#tpu.dimension_semantics<core_parallel>, #tpu.dimension_semantics<subcore_parallel>], iteration_bounds = array<i64: 2, 16>, scalar_prefetch = 0 : i64, scratch_operands = 6 : i64, tpu.core_type = #tpu.core_type<sc_vector_subcore>, window_params = [{transform_indices = #map}, {transform_indices = #map1}, {transform_indices = #map}, {transform_indices = #map2}]} {
    %mul3A = arith.constant 2 : i32
    %mul3A_0 = arith.muli %arg1, %mul3A : i32
    %add3A = arith.addi %mul3A_0, %arg0 : i32
    %lt3A = arith.constant 8 : i32
    %lt3A_1 = arith.cmpi slt, %arg1, %lt3A : i32
    %convert_element_type3A = arith.extui %lt3A_1 : i1 to i32
    %cond3A = arith.constant 0 : i32
    %cond3A_2 = arith.cmpi ne, %convert_element_type3A, %cond3A : i32
    scf.if %cond3A_2 {
      %mul3A_192 = arith.constant 1256 : i32
      %mul3A_193 = arith.muli %arg1, %mul3A_192 : i32
      "tpu.region"() ({
        %run_scoped3A = tpu.sem_alloc : memref<!tpu.dma_semaphore, #tpu.memory_space<semaphore_mem>>
        %dma_start3A_194 = arith.constant 0 : i32
        %dma_start3A_195 = tpu.memref_slice %arg8[%mul3A_193, %dma_start3A_194] : memref<10048x128xf32, #tpu.memory_space<vmem_shared>> -> memref<1256x128xf32, #tpu.memory_space<vmem_shared>>
        tpu.enqueue_dma source(%arg4 : memref<1256x128xf32, #tpu.memory_space<hbm>>) target(%dma_start3A_195 : memref<1256x128xf32, #tpu.memory_space<vmem_shared>>) target_semaphore(%run_scoped3A : memref<!tpu.dma_semaphore, #tpu.memory_space<semaphore_mem>>)
        %dma_wait3A_196 = arith.constant 0 : i32
        %dma_wait3A_197 = tpu.memref_slice %arg8[%mul3A_193, %dma_wait3A_196] : memref<10048x128xf32, #tpu.memory_space<vmem_shared>> -> memref<1256x128xf32, #tpu.memory_space<vmem_shared>>
        tpu.wait_dma2 semaphore(%run_scoped3A : memref<!tpu.dma_semaphore, #tpu.memory_space<semaphore_mem>>) src(%arg4 : memref<1256x128xf32, #tpu.memory_space<hbm>>) dst(%dma_wait3A_197 : memref<1256x128xf32, #tpu.memory_space<vmem_shared>>)
        tpu.yield
      }) : () -> ()
    } else {
    }
    %dma_start3A = arith.constant 0 : i32
    %dma_start3A_3 = arith.constant 0 : i32
    %dma_start3A_4 = arith.constant 0 : i32
    %dma_start3A_5 = arith.constant 0 : i32
    %dma_start3A_6 = arith.constant 0 : i32
    %dma_start3A_7 = tpu.memref_slice %arg6[%dma_start3A_3, %dma_start3A_5, %dma_start3A_6] : memref<5x2x80xi32, #tpu.memory_space<vmem>> -> memref<1x2x80xi32, #tpu.memory_space<vmem>>
    %dma_start3A_8 = tpu.memref_squeeze %dma_start3A_7 : memref<1x2x80xi32, #tpu.memory_space<vmem>> -> memref<2x80xi32, #tpu.memory_space<vmem>>
    %dma_start3A_9 = arith.constant 0 : i32
    %dma_start3A_10 = arith.constant 0 : i32
    %dma_start3A_11 = tpu.memref_slice %arg3[%add3A, %dma_start3A, %dma_start3A_9, %dma_start3A_10] : memref<32x126x2x80xi32, #tpu.memory_space<hbm>> -> memref<1x1x2x80xi32, #tpu.memory_space<hbm>>
    %dma_start3A_12 = tpu.memref_squeeze %dma_start3A_11 : memref<1x1x2x80xi32, #tpu.memory_space<hbm>> -> memref<2x80xi32, #tpu.memory_space<hbm>>
    %dma_start3A_13 = tpu.memref_slice %arg11[%dma_start3A_4] : memref<5x!tpu.dma_semaphore, #tpu.memory_space<semaphore_mem>> -> memref<1x!tpu.dma_semaphore, #tpu.memory_space<semaphore_mem>>
    %dma_start3A_14 = tpu.memref_squeeze %dma_start3A_13 : memref<1x!tpu.dma_semaphore, #tpu.memory_space<semaphore_mem>> -> memref<!tpu.dma_semaphore, #tpu.memory_space<semaphore_mem>>
    %dma_start3A_15 = arith.constant 0 : i32
    %dma_start3A_16 = arith.constant 0 : i32
    %dma_start3A_17 = tpu.memref_slice %arg6[%dma_start3A_3, %dma_start3A_15, %dma_start3A_16] : memref<5x2x80xi32, #tpu.memory_space<vmem>> -> memref<1x2x80xi32, #tpu.memory_space<vmem>>
    %dma_start3A_18 = tpu.memref_squeeze %dma_start3A_17 : memref<1x2x80xi32, #tpu.memory_space<vmem>> -> memref<2x80xi32, #tpu.memory_space<vmem>>
    %dma_start3A_19 = arith.constant 0 : i32
    %dma_start3A_20 = arith.constant 0 : i32
    %dma_start3A_21 = tpu.memref_slice %arg3[%add3A, %dma_start3A, %dma_start3A_19, %dma_start3A_20] : memref<32x126x2x80xi32, #tpu.memory_space<hbm>> -> memref<1x1x2x80xi32, #tpu.memory_space<hbm>>
    %dma_start3A_22 = tpu.memref_squeeze %dma_start3A_21 : memref<1x1x2x80xi32, #tpu.memory_space<hbm>> -> memref<2x80xi32, #tpu.memory_space<hbm>>
    tpu.enqueue_dma source(%dma_start3A_22 : memref<2x80xi32, #tpu.memory_space<hbm>>) target(%dma_start3A_18 : memref<2x80xi32, #tpu.memory_space<vmem>>) target_semaphore(%dma_start3A_14 : memref<!tpu.dma_semaphore, #tpu.memory_space<semaphore_mem>>)
    %dma_start3A_23 = arith.constant 1 : i32
    %dma_start3A_24 = arith.constant 1 : i32
    %dma_start3A_25 = arith.constant 1 : i32
    %dma_start3A_26 = arith.constant 0 : i32
    %dma_start3A_27 = arith.constant 0 : i32
    %dma_start3A_28 = tpu.memref_slice %arg6[%dma_start3A_24, %dma_start3A_26, %dma_start3A_27] : memref<5x2x80xi32, #tpu.memory_space<vmem>> -> memref<1x2x80xi32, #tpu.memory_space<vmem>>
    %dma_start3A_29 = tpu.memref_squeeze %dma_start3A_28 : memref<1x2x80xi32, #tpu.memory_space<vmem>> -> memref<2x80xi32, #tpu.memory_space<vmem>>
    %dma_start3A_30 = arith.constant 0 : i32
    %dma_start3A_31 = arith.constant 0 : i32
    %dma_start3A_32 = tpu.memref_slice %arg3[%add3A, %dma_start3A_23, %dma_start3A_30, %dma_start3A_31] : memref<32x126x2x80xi32, #tpu.memory_space<hbm>> -> memref<1x1x2x80xi32, #tpu.memory_space<hbm>>
    %dma_start3A_33 = tpu.memref_squeeze %dma_start3A_32 : memref<1x1x2x80xi32, #tpu.memory_space<hbm>> -> memref<2x80xi32, #tpu.memory_space<hbm>>
    %dma_start3A_34 = tpu.memref_slice %arg11[%dma_start3A_25] : memref<5x!tpu.dma_semaphore, #tpu.memory_space<semaphore_mem>> -> memref<1x!tpu.dma_semaphore, #tpu.memory_space<semaphore_mem>>
    %dma_start3A_35 = tpu.memref_squeeze %dma_start3A_34 : memref<1x!tpu.dma_semaphore, #tpu.memory_space<semaphore_mem>> -> memref<!tpu.dma_semaphore, #tpu.memory_space<semaphore_mem>>
    %dma_start3A_36 = arith.constant 0 : i32
    %dma_start3A_37 = arith.constant 0 : i32
    %dma_start3A_38 = tpu.memref_slice %arg6[%dma_start3A_24, %dma_start3A_36, %dma_start3A_37] : memref<5x2x80xi32, #tpu.memory_space<vmem>> -> memref<1x2x80xi32, #tpu.memory_space<vmem>>
    %dma_start3A_39 = tpu.memref_squeeze %dma_start3A_38 : memref<1x2x80xi32, #tpu.memory_space<vmem>> -> memref<2x80xi32, #tpu.memory_space<vmem>>
    %dma_start3A_40 = arith.constant 0 : i32
    %dma_start3A_41 = arith.constant 0 : i32
    %dma_start3A_42 = tpu.memref_slice %arg3[%add3A, %dma_start3A_23, %dma_start3A_40, %dma_start3A_41] : memref<32x126x2x80xi32, #tpu.memory_space<hbm>> -> memref<1x1x2x80xi32, #tpu.memory_space<hbm>>
    %dma_start3A_43 = tpu.memref_squeeze %dma_start3A_42 : memref<1x1x2x80xi32, #tpu.memory_space<hbm>> -> memref<2x80xi32, #tpu.memory_space<hbm>>
    tpu.enqueue_dma source(%dma_start3A_43 : memref<2x80xi32, #tpu.memory_space<hbm>>) target(%dma_start3A_39 : memref<2x80xi32, #tpu.memory_space<vmem>>) target_semaphore(%dma_start3A_35 : memref<!tpu.dma_semaphore, #tpu.memory_space<semaphore_mem>>)
    %dma_start3A_44 = arith.constant 2 : i32
    %dma_start3A_45 = arith.constant 2 : i32
    %dma_start3A_46 = arith.constant 2 : i32
    %dma_start3A_47 = arith.constant 0 : i32
    %dma_start3A_48 = arith.constant 0 : i32
    %dma_start3A_49 = tpu.memref_slice %arg6[%dma_start3A_45, %dma_start3A_47, %dma_start3A_48] : memref<5x2x80xi32, #tpu.memory_space<vmem>> -> memref<1x2x80xi32, #tpu.memory_space<vmem>>
    %dma_start3A_50 = tpu.memref_squeeze %dma_start3A_49 : memref<1x2x80xi32, #tpu.memory_space<vmem>> -> memref<2x80xi32, #tpu.memory_space<vmem>>
    %dma_start3A_51 = arith.constant 0 : i32
    %dma_start3A_52 = arith.constant 0 : i32
    %dma_start3A_53 = tpu.memref_slice %arg3[%add3A, %dma_start3A_44, %dma_start3A_51, %dma_start3A_52] : memref<32x126x2x80xi32, #tpu.memory_space<hbm>> -> memref<1x1x2x80xi32, #tpu.memory_space<hbm>>
    %dma_start3A_54 = tpu.memref_squeeze %dma_start3A_53 : memref<1x1x2x80xi32, #tpu.memory_space<hbm>> -> memref<2x80xi32, #tpu.memory_space<hbm>>
    %dma_start3A_55 = tpu.memref_slice %arg11[%dma_start3A_46] : memref<5x!tpu.dma_semaphore, #tpu.memory_space<semaphore_mem>> -> memref<1x!tpu.dma_semaphore, #tpu.memory_space<semaphore_mem>>
    %dma_start3A_56 = tpu.memref_squeeze %dma_start3A_55 : memref<1x!tpu.dma_semaphore, #tpu.memory_space<semaphore_mem>> -> memref<!tpu.dma_semaphore, #tpu.memory_space<semaphore_mem>>
    %dma_start3A_57 = arith.constant 0 : i32
    %dma_start3A_58 = arith.constant 0 : i32
    %dma_start3A_59 = tpu.memref_slice %arg6[%dma_start3A_45, %dma_start3A_57, %dma_start3A_58] : memref<5x2x80xi32, #tpu.memory_space<vmem>> -> memref<1x2x80xi32, #tpu.memory_space<vmem>>
    %dma_start3A_60 = tpu.memref_squeeze %dma_start3A_59 : memref<1x2x80xi32, #tpu.memory_space<vmem>> -> memref<2x80xi32, #tpu.memory_space<vmem>>
    %dma_start3A_61 = arith.constant 0 : i32
    %dma_start3A_62 = arith.constant 0 : i32
    %dma_start3A_63 = tpu.memref_slice %arg3[%add3A, %dma_start3A_44, %dma_start3A_61, %dma_start3A_62] : memref<32x126x2x80xi32, #tpu.memory_space<hbm>> -> memref<1x1x2x80xi32, #tpu.memory_space<hbm>>
    %dma_start3A_64 = tpu.memref_squeeze %dma_start3A_63 : memref<1x1x2x80xi32, #tpu.memory_space<hbm>> -> memref<2x80xi32, #tpu.memory_space<hbm>>
    tpu.enqueue_dma source(%dma_start3A_64 : memref<2x80xi32, #tpu.memory_space<hbm>>) target(%dma_start3A_60 : memref<2x80xi32, #tpu.memory_space<vmem>>) target_semaphore(%dma_start3A_56 : memref<!tpu.dma_semaphore, #tpu.memory_space<semaphore_mem>>)
    %dma_start3A_65 = arith.constant 3 : i32
    %dma_start3A_66 = arith.constant 3 : i32
    %dma_start3A_67 = arith.constant 3 : i32
    %dma_start3A_68 = arith.constant 0 : i32
    %dma_start3A_69 = arith.constant 0 : i32
    %dma_start3A_70 = tpu.memref_slice %arg6[%dma_start3A_66, %dma_start3A_68, %dma_start3A_69] : memref<5x2x80xi32, #tpu.memory_space<vmem>> -> memref<1x2x80xi32, #tpu.memory_space<vmem>>
    %dma_start3A_71 = tpu.memref_squeeze %dma_start3A_70 : memref<1x2x80xi32, #tpu.memory_space<vmem>> -> memref<2x80xi32, #tpu.memory_space<vmem>>
    %dma_start3A_72 = arith.constant 0 : i32
    %dma_start3A_73 = arith.constant 0 : i32
    %dma_start3A_74 = tpu.memref_slice %arg3[%add3A, %dma_start3A_65, %dma_start3A_72, %dma_start3A_73] : memref<32x126x2x80xi32, #tpu.memory_space<hbm>> -> memref<1x1x2x80xi32, #tpu.memory_space<hbm>>
    %dma_start3A_75 = tpu.memref_squeeze %dma_start3A_74 : memref<1x1x2x80xi32, #tpu.memory_space<hbm>> -> memref<2x80xi32, #tpu.memory_space<hbm>>
    %dma_start3A_76 = tpu.memref_slice %arg11[%dma_start3A_67] : memref<5x!tpu.dma_semaphore, #tpu.memory_space<semaphore_mem>> -> memref<1x!tpu.dma_semaphore, #tpu.memory_space<semaphore_mem>>
    %dma_start3A_77 = tpu.memref_squeeze %dma_start3A_76 : memref<1x!tpu.dma_semaphore, #tpu.memory_space<semaphore_mem>> -> memref<!tpu.dma_semaphore, #tpu.memory_space<semaphore_mem>>
    %dma_start3A_78 = arith.constant 0 : i32
    %dma_start3A_79 = arith.constant 0 : i32
    %dma_start3A_80 = tpu.memref_slice %arg6[%dma_start3A_66, %dma_start3A_78, %dma_start3A_79] : memref<5x2x80xi32, #tpu.memory_space<vmem>> -> memref<1x2x80xi32, #tpu.memory_space<vmem>>
    %dma_start3A_81 = tpu.memref_squeeze %dma_start3A_80 : memref<1x2x80xi32, #tpu.memory_space<vmem>> -> memref<2x80xi32, #tpu.memory_space<vmem>>
    %dma_start3A_82 = arith.constant 0 : i32
    %dma_start3A_83 = arith.constant 0 : i32
    %dma_start3A_84 = tpu.memref_slice %arg3[%add3A, %dma_start3A_65, %dma_start3A_82, %dma_start3A_83] : memref<32x126x2x80xi32, #tpu.memory_space<hbm>> -> memref<1x1x2x80xi32, #tpu.memory_space<hbm>>
    %dma_start3A_85 = tpu.memref_squeeze %dma_start3A_84 : memref<1x1x2x80xi32, #tpu.memory_space<hbm>> -> memref<2x80xi32, #tpu.memory_space<hbm>>
    tpu.enqueue_dma source(%dma_start3A_85 : memref<2x80xi32, #tpu.memory_space<hbm>>) target(%dma_start3A_81 : memref<2x80xi32, #tpu.memory_space<vmem>>) target_semaphore(%dma_start3A_77 : memref<!tpu.dma_semaphore, #tpu.memory_space<semaphore_mem>>)
    %dma_wait3A = arith.constant 0 : i32
    %dma_wait3A_86 = arith.constant 0 : i32
    %dma_wait3A_87 = arith.constant 0 : i32
    %dma_wait3A_88 = arith.constant 0 : i32
    %dma_wait3A_89 = arith.constant 0 : i32
    %dma_wait3A_90 = tpu.memref_slice %arg6[%dma_wait3A_86, %dma_wait3A_88, %dma_wait3A_89] : memref<5x2x80xi32, #tpu.memory_space<vmem>> -> memref<1x2x80xi32, #tpu.memory_space<vmem>>
    %dma_wait3A_91 = tpu.memref_squeeze %dma_wait3A_90 : memref<1x2x80xi32, #tpu.memory_space<vmem>> -> memref<2x80xi32, #tpu.memory_space<vmem>>
    %dma_wait3A_92 = arith.constant 0 : i32
    %dma_wait3A_93 = arith.constant 0 : i32
    %dma_wait3A_94 = tpu.memref_slice %arg3[%add3A, %dma_wait3A, %dma_wait3A_92, %dma_wait3A_93] : memref<32x126x2x80xi32, #tpu.memory_space<hbm>> -> memref<1x1x2x80xi32, #tpu.memory_space<hbm>>
    %dma_wait3A_95 = tpu.memref_squeeze %dma_wait3A_94 : memref<1x1x2x80xi32, #tpu.memory_space<hbm>> -> memref<2x80xi32, #tpu.memory_space<hbm>>
    %dma_wait3A_96 = tpu.memref_slice %arg11[%dma_wait3A_87] : memref<5x!tpu.dma_semaphore, #tpu.memory_space<semaphore_mem>> -> memref<1x!tpu.dma_semaphore, #tpu.memory_space<semaphore_mem>>
    %dma_wait3A_97 = tpu.memref_squeeze %dma_wait3A_96 : memref<1x!tpu.dma_semaphore, #tpu.memory_space<semaphore_mem>> -> memref<!tpu.dma_semaphore, #tpu.memory_space<semaphore_mem>>
    %dma_wait3A_98 = arith.constant 0 : i32
    %dma_wait3A_99 = arith.constant 0 : i32
    %dma_wait3A_100 = tpu.memref_slice %arg6[%dma_wait3A_86, %dma_wait3A_98, %dma_wait3A_99] : memref<5x2x80xi32, #tpu.memory_space<vmem>> -> memref<1x2x80xi32, #tpu.memory_space<vmem>>
    %dma_wait3A_101 = tpu.memref_squeeze %dma_wait3A_100 : memref<1x2x80xi32, #tpu.memory_space<vmem>> -> memref<2x80xi32, #tpu.memory_space<vmem>>
    %dma_wait3A_102 = arith.constant 0 : i32
    %dma_wait3A_103 = arith.constant 0 : i32
    %dma_wait3A_104 = tpu.memref_slice %arg3[%add3A, %dma_wait3A, %dma_wait3A_102, %dma_wait3A_103] : memref<32x126x2x80xi32, #tpu.memory_space<hbm>> -> memref<1x1x2x80xi32, #tpu.memory_space<hbm>>
    %dma_wait3A_105 = tpu.memref_squeeze %dma_wait3A_104 : memref<1x1x2x80xi32, #tpu.memory_space<hbm>> -> memref<2x80xi32, #tpu.memory_space<hbm>>
    tpu.wait_dma2 semaphore(%dma_wait3A_97 : memref<!tpu.dma_semaphore, #tpu.memory_space<semaphore_mem>>) src(%dma_wait3A_105 : memref<2x80xi32, #tpu.memory_space<hbm>>) dst(%dma_wait3A_101 : memref<2x80xi32, #tpu.memory_space<vmem>>)
    %rem3A = arith.constant 0 : i32
    %rem3A_106 = arith.constant 5 : i32
    %rem3A_107 = arith.remsi %rem3A, %rem3A_106 : i32
    %dma_start3A_108 = arith.constant 0 : i32
    %dma_start3A_109 = arith.constant 0 : i32
    %dma_start3A_110 = arith.constant 0 : i32
    %dma_start3A_111 = arith.constant 0 : i32
    %dma_start3A_112 = arith.constant 0 : i32
    %dma_start3A_113 = tpu.memref_slice %arg7[%dma_start3A_109, %dma_start3A_111, %dma_start3A_112] : memref<3x80x128xf32, #tpu.memory_space<vmem>> -> memref<1x80x128xf32, #tpu.memory_space<vmem>>
    %dma_start3A_114 = tpu.memref_squeeze %dma_start3A_113 : memref<1x80x128xf32, #tpu.memory_space<vmem>> -> memref<80x128xf32, #tpu.memory_space<vmem>>
    %dma_start3A_115 = arith.constant 0 : i32
    %dma_start3A_116 = tpu.memref_slice %arg6[%rem3A_107, %dma_start3A_108, %dma_start3A_115] : memref<5x2x80xi32, #tpu.memory_space<vmem>> -> memref<1x1x80xi32, #tpu.memory_space<vmem>>
    %dma_start3A_117 = tpu.memref_squeeze %dma_start3A_116 : memref<1x1x80xi32, #tpu.memory_space<vmem>> -> memref<80xi32, #tpu.memory_space<vmem>>
    %dma_start3A_118 = arith.constant 0 : i32
    %dma_start3A_119 = arith.constant 0 : i32
    %dma_start3A_120 = tpu.memref_slice %arg2[%dma_start3A_118, %dma_start3A_119] : memref<10240x128xf32, #tpu.memory_space<hbm>> -> memref<10240x128xf32, #tpu.memory_space<hbm>>
    %dma_start3A_121 = tpu.memref_slice %arg9[%dma_start3A_110] : memref<3x!tpu.dma_semaphore, #tpu.memory_space<semaphore_mem>> -> memref<1x!tpu.dma_semaphore, #tpu.memory_space<semaphore_mem>>
    %dma_start3A_122 = tpu.memref_squeeze %dma_start3A_121 : memref<1x!tpu.dma_semaphore, #tpu.memory_space<semaphore_mem>> -> memref<!tpu.dma_semaphore, #tpu.memory_space<semaphore_mem>>
    tpu.enqueue_indirect_dma source(%dma_start3A_120 : memref<10240x128xf32, #tpu.memory_space<hbm>>) target(%dma_start3A_114 : memref<80x128xf32, #tpu.memory_space<vmem>>) offsets(%dma_start3A_117 : memref<80xi32, #tpu.memory_space<vmem>>) semaphore(%dma_start3A_122 : memref<!tpu.dma_semaphore, #tpu.memory_space<semaphore_mem>>)
    %dma_wait3A_123 = arith.constant 1 : i32
    %dma_wait3A_124 = arith.constant 1 : i32
    %dma_wait3A_125 = arith.constant 1 : i32
    %dma_wait3A_126 = arith.constant 0 : i32
    %dma_wait3A_127 = arith.constant 0 : i32
    %dma_wait3A_128 = tpu.memref_slice %arg6[%dma_wait3A_124, %dma_wait3A_126, %dma_wait3A_127] : memref<5x2x80xi32, #tpu.memory_space<vmem>> -> memref<1x2x80xi32, #tpu.memory_space<vmem>>
    %dma_wait3A_129 = tpu.memref_squeeze %dma_wait3A_128 : memref<1x2x80xi32, #tpu.memory_space<vmem>> -> memref<2x80xi32, #tpu.memory_space<vmem>>
    %dma_wait3A_130 = arith.constant 0 : i32
    %dma_wait3A_131 = arith.constant 0 : i32
    %dma_wait3A_132 = tpu.memref_slice %arg3[%add3A, %dma_wait3A_123, %dma_wait3A_130, %dma_wait3A_131] : memref<32x126x2x80xi32, #tpu.memory_space<hbm>> -> memref<1x1x2x80xi32, #tpu.memory_space<hbm>>
    %dma_wait3A_133 = tpu.memref_squeeze %dma_wait3A_132 : memref<1x1x2x80xi32, #tpu.memory_space<hbm>> -> memref<2x80xi32, #tpu.memory_space<hbm>>
    %dma_wait3A_134 = tpu.memref_slice %arg11[%dma_wait3A_125] : memref<5x!tpu.dma_semaphore, #tpu.memory_space<semaphore_mem>> -> memref<1x!tpu.dma_semaphore, #tpu.memory_space<semaphore_mem>>
    %dma_wait3A_135 = tpu.memref_squeeze %dma_wait3A_134 : memref<1x!tpu.dma_semaphore, #tpu.memory_space<semaphore_mem>> -> memref<!tpu.dma_semaphore, #tpu.memory_space<semaphore_mem>>
    %dma_wait3A_136 = arith.constant 0 : i32
    %dma_wait3A_137 = arith.constant 0 : i32
    %dma_wait3A_138 = tpu.memref_slice %arg6[%dma_wait3A_124, %dma_wait3A_136, %dma_wait3A_137] : memref<5x2x80xi32, #tpu.memory_space<vmem>> -> memref<1x2x80xi32, #tpu.memory_space<vmem>>
    %dma_wait3A_139 = tpu.memref_squeeze %dma_wait3A_138 : memref<1x2x80xi32, #tpu.memory_space<vmem>> -> memref<2x80xi32, #tpu.memory_space<vmem>>
    %dma_wait3A_140 = arith.constant 0 : i32
    %dma_wait3A_141 = arith.constant 0 : i32
    %dma_wait3A_142 = tpu.memref_slice %arg3[%add3A, %dma_wait3A_123, %dma_wait3A_140, %dma_wait3A_141] : memref<32x126x2x80xi32, #tpu.memory_space<hbm>> -> memref<1x1x2x80xi32, #tpu.memory_space<hbm>>
    %dma_wait3A_143 = tpu.memref_squeeze %dma_wait3A_142 : memref<1x1x2x80xi32, #tpu.memory_space<hbm>> -> memref<2x80xi32, #tpu.memory_space<hbm>>
    tpu.wait_dma2 semaphore(%dma_wait3A_135 : memref<!tpu.dma_semaphore, #tpu.memory_space<semaphore_mem>>) src(%dma_wait3A_143 : memref<2x80xi32, #tpu.memory_space<hbm>>) dst(%dma_wait3A_139 : memref<2x80xi32, #tpu.memory_space<vmem>>)
    %rem3A_144 = arith.constant 1 : i32
    %rem3A_145 = arith.constant 5 : i32
    %rem3A_146 = arith.remsi %rem3A_144, %rem3A_145 : i32
    %dma_start3A_147 = arith.constant 0 : i32
    %dma_start3A_148 = arith.constant 1 : i32
    %dma_start3A_149 = arith.constant 1 : i32
    %dma_start3A_150 = arith.constant 0 : i32
    %dma_start3A_151 = arith.constant 0 : i32
    %dma_start3A_152 = tpu.memref_slice %arg7[%dma_start3A_148, %dma_start3A_150, %dma_start3A_151] : memref<3x80x128xf32, #tpu.memory_space<vmem>> -> memref<1x80x128xf32, #tpu.memory_space<vmem>>
    %dma_start3A_153 = tpu.memref_squeeze %dma_start3A_152 : memref<1x80x128xf32, #tpu.memory_space<vmem>> -> memref<80x128xf32, #tpu.memory_space<vmem>>
    %dma_start3A_154 = arith.constant 0 : i32
    %dma_start3A_155 = tpu.memref_slice %arg6[%rem3A_146, %dma_start3A_147, %dma_start3A_154] : memref<5x2x80xi32, #tpu.memory_space<vmem>> -> memref<1x1x80xi32, #tpu.memory_space<vmem>>
    %dma_start3A_156 = tpu.memref_squeeze %dma_start3A_155 : memref<1x1x80xi32, #tpu.memory_space<vmem>> -> memref<80xi32, #tpu.memory_space<vmem>>
    %dma_start3A_157 = arith.constant 0 : i32
    %dma_start3A_158 = arith.constant 0 : i32
    %dma_start3A_159 = tpu.memref_slice %arg2[%dma_start3A_157, %dma_start3A_158] : memref<10240x128xf32, #tpu.memory_space<hbm>> -> memref<10240x128xf32, #tpu.memory_space<hbm>>
    %dma_start3A_160 = tpu.memref_slice %arg9[%dma_start3A_149] : memref<3x!tpu.dma_semaphore, #tpu.memory_space<semaphore_mem>> -> memref<1x!tpu.dma_semaphore, #tpu.memory_space<semaphore_mem>>
    %dma_start3A_161 = tpu.memref_squeeze %dma_start3A_160 : memref<1x!tpu.dma_semaphore, #tpu.memory_space<semaphore_mem>> -> memref<!tpu.dma_semaphore, #tpu.memory_space<semaphore_mem>>
    tpu.enqueue_indirect_dma source(%dma_start3A_159 : memref<10240x128xf32, #tpu.memory_space<hbm>>) target(%dma_start3A_153 : memref<80x128xf32, #tpu.memory_space<vmem>>) offsets(%dma_start3A_156 : memref<80xi32, #tpu.memory_space<vmem>>) semaphore(%dma_start3A_161 : memref<!tpu.dma_semaphore, #tpu.memory_space<semaphore_mem>>)
    %barrier3A = arith.constant 0 : index
    tpu.barrier barrier_id(%barrier3A)
    %scan3A = arith.constant 0 : i32
    %scan3A_162 = arith.constant 0 : i32
    %scan3A_163 = arith.constant 126 : i32
    %scan3A_164 = arith.addi %scan3A_162, %scan3A_163 : i32
    %scan3A_165 = arith.constant 1 : i32
    scf.for %scan3A_192 = %scan3A_162 to %scan3A_164 step %scan3A_165  : i32 {
      %rem3A_193 = arith.constant 3 : i32
      %rem3A_194 = arith.remsi %scan3A_192, %rem3A_193 : i32
      %rem3A_195 = arith.constant 5 : i32
      %rem3A_196 = arith.remsi %scan3A_192, %rem3A_195 : i32
      %dma_wait3A_197 = arith.constant 0 : i32
      %dma_wait3A_198 = arith.constant 0 : i32
      %dma_wait3A_199 = arith.constant 0 : i32
      %dma_wait3A_200 = tpu.memref_slice %arg7[%rem3A_194, %dma_wait3A_198, %dma_wait3A_199] : memref<3x80x128xf32, #tpu.memory_space<vmem>> -> memref<1x80x128xf32, #tpu.memory_space<vmem>>
      %dma_wait3A_201 = tpu.memref_squeeze %dma_wait3A_200 : memref<1x80x128xf32, #tpu.memory_space<vmem>> -> memref<80x128xf32, #tpu.memory_space<vmem>>
      %dma_wait3A_202 = arith.constant 0 : i32
      %dma_wait3A_203 = tpu.memref_slice %arg6[%rem3A_196, %dma_wait3A_197, %dma_wait3A_202] : memref<5x2x80xi32, #tpu.memory_space<vmem>> -> memref<1x1x80xi32, #tpu.memory_space<vmem>>
      %dma_wait3A_204 = tpu.memref_squeeze %dma_wait3A_203 : memref<1x1x80xi32, #tpu.memory_space<vmem>> -> memref<80xi32, #tpu.memory_space<vmem>>
      %dma_wait3A_205 = arith.constant 0 : i32
      %dma_wait3A_206 = arith.constant 0 : i32
      %dma_wait3A_207 = tpu.memref_slice %arg2[%dma_wait3A_205, %dma_wait3A_206] : memref<10240x128xf32, #tpu.memory_space<hbm>> -> memref<10240x128xf32, #tpu.memory_space<hbm>>
      %dma_wait3A_208 = tpu.memref_slice %arg9[%rem3A_194] : memref<3x!tpu.dma_semaphore, #tpu.memory_space<semaphore_mem>> -> memref<1x!tpu.dma_semaphore, #tpu.memory_space<semaphore_mem>>
      %dma_wait3A_209 = tpu.memref_squeeze %dma_wait3A_208 : memref<1x!tpu.dma_semaphore, #tpu.memory_space<semaphore_mem>> -> memref<!tpu.dma_semaphore, #tpu.memory_space<semaphore_mem>>
      tpu.wait_indirect_dma semaphore(%dma_wait3A_209 : memref<!tpu.dma_semaphore, #tpu.memory_space<semaphore_mem>>) src(%dma_wait3A_207 : memref<10240x128xf32, #tpu.memory_space<hbm>>) dst(%dma_wait3A_201 : memref<80x128xf32, #tpu.memory_space<vmem>>)
      %rem3A_210 = arith.constant 5 : i32
      %rem3A_211 = arith.remsi %scan3A_192, %rem3A_210 : i32
      %dma_start3A_212 = arith.constant 1 : i32
      %dma_start3A_213 = arith.constant 0 : i32
      %dma_start3A_214 = arith.constant 0 : i32
      %dma_start3A_215 = tpu.memref_slice %arg7[%rem3A_194, %dma_start3A_213, %dma_start3A_214] : memref<3x80x128xf32, #tpu.memory_space<vmem>> -> memref<1x80x128xf32, #tpu.memory_space<vmem>>
      %dma_start3A_216 = tpu.memref_squeeze %dma_start3A_215 : memref<1x80x128xf32, #tpu.memory_space<vmem>> -> memref<80x128xf32, #tpu.memory_space<vmem>>
      %dma_start3A_217 = arith.constant 0 : i32
      %dma_start3A_218 = tpu.memref_slice %arg6[%rem3A_211, %dma_start3A_212, %dma_start3A_217] : memref<5x2x80xi32, #tpu.memory_space<vmem>> -> memref<1x1x80xi32, #tpu.memory_space<vmem>>
      %dma_start3A_219 = tpu.memref_squeeze %dma_start3A_218 : memref<1x1x80xi32, #tpu.memory_space<vmem>> -> memref<80xi32, #tpu.memory_space<vmem>>
      %dma_start3A_220 = arith.constant 0 : i32
      %dma_start3A_221 = arith.constant 0 : i32
      %dma_start3A_222 = tpu.memref_slice %arg8[%dma_start3A_220, %dma_start3A_221] : memref<10048x128xf32, #tpu.memory_space<vmem_shared>> -> memref<10048x128xf32, #tpu.memory_space<vmem_shared>>
      %dma_start3A_223 = tpu.memref_slice %arg10[%rem3A_194] : memref<3x!tpu.dma_semaphore, #tpu.memory_space<semaphore_mem>> -> memref<1x!tpu.dma_semaphore, #tpu.memory_space<semaphore_mem>>
      %dma_start3A_224 = tpu.memref_squeeze %dma_start3A_223 : memref<1x!tpu.dma_semaphore, #tpu.memory_space<semaphore_mem>> -> memref<!tpu.dma_semaphore, #tpu.memory_space<semaphore_mem>>
      tpu.enqueue_indirect_dma source(%dma_start3A_216 : memref<80x128xf32, #tpu.memory_space<vmem>>) target(%dma_start3A_222 : memref<10048x128xf32, #tpu.memory_space<vmem_shared>>) offsets(%dma_start3A_219 : memref<80xi32, #tpu.memory_space<vmem>>) semaphore(%dma_start3A_224 : memref<!tpu.dma_semaphore, #tpu.memory_space<semaphore_mem>>) {add = true}
      %ge3A = arith.constant 1 : i32
      %ge3A_225 = arith.cmpi sge, %scan3A_192, %ge3A : i32
      %convert_element_type3A_226 = arith.extui %ge3A_225 : i1 to i32
      %cond3A_227 = arith.constant 0 : i32
      %cond3A_228 = arith.cmpi ne, %convert_element_type3A_226, %cond3A_227 : i32
      scf.if %cond3A_228 {
        %sub3A = arith.constant 1 : i32
        %sub3A_243 = arith.subi %scan3A_192, %sub3A : i32
        %sub3A_244 = arith.constant 1 : i32
        %sub3A_245 = arith.subi %scan3A_192, %sub3A_244 : i32
        %rem3A_246 = arith.constant 3 : i32
        %rem3A_247 = arith.remsi %sub3A_245, %rem3A_246 : i32
        %rem3A_248 = arith.constant 5 : i32
        %rem3A_249 = arith.remsi %sub3A_243, %rem3A_248 : i32
        %dma_wait3A_250 = arith.constant 1 : i32
        %dma_wait3A_251 = arith.constant 0 : i32
        %dma_wait3A_252 = arith.constant 0 : i32
        %dma_wait3A_253 = tpu.memref_slice %arg7[%rem3A_247, %dma_wait3A_251, %dma_wait3A_252] : memref<3x80x128xf32, #tpu.memory_space<vmem>> -> memref<1x80x128xf32, #tpu.memory_space<vmem>>
        %dma_wait3A_254 = tpu.memref_squeeze %dma_wait3A_253 : memref<1x80x128xf32, #tpu.memory_space<vmem>> -> memref<80x128xf32, #tpu.memory_space<vmem>>
        %dma_wait3A_255 = arith.constant 0 : i32
        %dma_wait3A_256 = tpu.memref_slice %arg6[%rem3A_249, %dma_wait3A_250, %dma_wait3A_255] : memref<5x2x80xi32, #tpu.memory_space<vmem>> -> memref<1x1x80xi32, #tpu.memory_space<vmem>>
        %dma_wait3A_257 = tpu.memref_squeeze %dma_wait3A_256 : memref<1x1x80xi32, #tpu.memory_space<vmem>> -> memref<80xi32, #tpu.memory_space<vmem>>
        %dma_wait3A_258 = arith.constant 0 : i32
        %dma_wait3A_259 = arith.constant 0 : i32
        %dma_wait3A_260 = tpu.memref_slice %arg8[%dma_wait3A_258, %dma_wait3A_259] : memref<10048x128xf32, #tpu.memory_space<vmem_shared>> -> memref<10048x128xf32, #tpu.memory_space<vmem_shared>>
        %dma_wait3A_261 = tpu.memref_slice %arg10[%rem3A_247] : memref<3x!tpu.dma_semaphore, #tpu.memory_space<semaphore_mem>> -> memref<1x!tpu.dma_semaphore, #tpu.memory_space<semaphore_mem>>
        %dma_wait3A_262 = tpu.memref_squeeze %dma_wait3A_261 : memref<1x!tpu.dma_semaphore, #tpu.memory_space<semaphore_mem>> -> memref<!tpu.dma_semaphore, #tpu.memory_space<semaphore_mem>>
        tpu.wait_indirect_dma semaphore(%dma_wait3A_262 : memref<!tpu.dma_semaphore, #tpu.memory_space<semaphore_mem>>) src(%dma_wait3A_254 : memref<80x128xf32, #tpu.memory_space<vmem>>) dst(%dma_wait3A_260 : memref<10048x128xf32, #tpu.memory_space<vmem_shared>>)
      } else {
      }
      %add3A_229 = arith.constant 4 : i32
      %add3A_230 = arith.addi %scan3A_192, %add3A_229 : i32
      %lt3A_231 = arith.constant 126 : i32
      %lt3A_232 = arith.cmpi slt, %add3A_230, %lt3A_231 : i32
      %convert_element_type3A_233 = arith.extui %lt3A_232 : i1 to i32
      %cond3A_234 = arith.constant 0 : i32
      %cond3A_235 = arith.cmpi ne, %convert_element_type3A_233, %cond3A_234 : i32
      scf.if %cond3A_235 {
        %add3A_243 = arith.constant 4 : i32
        %add3A_244 = arith.addi %scan3A_192, %add3A_243 : i32
        %add3A_245 = arith.constant 4 : i32
        %add3A_246 = arith.addi %scan3A_192, %add3A_245 : i32
        %rem3A_247 = arith.constant 5 : i32
        %rem3A_248 = arith.remsi %add3A_246, %rem3A_247 : i32
        %dma_start3A_249 = arith.constant 0 : i32
        %dma_start3A_250 = arith.constant 0 : i32
        %dma_start3A_251 = tpu.memref_slice %arg6[%rem3A_248, %dma_start3A_249, %dma_start3A_250] : memref<5x2x80xi32, #tpu.memory_space<vmem>> -> memref<1x2x80xi32, #tpu.memory_space<vmem>>
        %dma_start3A_252 = tpu.memref_squeeze %dma_start3A_251 : memref<1x2x80xi32, #tpu.memory_space<vmem>> -> memref<2x80xi32, #tpu.memory_space<vmem>>
        %dma_start3A_253 = arith.constant 0 : i32
        %dma_start3A_254 = arith.constant 0 : i32
        %dma_start3A_255 = tpu.memref_slice %arg3[%add3A, %add3A_244, %dma_start3A_253, %dma_start3A_254] : memref<32x126x2x80xi32, #tpu.memory_space<hbm>> -> memref<1x1x2x80xi32, #tpu.memory_space<hbm>>
        %dma_start3A_256 = tpu.memref_squeeze %dma_start3A_255 : memref<1x1x2x80xi32, #tpu.memory_space<hbm>> -> memref<2x80xi32, #tpu.memory_space<hbm>>
        %dma_start3A_257 = tpu.memref_slice %arg11[%rem3A_248] : memref<5x!tpu.dma_semaphore, #tpu.memory_space<semaphore_mem>> -> memref<1x!tpu.dma_semaphore, #tpu.memory_space<semaphore_mem>>
        %dma_start3A_258 = tpu.memref_squeeze %dma_start3A_257 : memref<1x!tpu.dma_semaphore, #tpu.memory_space<semaphore_mem>> -> memref<!tpu.dma_semaphore, #tpu.memory_space<semaphore_mem>>
        %dma_start3A_259 = arith.constant 0 : i32
        %dma_start3A_260 = arith.constant 0 : i32
        %dma_start3A_261 = tpu.memref_slice %arg6[%rem3A_248, %dma_start3A_259, %dma_start3A_260] : memref<5x2x80xi32, #tpu.memory_space<vmem>> -> memref<1x2x80xi32, #tpu.memory_space<vmem>>
        %dma_start3A_262 = tpu.memref_squeeze %dma_start3A_261 : memref<1x2x80xi32, #tpu.memory_space<vmem>> -> memref<2x80xi32, #tpu.memory_space<vmem>>
        %dma_start3A_263 = arith.constant 0 : i32
        %dma_start3A_264 = arith.constant 0 : i32
        %dma_start3A_265 = tpu.memref_slice %arg3[%add3A, %add3A_244, %dma_start3A_263, %dma_start3A_264] : memref<32x126x2x80xi32, #tpu.memory_space<hbm>> -> memref<1x1x2x80xi32, #tpu.memory_space<hbm>>
        %dma_start3A_266 = tpu.memref_squeeze %dma_start3A_265 : memref<1x1x2x80xi32, #tpu.memory_space<hbm>> -> memref<2x80xi32, #tpu.memory_space<hbm>>
        tpu.enqueue_dma source(%dma_start3A_266 : memref<2x80xi32, #tpu.memory_space<hbm>>) target(%dma_start3A_262 : memref<2x80xi32, #tpu.memory_space<vmem>>) target_semaphore(%dma_start3A_258 : memref<!tpu.dma_semaphore, #tpu.memory_space<semaphore_mem>>)
      } else {
      }
      %add3A_236 = arith.constant 2 : i32
      %add3A_237 = arith.addi %scan3A_192, %add3A_236 : i32
      %lt3A_238 = arith.constant 126 : i32
      %lt3A_239 = arith.cmpi slt, %add3A_237, %lt3A_238 : i32
      %convert_element_type3A_240 = arith.extui %lt3A_239 : i1 to i32
      %cond3A_241 = arith.constant 0 : i32
      %cond3A_242 = arith.cmpi ne, %convert_element_type3A_240, %cond3A_241 : i32
      scf.if %cond3A_242 {
        %add3A_243 = arith.constant 2 : i32
        %add3A_244 = arith.addi %scan3A_192, %add3A_243 : i32
        %add3A_245 = arith.constant 2 : i32
        %add3A_246 = arith.addi %scan3A_192, %add3A_245 : i32
        %rem3A_247 = arith.constant 5 : i32
        %rem3A_248 = arith.remsi %add3A_246, %rem3A_247 : i32
        %dma_wait3A_249 = arith.constant 0 : i32
        %dma_wait3A_250 = arith.constant 0 : i32
        %dma_wait3A_251 = tpu.memref_slice %arg6[%rem3A_248, %dma_wait3A_249, %dma_wait3A_250] : memref<5x2x80xi32, #tpu.memory_space<vmem>> -> memref<1x2x80xi32, #tpu.memory_space<vmem>>
        %dma_wait3A_252 = tpu.memref_squeeze %dma_wait3A_251 : memref<1x2x80xi32, #tpu.memory_space<vmem>> -> memref<2x80xi32, #tpu.memory_space<vmem>>
        %dma_wait3A_253 = arith.constant 0 : i32
        %dma_wait3A_254 = arith.constant 0 : i32
        %dma_wait3A_255 = tpu.memref_slice %arg3[%add3A, %add3A_244, %dma_wait3A_253, %dma_wait3A_254] : memref<32x126x2x80xi32, #tpu.memory_space<hbm>> -> memref<1x1x2x80xi32, #tpu.memory_space<hbm>>
        %dma_wait3A_256 = tpu.memref_squeeze %dma_wait3A_255 : memref<1x1x2x80xi32, #tpu.memory_space<hbm>> -> memref<2x80xi32, #tpu.memory_space<hbm>>
        %dma_wait3A_257 = tpu.memref_slice %arg11[%rem3A_248] : memref<5x!tpu.dma_semaphore, #tpu.memory_space<semaphore_mem>> -> memref<1x!tpu.dma_semaphore, #tpu.memory_space<semaphore_mem>>
        %dma_wait3A_258 = tpu.memref_squeeze %dma_wait3A_257 : memref<1x!tpu.dma_semaphore, #tpu.memory_space<semaphore_mem>> -> memref<!tpu.dma_semaphore, #tpu.memory_space<semaphore_mem>>
        %dma_wait3A_259 = arith.constant 0 : i32
        %dma_wait3A_260 = arith.constant 0 : i32
        %dma_wait3A_261 = tpu.memref_slice %arg6[%rem3A_248, %dma_wait3A_259, %dma_wait3A_260] : memref<5x2x80xi32, #tpu.memory_space<vmem>> -> memref<1x2x80xi32, #tpu.memory_space<vmem>>
        %dma_wait3A_262 = tpu.memref_squeeze %dma_wait3A_261 : memref<1x2x80xi32, #tpu.memory_space<vmem>> -> memref<2x80xi32, #tpu.memory_space<vmem>>
        %dma_wait3A_263 = arith.constant 0 : i32
        %dma_wait3A_264 = arith.constant 0 : i32
        %dma_wait3A_265 = tpu.memref_slice %arg3[%add3A, %add3A_244, %dma_wait3A_263, %dma_wait3A_264] : memref<32x126x2x80xi32, #tpu.memory_space<hbm>> -> memref<1x1x2x80xi32, #tpu.memory_space<hbm>>
        %dma_wait3A_266 = tpu.memref_squeeze %dma_wait3A_265 : memref<1x1x2x80xi32, #tpu.memory_space<hbm>> -> memref<2x80xi32, #tpu.memory_space<hbm>>
        tpu.wait_dma2 semaphore(%dma_wait3A_258 : memref<!tpu.dma_semaphore, #tpu.memory_space<semaphore_mem>>) src(%dma_wait3A_266 : memref<2x80xi32, #tpu.memory_space<hbm>>) dst(%dma_wait3A_262 : memref<2x80xi32, #tpu.memory_space<vmem>>)
        %add3A_267 = arith.constant 2 : i32
        %add3A_268 = arith.addi %scan3A_192, %add3A_267 : i32
        %add3A_269 = arith.constant 2 : i32
        %add3A_270 = arith.addi %scan3A_192, %add3A_269 : i32
        %rem3A_271 = arith.constant 3 : i32
        %rem3A_272 = arith.remsi %add3A_270, %rem3A_271 : i32
        %rem3A_273 = arith.constant 5 : i32
        %rem3A_274 = arith.remsi %add3A_268, %rem3A_273 : i32
        %dma_start3A_275 = arith.constant 0 : i32
        %dma_start3A_276 = arith.constant 0 : i32
        %dma_start3A_277 = arith.constant 0 : i32
        %dma_start3A_278 = tpu.memref_slice %arg7[%rem3A_272, %dma_start3A_276, %dma_start3A_277] : memref<3x80x128xf32, #tpu.memory_space<vmem>> -> memref<1x80x128xf32, #tpu.memory_space<vmem>>
        %dma_start3A_279 = tpu.memref_squeeze %dma_start3A_278 : memref<1x80x128xf32, #tpu.memory_space<vmem>> -> memref<80x128xf32, #tpu.memory_space<vmem>>
        %dma_start3A_280 = arith.constant 0 : i32
        %dma_start3A_281 = tpu.memref_slice %arg6[%rem3A_274, %dma_start3A_275, %dma_start3A_280] : memref<5x2x80xi32, #tpu.memory_space<vmem>> -> memref<1x1x80xi32, #tpu.memory_space<vmem>>
        %dma_start3A_282 = tpu.memref_squeeze %dma_start3A_281 : memref<1x1x80xi32, #tpu.memory_space<vmem>> -> memref<80xi32, #tpu.memory_space<vmem>>
        %dma_start3A_283 = arith.constant 0 : i32
        %dma_start3A_284 = arith.constant 0 : i32
        %dma_start3A_285 = tpu.memref_slice %arg2[%dma_start3A_283, %dma_start3A_284] : memref<10240x128xf32, #tpu.memory_space<hbm>> -> memref<10240x128xf32, #tpu.memory_space<hbm>>
        %dma_start3A_286 = tpu.memref_slice %arg9[%rem3A_272] : memref<3x!tpu.dma_semaphore, #tpu.memory_space<semaphore_mem>> -> memref<1x!tpu.dma_semaphore, #tpu.memory_space<semaphore_mem>>
        %dma_start3A_287 = tpu.memref_squeeze %dma_start3A_286 : memref<1x!tpu.dma_semaphore, #tpu.memory_space<semaphore_mem>> -> memref<!tpu.dma_semaphore, #tpu.memory_space<semaphore_mem>>
        tpu.enqueue_indirect_dma source(%dma_start3A_285 : memref<10240x128xf32, #tpu.memory_space<hbm>>) target(%dma_start3A_279 : memref<80x128xf32, #tpu.memory_space<vmem>>) offsets(%dma_start3A_282 : memref<80xi32, #tpu.memory_space<vmem>>) semaphore(%dma_start3A_287 : memref<!tpu.dma_semaphore, #tpu.memory_space<semaphore_mem>>)
      } else {
      }
    }
    %scan3A_166 = arith.constant 126 : i32
    %rem3A_167 = arith.constant 125 : i32
    %rem3A_168 = arith.constant 3 : i32
    %rem3A_169 = arith.remsi %rem3A_167, %rem3A_168 : i32
    %rem3A_170 = arith.constant 125 : i32
    %rem3A_171 = arith.constant 5 : i32
    %rem3A_172 = arith.remsi %rem3A_170, %rem3A_171 : i32
    %dma_wait3A_173 = arith.constant 1 : i32
    %dma_wait3A_174 = arith.constant 0 : i32
    %dma_wait3A_175 = arith.constant 0 : i32
    %dma_wait3A_176 = tpu.memref_slice %arg7[%rem3A_169, %dma_wait3A_174, %dma_wait3A_175] : memref<3x80x128xf32, #tpu.memory_space<vmem>> -> memref<1x80x128xf32, #tpu.memory_space<vmem>>
    %dma_wait3A_177 = tpu.memref_squeeze %dma_wait3A_176 : memref<1x80x128xf32, #tpu.memory_space<vmem>> -> memref<80x128xf32, #tpu.memory_space<vmem>>
    %dma_wait3A_178 = arith.constant 0 : i32
    %dma_wait3A_179 = tpu.memref_slice %arg6[%rem3A_172, %dma_wait3A_173, %dma_wait3A_178] : memref<5x2x80xi32, #tpu.memory_space<vmem>> -> memref<1x1x80xi32, #tpu.memory_space<vmem>>
    %dma_wait3A_180 = tpu.memref_squeeze %dma_wait3A_179 : memref<1x1x80xi32, #tpu.memory_space<vmem>> -> memref<80xi32, #tpu.memory_space<vmem>>
    %dma_wait3A_181 = arith.constant 0 : i32
    %dma_wait3A_182 = arith.constant 0 : i32
    %dma_wait3A_183 = tpu.memref_slice %arg8[%dma_wait3A_181, %dma_wait3A_182] : memref<10048x128xf32, #tpu.memory_space<vmem_shared>> -> memref<10048x128xf32, #tpu.memory_space<vmem_shared>>
    %dma_wait3A_184 = tpu.memref_slice %arg10[%rem3A_169] : memref<3x!tpu.dma_semaphore, #tpu.memory_space<semaphore_mem>> -> memref<1x!tpu.dma_semaphore, #tpu.memory_space<semaphore_mem>>
    %dma_wait3A_185 = tpu.memref_squeeze %dma_wait3A_184 : memref<1x!tpu.dma_semaphore, #tpu.memory_space<semaphore_mem>> -> memref<!tpu.dma_semaphore, #tpu.memory_space<semaphore_mem>>
    tpu.wait_indirect_dma semaphore(%dma_wait3A_185 : memref<!tpu.dma_semaphore, #tpu.memory_space<semaphore_mem>>) src(%dma_wait3A_177 : memref<80x128xf32, #tpu.memory_space<vmem>>) dst(%dma_wait3A_183 : memref<10048x128xf32, #tpu.memory_space<vmem_shared>>)
    %barrier3A_186 = arith.constant 0 : index
    tpu.barrier barrier_id(%barrier3A_186)
    %lt3A_187 = arith.constant 8 : i32
    %lt3A_188 = arith.cmpi slt, %arg1, %lt3A_187 : i32
    %convert_element_type3A_189 = arith.extui %lt3A_188 : i1 to i32
    %cond3A_190 = arith.constant 0 : i32
    %cond3A_191 = arith.cmpi ne, %convert_element_type3A_189, %cond3A_190 : i32
    scf.if %cond3A_191 {
      %mul3A_192 = arith.constant 1256 : i32
      %mul3A_193 = arith.muli %arg1, %mul3A_192 : i32
      %mul3A_194 = arith.constant 1256 : i32
      %mul3A_195 = arith.muli %arg1, %mul3A_194 : i32
      "tpu.region"() ({
        %run_scoped3A = tpu.sem_alloc : memref<!tpu.dma_semaphore, #tpu.memory_space<semaphore_mem>>
        %dma_start3A_196 = arith.constant 0 : i32
        %dma_start3A_197 = tpu.memref_slice %arg5[%arg0, %mul3A_195, %dma_start3A_196] : memref<2x10240x128xf32, #tpu.memory_space<hbm>> -> memref<1x1256x128xf32, #tpu.memory_space<hbm>>
        %dma_start3A_198 = tpu.memref_squeeze %dma_start3A_197 : memref<1x1256x128xf32, #tpu.memory_space<hbm>> -> memref<1256x128xf32, #tpu.memory_space<hbm>>
        %dma_start3A_199 = arith.constant 0 : i32
        %dma_start3A_200 = tpu.memref_slice %arg8[%mul3A_193, %dma_start3A_199] : memref<10048x128xf32, #tpu.memory_space<vmem_shared>> -> memref<1256x128xf32, #tpu.memory_space<vmem_shared>>
        tpu.enqueue_dma source(%dma_start3A_200 : memref<1256x128xf32, #tpu.memory_space<vmem_shared>>) target(%dma_start3A_198 : memref<1256x128xf32, #tpu.memory_space<hbm>>) target_semaphore(%run_scoped3A : memref<!tpu.dma_semaphore, #tpu.memory_space<semaphore_mem>>)
        %dma_wait3A_201 = arith.constant 0 : i32
        %dma_wait3A_202 = tpu.memref_slice %arg5[%arg0, %mul3A_195, %dma_wait3A_201] : memref<2x10240x128xf32, #tpu.memory_space<hbm>> -> memref<1x1256x128xf32, #tpu.memory_space<hbm>>
        %dma_wait3A_203 = tpu.memref_squeeze %dma_wait3A_202 : memref<1x1256x128xf32, #tpu.memory_space<hbm>> -> memref<1256x128xf32, #tpu.memory_space<hbm>>
        %dma_wait3A_204 = arith.constant 0 : i32
        %dma_wait3A_205 = tpu.memref_slice %arg8[%mul3A_193, %dma_wait3A_204] : memref<10048x128xf32, #tpu.memory_space<vmem_shared>> -> memref<1256x128xf32, #tpu.memory_space<vmem_shared>>
        tpu.wait_dma2 semaphore(%run_scoped3A : memref<!tpu.dma_semaphore, #tpu.memory_space<semaphore_mem>>) src(%dma_wait3A_205 : memref<1256x128xf32, #tpu.memory_space<vmem_shared>>) dst(%dma_wait3A_203 : memref<1256x128xf32, #tpu.memory_space<hbm>>)
        tpu.yield
      }) : () -> ()
    } else {
    }
    return
  }
}

#map = affine_map<(d0, d1) -> (0, 0, 0)>
#map1 = affine_map<(d0, d1) -> (0)>
#map2 = affine_map<(d0, d1) -> (0, 0)>
module attributes {stable_mosaic.version = 14 : i64} {
  func.func @_deg_body(%arg0: i32, %arg1: i32, %arg2: memref<32x126x80xi32, #tpu.memory_space<hbm>>, %arg3: memref<10240xf32, #tpu.memory_space<hbm>>, %arg4: memref<2x10240xf32, #tpu.memory_space<hbm>>, %arg5: memref<126x80xi32, #tpu.memory_space<vmem>>, %arg6: memref<10240xf32, #tpu.memory_space<vmem>>, %arg7: memref<640xf32, #tpu.memory_space<vmem>>, %arg8: memref<640xf32, #tpu.memory_space<vmem>>, %arg9: memref<16x10240xf32, #tpu.memory_space<vmem_shared>>) attributes {dimension_semantics = [#tpu.dimension_semantics<core_parallel>, #tpu.dimension_semantics<subcore_parallel>], iteration_bounds = array<i64: 2, 16>, scalar_prefetch = 0 : i64, scratch_operands = 5 : i64, tpu.core_type = #tpu.core_type<sc_vector_subcore>, window_params = [{transform_indices = #map}, {transform_indices = #map1}, {transform_indices = #map2}]} {
    %mul3A = arith.constant 2 : i32
    %mul3A_0 = arith.muli %arg1, %mul3A : i32
    %add3A = arith.addi %mul3A_0, %arg0 : i32
    "tpu.region"() ({
      %run_scoped3A_114 = tpu.sem_alloc : memref<!tpu.dma_semaphore, #tpu.memory_space<semaphore_mem>>
      tpu.enqueue_dma source(%arg3 : memref<10240xf32, #tpu.memory_space<hbm>>) target(%arg6 : memref<10240xf32, #tpu.memory_space<vmem>>) target_semaphore(%run_scoped3A_114 : memref<!tpu.dma_semaphore, #tpu.memory_space<semaphore_mem>>)
      tpu.wait_dma2 semaphore(%run_scoped3A_114 : memref<!tpu.dma_semaphore, #tpu.memory_space<semaphore_mem>>) src(%arg3 : memref<10240xf32, #tpu.memory_space<hbm>>) dst(%arg6 : memref<10240xf32, #tpu.memory_space<vmem>>)
      tpu.yield
    }) : () -> ()
    "tpu.region"() ({
      %run_scoped3A_114 = tpu.sem_alloc : memref<!tpu.dma_semaphore, #tpu.memory_space<semaphore_mem>>
      %dma_start3A = arith.constant 0 : i32
      %dma_start3A_115 = arith.constant 0 : i32
      %dma_start3A_116 = tpu.memref_slice %arg2[%add3A, %dma_start3A, %dma_start3A_115] : memref<32x126x80xi32, #tpu.memory_space<hbm>> -> memref<1x126x80xi32, #tpu.memory_space<hbm>>
      %dma_start3A_117 = tpu.memref_squeeze %dma_start3A_116 : memref<1x126x80xi32, #tpu.memory_space<hbm>> -> memref<126x80xi32, #tpu.memory_space<hbm>>
      %dma_start3A_118 = arith.constant 0 : i32
      %dma_start3A_119 = arith.constant 0 : i32
      %dma_start3A_120 = tpu.memref_slice %arg2[%add3A, %dma_start3A_118, %dma_start3A_119] : memref<32x126x80xi32, #tpu.memory_space<hbm>> -> memref<1x126x80xi32, #tpu.memory_space<hbm>>
      %dma_start3A_121 = tpu.memref_squeeze %dma_start3A_120 : memref<1x126x80xi32, #tpu.memory_space<hbm>> -> memref<126x80xi32, #tpu.memory_space<hbm>>
      tpu.enqueue_dma source(%dma_start3A_121 : memref<126x80xi32, #tpu.memory_space<hbm>>) target(%arg5 : memref<126x80xi32, #tpu.memory_space<vmem>>) target_semaphore(%run_scoped3A_114 : memref<!tpu.dma_semaphore, #tpu.memory_space<semaphore_mem>>)
      %dma_wait3A = arith.constant 0 : i32
      %dma_wait3A_122 = arith.constant 0 : i32
      %dma_wait3A_123 = tpu.memref_slice %arg2[%add3A, %dma_wait3A, %dma_wait3A_122] : memref<32x126x80xi32, #tpu.memory_space<hbm>> -> memref<1x126x80xi32, #tpu.memory_space<hbm>>
      %dma_wait3A_124 = tpu.memref_squeeze %dma_wait3A_123 : memref<1x126x80xi32, #tpu.memory_space<hbm>> -> memref<126x80xi32, #tpu.memory_space<hbm>>
      %dma_wait3A_125 = arith.constant 0 : i32
      %dma_wait3A_126 = arith.constant 0 : i32
      %dma_wait3A_127 = tpu.memref_slice %arg2[%add3A, %dma_wait3A_125, %dma_wait3A_126] : memref<32x126x80xi32, #tpu.memory_space<hbm>> -> memref<1x126x80xi32, #tpu.memory_space<hbm>>
      %dma_wait3A_128 = tpu.memref_squeeze %dma_wait3A_127 : memref<1x126x80xi32, #tpu.memory_space<hbm>> -> memref<126x80xi32, #tpu.memory_space<hbm>>
      tpu.wait_dma2 semaphore(%run_scoped3A_114 : memref<!tpu.dma_semaphore, #tpu.memory_space<semaphore_mem>>) src(%dma_wait3A_128 : memref<126x80xi32, #tpu.memory_space<hbm>>) dst(%arg5 : memref<126x80xi32, #tpu.memory_space<vmem>>)
      tpu.yield
    }) : () -> ()
    %broadcast_in_dim3A = arith.constant 1.000000e+00 : f32
    %broadcast_in_dim3A_1 = vector.broadcast %broadcast_in_dim3A : f32 to vector<16xf32>
    %scan3A = arith.constant 0 : i32
    %scan3A_2 = arith.constant 0 : i32
    %scan3A_3 = arith.constant 126 : i32
    %scan3A_4 = arith.addi %scan3A_2, %scan3A_3 : i32
    %scan3A_5 = arith.constant 1 : i32
    scf.for %scan3A_114 = %scan3A_2 to %scan3A_4 step %scan3A_5  : i32 {
      %get3A = arith.index_cast %scan3A_114 : i32 to index
      %get3A_115 = arith.constant 0 : index
      %get3A_116 = tpu.vector_load %arg5[%get3A, %get3A_115] {strides = array<i32>} : memref<126x80xi32, #tpu.memory_space<vmem>>, vector<16xi32>,
      tpu.vector_store_idx %arg6[%get3A_116], %broadcast_in_dim3A_1 {add = true} : memref<10240xf32, #tpu.memory_space<vmem>>[vector<16xi32>], vector<16xf32>,
      %get3A_117 = arith.index_cast %scan3A_114 : i32 to index
      %get3A_118 = arith.constant 16 : index
      %get3A_119 = tpu.vector_load %arg5[%get3A_117, %get3A_118] {strides = array<i32>} : memref<126x80xi32, #tpu.memory_space<vmem>>, vector<16xi32>,
      tpu.vector_store_idx %arg6[%get3A_119], %broadcast_in_dim3A_1 {add = true} : memref<10240xf32, #tpu.memory_space<vmem>>[vector<16xi32>], vector<16xf32>,
      %get3A_120 = arith.index_cast %scan3A_114 : i32 to index
      %get3A_121 = arith.constant 32 : index
      %get3A_122 = tpu.vector_load %arg5[%get3A_120, %get3A_121] {strides = array<i32>} : memref<126x80xi32, #tpu.memory_space<vmem>>, vector<16xi32>,
      tpu.vector_store_idx %arg6[%get3A_122], %broadcast_in_dim3A_1 {add = true} : memref<10240xf32, #tpu.memory_space<vmem>>[vector<16xi32>], vector<16xf32>,
      %get3A_123 = arith.index_cast %scan3A_114 : i32 to index
      %get3A_124 = arith.constant 48 : index
      %get3A_125 = tpu.vector_load %arg5[%get3A_123, %get3A_124] {strides = array<i32>} : memref<126x80xi32, #tpu.memory_space<vmem>>, vector<16xi32>,
      tpu.vector_store_idx %arg6[%get3A_125], %broadcast_in_dim3A_1 {add = true} : memref<10240xf32, #tpu.memory_space<vmem>>[vector<16xi32>], vector<16xf32>,
      %get3A_126 = arith.index_cast %scan3A_114 : i32 to index
      %get3A_127 = arith.constant 64 : index
      %get3A_128 = tpu.vector_load %arg5[%get3A_126, %get3A_127] {strides = array<i32>} : memref<126x80xi32, #tpu.memory_space<vmem>>, vector<16xi32>,
      tpu.vector_store_idx %arg6[%get3A_128], %broadcast_in_dim3A_1 {add = true} : memref<10240xf32, #tpu.memory_space<vmem>>[vector<16xi32>], vector<16xf32>,
    }
    %scan3A_6 = arith.constant 126 : i32
    "tpu.region"() ({
      %run_scoped3A_114 = tpu.sem_alloc : memref<!tpu.dma_semaphore, #tpu.memory_space<semaphore_mem>>
      %dma_start3A = arith.constant 0 : i32
      %dma_start3A_115 = tpu.memref_slice %arg9[%arg1, %dma_start3A] : memref<16x10240xf32, #tpu.memory_space<vmem_shared>> -> memref<1x10240xf32, #tpu.memory_space<vmem_shared>>
      %dma_start3A_116 = tpu.memref_squeeze %dma_start3A_115 : memref<1x10240xf32, #tpu.memory_space<vmem_shared>> -> memref<10240xf32, #tpu.memory_space<vmem_shared>>
      %dma_start3A_117 = arith.constant 0 : i32
      %dma_start3A_118 = tpu.memref_slice %arg9[%arg1, %dma_start3A_117] : memref<16x10240xf32, #tpu.memory_space<vmem_shared>> -> memref<1x10240xf32, #tpu.memory_space<vmem_shared>>
      %dma_start3A_119 = tpu.memref_squeeze %dma_start3A_118 : memref<1x10240xf32, #tpu.memory_space<vmem_shared>> -> memref<10240xf32, #tpu.memory_space<vmem_shared>>
      tpu.enqueue_dma source(%arg6 : memref<10240xf32, #tpu.memory_space<vmem>>) target(%dma_start3A_119 : memref<10240xf32, #tpu.memory_space<vmem_shared>>) target_semaphore(%run_scoped3A_114 : memref<!tpu.dma_semaphore, #tpu.memory_space<semaphore_mem>>)
      %dma_wait3A = arith.constant 0 : i32
      %dma_wait3A_120 = tpu.memref_slice %arg9[%arg1, %dma_wait3A] : memref<16x10240xf32, #tpu.memory_space<vmem_shared>> -> memref<1x10240xf32, #tpu.memory_space<vmem_shared>>
      %dma_wait3A_121 = tpu.memref_squeeze %dma_wait3A_120 : memref<1x10240xf32, #tpu.memory_space<vmem_shared>> -> memref<10240xf32, #tpu.memory_space<vmem_shared>>
      %dma_wait3A_122 = arith.constant 0 : i32
      %dma_wait3A_123 = tpu.memref_slice %arg9[%arg1, %dma_wait3A_122] : memref<16x10240xf32, #tpu.memory_space<vmem_shared>> -> memref<1x10240xf32, #tpu.memory_space<vmem_shared>>
      %dma_wait3A_124 = tpu.memref_squeeze %dma_wait3A_123 : memref<1x10240xf32, #tpu.memory_space<vmem_shared>> -> memref<10240xf32, #tpu.memory_space<vmem_shared>>
      tpu.wait_dma2 semaphore(%run_scoped3A_114 : memref<!tpu.dma_semaphore, #tpu.memory_space<semaphore_mem>>) src(%arg6 : memref<10240xf32, #tpu.memory_space<vmem>>) dst(%dma_wait3A_124 : memref<10240xf32, #tpu.memory_space<vmem_shared>>)
      tpu.yield
    }) : () -> ()
    %barrier3A = arith.constant 0 : index
    tpu.barrier barrier_id(%barrier3A)
    %mul3A_7 = arith.constant 640 : i32
    %mul3A_8 = arith.muli %arg1, %mul3A_7 : i32
    %run_scoped3A = arith.constant 0 : i32
    "tpu.region"() ({
      %run_scoped3A_114 = tpu.sem_alloc : memref<!tpu.dma_semaphore, #tpu.memory_space<semaphore_mem>>
      %dma_start3A = tpu.memref_slice %arg9[%run_scoped3A, %mul3A_8] : memref<16x10240xf32, #tpu.memory_space<vmem_shared>> -> memref<1x640xf32, #tpu.memory_space<vmem_shared>>
      %dma_start3A_115 = tpu.memref_squeeze %dma_start3A : memref<1x640xf32, #tpu.memory_space<vmem_shared>> -> memref<640xf32, #tpu.memory_space<vmem_shared>>
      %dma_start3A_116 = tpu.memref_slice %arg9[%run_scoped3A, %mul3A_8] : memref<16x10240xf32, #tpu.memory_space<vmem_shared>> -> memref<1x640xf32, #tpu.memory_space<vmem_shared>>
      %dma_start3A_117 = tpu.memref_squeeze %dma_start3A_116 : memref<1x640xf32, #tpu.memory_space<vmem_shared>> -> memref<640xf32, #tpu.memory_space<vmem_shared>>
      tpu.enqueue_dma source(%dma_start3A_117 : memref<640xf32, #tpu.memory_space<vmem_shared>>) target(%arg7 : memref<640xf32, #tpu.memory_space<vmem>>) target_semaphore(%run_scoped3A_114 : memref<!tpu.dma_semaphore, #tpu.memory_space<semaphore_mem>>)
      %dma_wait3A = tpu.memref_slice %arg9[%run_scoped3A, %mul3A_8] : memref<16x10240xf32, #tpu.memory_space<vmem_shared>> -> memref<1x640xf32, #tpu.memory_space<vmem_shared>>
      %dma_wait3A_118 = tpu.memref_squeeze %dma_wait3A : memref<1x640xf32, #tpu.memory_space<vmem_shared>> -> memref<640xf32, #tpu.memory_space<vmem_shared>>
      %dma_wait3A_119 = tpu.memref_slice %arg9[%run_scoped3A, %mul3A_8] : memref<16x10240xf32, #tpu.memory_space<vmem_shared>> -> memref<1x640xf32, #tpu.memory_space<vmem_shared>>
      %dma_wait3A_120 = tpu.memref_squeeze %dma_wait3A_119 : memref<1x640xf32, #tpu.memory_space<vmem_shared>> -> memref<640xf32, #tpu.memory_space<vmem_shared>>
      tpu.wait_dma2 semaphore(%run_scoped3A_114 : memref<!tpu.dma_semaphore, #tpu.memory_space<semaphore_mem>>) src(%dma_wait3A_120 : memref<640xf32, #tpu.memory_space<vmem_shared>>) dst(%arg7 : memref<640xf32, #tpu.memory_space<vmem>>)
      tpu.yield
    }) : () -> ()
    %run_scoped3A_9 = arith.constant 1 : i32
    "tpu.region"() ({
      %run_scoped3A_114 = tpu.sem_alloc : memref<!tpu.dma_semaphore, #tpu.memory_space<semaphore_mem>>
      %dma_start3A = tpu.memref_slice %arg9[%run_scoped3A_9, %mul3A_8] : memref<16x10240xf32, #tpu.memory_space<vmem_shared>> -> memref<1x640xf32, #tpu.memory_space<vmem_shared>>
      %dma_start3A_115 = tpu.memref_squeeze %dma_start3A : memref<1x640xf32, #tpu.memory_space<vmem_shared>> -> memref<640xf32, #tpu.memory_space<vmem_shared>>
      %dma_start3A_116 = tpu.memref_slice %arg9[%run_scoped3A_9, %mul3A_8] : memref<16x10240xf32, #tpu.memory_space<vmem_shared>> -> memref<1x640xf32, #tpu.memory_space<vmem_shared>>
      %dma_start3A_117 = tpu.memref_squeeze %dma_start3A_116 : memref<1x640xf32, #tpu.memory_space<vmem_shared>> -> memref<640xf32, #tpu.memory_space<vmem_shared>>
      tpu.enqueue_dma source(%dma_start3A_117 : memref<640xf32, #tpu.memory_space<vmem_shared>>) target(%arg8 : memref<640xf32, #tpu.memory_space<vmem>>) target_semaphore(%run_scoped3A_114 : memref<!tpu.dma_semaphore, #tpu.memory_space<semaphore_mem>>)
      %dma_wait3A = tpu.memref_slice %arg9[%run_scoped3A_9, %mul3A_8] : memref<16x10240xf32, #tpu.memory_space<vmem_shared>> -> memref<1x640xf32, #tpu.memory_space<vmem_shared>>
      %dma_wait3A_118 = tpu.memref_squeeze %dma_wait3A : memref<1x640xf32, #tpu.memory_space<vmem_shared>> -> memref<640xf32, #tpu.memory_space<vmem_shared>>
      %dma_wait3A_119 = tpu.memref_slice %arg9[%run_scoped3A_9, %mul3A_8] : memref<16x10240xf32, #tpu.memory_space<vmem_shared>> -> memref<1x640xf32, #tpu.memory_space<vmem_shared>>
      %dma_wait3A_120 = tpu.memref_squeeze %dma_wait3A_119 : memref<1x640xf32, #tpu.memory_space<vmem_shared>> -> memref<640xf32, #tpu.memory_space<vmem_shared>>
      tpu.wait_dma2 semaphore(%run_scoped3A_114 : memref<!tpu.dma_semaphore, #tpu.memory_space<semaphore_mem>>) src(%dma_wait3A_120 : memref<640xf32, #tpu.memory_space<vmem_shared>>) dst(%arg8 : memref<640xf32, #tpu.memory_space<vmem>>)
      tpu.yield
    }) : () -> ()
    %scan3A_10 = arith.constant 0 : i32
    %scan3A_11 = arith.constant 0 : i32
    %scan3A_12 = arith.constant 40 : i32
    %scan3A_13 = arith.addi %scan3A_11, %scan3A_12 : i32
    %scan3A_14 = arith.constant 1 : i32
    scf.for %scan3A_114 = %scan3A_11 to %scan3A_13 step %scan3A_14  : i32 {
      %mul3A_115 = arith.constant 16 : i32
      %mul3A_116 = arith.muli %scan3A_114, %mul3A_115 : i32
      %get3A = arith.index_cast %mul3A_116 : i32 to index
      %get3A_117 = tpu.vector_load %arg7[%get3A] {strides = array<i32>} : memref<640xf32, #tpu.memory_space<vmem>>, vector<16xf32>,
      %get3A_118 = arith.index_cast %mul3A_116 : i32 to index
      %get3A_119 = tpu.vector_load %arg8[%get3A_118] {strides = array<i32>} : memref<640xf32, #tpu.memory_space<vmem>>, vector<16xf32>,
      %add3A_120 = arith.addf %get3A_117, %get3A_119 : vector<16xf32>
      %swap3A = arith.index_cast %mul3A_116 : i32 to index
      %swap3A_121 = tpu.vector_load %arg7[%swap3A] {strides = array<i32>} : memref<640xf32, #tpu.memory_space<vmem>>, vector<16xf32>,
      tpu.vector_store %arg7[%swap3A], %add3A_120 {strides = array<i32>} : memref<640xf32, #tpu.memory_space<vmem>>, vector<16xf32>,
    }
    %scan3A_15 = arith.constant 40 : i32
    %run_scoped3A_16 = arith.constant 2 : i32
    "tpu.region"() ({
      %run_scoped3A_114 = tpu.sem_alloc : memref<!tpu.dma_semaphore, #tpu.memory_space<semaphore_mem>>
      %dma_start3A = tpu.memref_slice %arg9[%run_scoped3A_16, %mul3A_8] : memref<16x10240xf32, #tpu.memory_space<vmem_shared>> -> memref<1x640xf32, #tpu.memory_space<vmem_shared>>
      %dma_start3A_115 = tpu.memref_squeeze %dma_start3A : memref<1x640xf32, #tpu.memory_space<vmem_shared>> -> memref<640xf32, #tpu.memory_space<vmem_shared>>
      %dma_start3A_116 = tpu.memref_slice %arg9[%run_scoped3A_16, %mul3A_8] : memref<16x10240xf32, #tpu.memory_space<vmem_shared>> -> memref<1x640xf32, #tpu.memory_space<vmem_shared>>
      %dma_start3A_117 = tpu.memref_squeeze %dma_start3A_116 : memref<1x640xf32, #tpu.memory_space<vmem_shared>> -> memref<640xf32, #tpu.memory_space<vmem_shared>>
      tpu.enqueue_dma source(%dma_start3A_117 : memref<640xf32, #tpu.memory_space<vmem_shared>>) target(%arg8 : memref<640xf32, #tpu.memory_space<vmem>>) target_semaphore(%run_scoped3A_114 : memref<!tpu.dma_semaphore, #tpu.memory_space<semaphore_mem>>)
      %dma_wait3A = tpu.memref_slice %arg9[%run_scoped3A_16, %mul3A_8] : memref<16x10240xf32, #tpu.memory_space<vmem_shared>> -> memref<1x640xf32, #tpu.memory_space<vmem_shared>>
      %dma_wait3A_118 = tpu.memref_squeeze %dma_wait3A : memref<1x640xf32, #tpu.memory_space<vmem_shared>> -> memref<640xf32, #tpu.memory_space<vmem_shared>>
      %dma_wait3A_119 = tpu.memref_slice %arg9[%run_scoped3A_16, %mul3A_8] : memref<16x10240xf32, #tpu.memory_space<vmem_shared>> -> memref<1x640xf32, #tpu.memory_space<vmem_shared>>
      %dma_wait3A_120 = tpu.memref_squeeze %dma_wait3A_119 : memref<1x640xf32, #tpu.memory_space<vmem_shared>> -> memref<640xf32, #tpu.memory_space<vmem_shared>>
      tpu.wait_dma2 semaphore(%run_scoped3A_114 : memref<!tpu.dma_semaphore, #tpu.memory_space<semaphore_mem>>) src(%dma_wait3A_120 : memref<640xf32, #tpu.memory_space<vmem_shared>>) dst(%arg8 : memref<640xf32, #tpu.memory_space<vmem>>)
      tpu.yield
    }) : () -> ()
    %scan3A_17 = arith.constant 0 : i32
    %scan3A_18 = arith.constant 0 : i32
    %scan3A_19 = arith.constant 40 : i32
    %scan3A_20 = arith.addi %scan3A_18, %scan3A_19 : i32
    %scan3A_21 = arith.constant 1 : i32
    scf.for %scan3A_114 = %scan3A_18 to %scan3A_20 step %scan3A_21  : i32 {
      %mul3A_115 = arith.constant 16 : i32
      %mul3A_116 = arith.muli %scan3A_114, %mul3A_115 : i32
      %get3A = arith.index_cast %mul3A_116 : i32 to index
      %get3A_117 = tpu.vector_load %arg7[%get3A] {strides = array<i32>} : memref<640xf32, #tpu.memory_space<vmem>>, vector<16xf32>,
      %get3A_118 = arith.index_cast %mul3A_116 : i32 to index
      %get3A_119 = tpu.vector_load %arg8[%get3A_118] {strides = array<i32>} : memref<640xf32, #tpu.memory_space<vmem>>, vector<16xf32>,
      %add3A_120 = arith.addf %get3A_117, %get3A_119 : vector<16xf32>
      %swap3A = arith.index_cast %mul3A_116 : i32 to index
      %swap3A_121 = tpu.vector_load %arg7[%swap3A] {strides = array<i32>} : memref<640xf32, #tpu.memory_space<vmem>>, vector<16xf32>,
      tpu.vector_store %arg7[%swap3A], %add3A_120 {strides = array<i32>} : memref<640xf32, #tpu.memory_space<vmem>>, vector<16xf32>,
    }
    %scan3A_22 = arith.constant 40 : i32
    %run_scoped3A_23 = arith.constant 3 : i32
    "tpu.region"() ({
      %run_scoped3A_114 = tpu.sem_alloc : memref<!tpu.dma_semaphore, #tpu.memory_space<semaphore_mem>>
      %dma_start3A = tpu.memref_slice %arg9[%run_scoped3A_23, %mul3A_8] : memref<16x10240xf32, #tpu.memory_space<vmem_shared>> -> memref<1x640xf32, #tpu.memory_space<vmem_shared>>
      %dma_start3A_115 = tpu.memref_squeeze %dma_start3A : memref<1x640xf32, #tpu.memory_space<vmem_shared>> -> memref<640xf32, #tpu.memory_space<vmem_shared>>
      %dma_start3A_116 = tpu.memref_slice %arg9[%run_scoped3A_23, %mul3A_8] : memref<16x10240xf32, #tpu.memory_space<vmem_shared>> -> memref<1x640xf32, #tpu.memory_space<vmem_shared>>
      %dma_start3A_117 = tpu.memref_squeeze %dma_start3A_116 : memref<1x640xf32, #tpu.memory_space<vmem_shared>> -> memref<640xf32, #tpu.memory_space<vmem_shared>>
      tpu.enqueue_dma source(%dma_start3A_117 : memref<640xf32, #tpu.memory_space<vmem_shared>>) target(%arg8 : memref<640xf32, #tpu.memory_space<vmem>>) target_semaphore(%run_scoped3A_114 : memref<!tpu.dma_semaphore, #tpu.memory_space<semaphore_mem>>)
      %dma_wait3A = tpu.memref_slice %arg9[%run_scoped3A_23, %mul3A_8] : memref<16x10240xf32, #tpu.memory_space<vmem_shared>> -> memref<1x640xf32, #tpu.memory_space<vmem_shared>>
      %dma_wait3A_118 = tpu.memref_squeeze %dma_wait3A : memref<1x640xf32, #tpu.memory_space<vmem_shared>> -> memref<640xf32, #tpu.memory_space<vmem_shared>>
      %dma_wait3A_119 = tpu.memref_slice %arg9[%run_scoped3A_23, %mul3A_8] : memref<16x10240xf32, #tpu.memory_space<vmem_shared>> -> memref<1x640xf32, #tpu.memory_space<vmem_shared>>
      %dma_wait3A_120 = tpu.memref_squeeze %dma_wait3A_119 : memref<1x640xf32, #tpu.memory_space<vmem_shared>> -> memref<640xf32, #tpu.memory_space<vmem_shared>>
      tpu.wait_dma2 semaphore(%run_scoped3A_114 : memref<!tpu.dma_semaphore, #tpu.memory_space<semaphore_mem>>) src(%dma_wait3A_120 : memref<640xf32, #tpu.memory_space<vmem_shared>>) dst(%arg8 : memref<640xf32, #tpu.memory_space<vmem>>)
      tpu.yield
    }) : () -> ()
    %scan3A_24 = arith.constant 0 : i32
    %scan3A_25 = arith.constant 0 : i32
    %scan3A_26 = arith.constant 40 : i32
    %scan3A_27 = arith.addi %scan3A_25, %scan3A_26 : i32
    %scan3A_28 = arith.constant 1 : i32
    scf.for %scan3A_114 = %scan3A_25 to %scan3A_27 step %scan3A_28  : i32 {
      %mul3A_115 = arith.constant 16 : i32
      %mul3A_116 = arith.muli %scan3A_114, %mul3A_115 : i32
      %get3A = arith.index_cast %mul3A_116 : i32 to index
      %get3A_117 = tpu.vector_load %arg7[%get3A] {strides = array<i32>} : memref<640xf32, #tpu.memory_space<vmem>>, vector<16xf32>,
      %get3A_118 = arith.index_cast %mul3A_116 : i32 to index
      %get3A_119 = tpu.vector_load %arg8[%get3A_118] {strides = array<i32>} : memref<640xf32, #tpu.memory_space<vmem>>, vector<16xf32>,
      %add3A_120 = arith.addf %get3A_117, %get3A_119 : vector<16xf32>
      %swap3A = arith.index_cast %mul3A_116 : i32 to index
      %swap3A_121 = tpu.vector_load %arg7[%swap3A] {strides = array<i32>} : memref<640xf32, #tpu.memory_space<vmem>>, vector<16xf32>,
      tpu.vector_store %arg7[%swap3A], %add3A_120 {strides = array<i32>} : memref<640xf32, #tpu.memory_space<vmem>>, vector<16xf32>,
    }
    %scan3A_29 = arith.constant 40 : i32
    %run_scoped3A_30 = arith.constant 4 : i32
    "tpu.region"() ({
      %run_scoped3A_114 = tpu.sem_alloc : memref<!tpu.dma_semaphore, #tpu.memory_space<semaphore_mem>>
      %dma_start3A = tpu.memref_slice %arg9[%run_scoped3A_30, %mul3A_8] : memref<16x10240xf32, #tpu.memory_space<vmem_shared>> -> memref<1x640xf32, #tpu.memory_space<vmem_shared>>
      %dma_start3A_115 = tpu.memref_squeeze %dma_start3A : memref<1x640xf32, #tpu.memory_space<vmem_shared>> -> memref<640xf32, #tpu.memory_space<vmem_shared>>
      %dma_start3A_116 = tpu.memref_slice %arg9[%run_scoped3A_30, %mul3A_8] : memref<16x10240xf32, #tpu.memory_space<vmem_shared>> -> memref<1x640xf32, #tpu.memory_space<vmem_shared>>
      %dma_start3A_117 = tpu.memref_squeeze %dma_start3A_116 : memref<1x640xf32, #tpu.memory_space<vmem_shared>> -> memref<640xf32, #tpu.memory_space<vmem_shared>>
      tpu.enqueue_dma source(%dma_start3A_117 : memref<640xf32, #tpu.memory_space<vmem_shared>>) target(%arg8 : memref<640xf32, #tpu.memory_space<vmem>>) target_semaphore(%run_scoped3A_114 : memref<!tpu.dma_semaphore, #tpu.memory_space<semaphore_mem>>)
      %dma_wait3A = tpu.memref_slice %arg9[%run_scoped3A_30, %mul3A_8] : memref<16x10240xf32, #tpu.memory_space<vmem_shared>> -> memref<1x640xf32, #tpu.memory_space<vmem_shared>>
      %dma_wait3A_118 = tpu.memref_squeeze %dma_wait3A : memref<1x640xf32, #tpu.memory_space<vmem_shared>> -> memref<640xf32, #tpu.memory_space<vmem_shared>>
      %dma_wait3A_119 = tpu.memref_slice %arg9[%run_scoped3A_30, %mul3A_8] : memref<16x10240xf32, #tpu.memory_space<vmem_shared>> -> memref<1x640xf32, #tpu.memory_space<vmem_shared>>
      %dma_wait3A_120 = tpu.memref_squeeze %dma_wait3A_119 : memref<1x640xf32, #tpu.memory_space<vmem_shared>> -> memref<640xf32, #tpu.memory_space<vmem_shared>>
      tpu.wait_dma2 semaphore(%run_scoped3A_114 : memref<!tpu.dma_semaphore, #tpu.memory_space<semaphore_mem>>) src(%dma_wait3A_120 : memref<640xf32, #tpu.memory_space<vmem_shared>>) dst(%arg8 : memref<640xf32, #tpu.memory_space<vmem>>)
      tpu.yield
    }) : () -> ()
    %scan3A_31 = arith.constant 0 : i32
    %scan3A_32 = arith.constant 0 : i32
    %scan3A_33 = arith.constant 40 : i32
    %scan3A_34 = arith.addi %scan3A_32, %scan3A_33 : i32
    %scan3A_35 = arith.constant 1 : i32
    scf.for %scan3A_114 = %scan3A_32 to %scan3A_34 step %scan3A_35  : i32 {
      %mul3A_115 = arith.constant 16 : i32
      %mul3A_116 = arith.muli %scan3A_114, %mul3A_115 : i32
      %get3A = arith.index_cast %mul3A_116 : i32 to index
      %get3A_117 = tpu.vector_load %arg7[%get3A] {strides = array<i32>} : memref<640xf32, #tpu.memory_space<vmem>>, vector<16xf32>,
      %get3A_118 = arith.index_cast %mul3A_116 : i32 to index
      %get3A_119 = tpu.vector_load %arg8[%get3A_118] {strides = array<i32>} : memref<640xf32, #tpu.memory_space<vmem>>, vector<16xf32>,
      %add3A_120 = arith.addf %get3A_117, %get3A_119 : vector<16xf32>
      %swap3A = arith.index_cast %mul3A_116 : i32 to index
      %swap3A_121 = tpu.vector_load %arg7[%swap3A] {strides = array<i32>} : memref<640xf32, #tpu.memory_space<vmem>>, vector<16xf32>,
      tpu.vector_store %arg7[%swap3A], %add3A_120 {strides = array<i32>} : memref<640xf32, #tpu.memory_space<vmem>>, vector<16xf32>,
    }
    %scan3A_36 = arith.constant 40 : i32
    %run_scoped3A_37 = arith.constant 5 : i32
    "tpu.region"() ({
      %run_scoped3A_114 = tpu.sem_alloc : memref<!tpu.dma_semaphore, #tpu.memory_space<semaphore_mem>>
      %dma_start3A = tpu.memref_slice %arg9[%run_scoped3A_37, %mul3A_8] : memref<16x10240xf32, #tpu.memory_space<vmem_shared>> -> memref<1x640xf32, #tpu.memory_space<vmem_shared>>
      %dma_start3A_115 = tpu.memref_squeeze %dma_start3A : memref<1x640xf32, #tpu.memory_space<vmem_shared>> -> memref<640xf32, #tpu.memory_space<vmem_shared>>
      %dma_start3A_116 = tpu.memref_slice %arg9[%run_scoped3A_37, %mul3A_8] : memref<16x10240xf32, #tpu.memory_space<vmem_shared>> -> memref<1x640xf32, #tpu.memory_space<vmem_shared>>
      %dma_start3A_117 = tpu.memref_squeeze %dma_start3A_116 : memref<1x640xf32, #tpu.memory_space<vmem_shared>> -> memref<640xf32, #tpu.memory_space<vmem_shared>>
      tpu.enqueue_dma source(%dma_start3A_117 : memref<640xf32, #tpu.memory_space<vmem_shared>>) target(%arg8 : memref<640xf32, #tpu.memory_space<vmem>>) target_semaphore(%run_scoped3A_114 : memref<!tpu.dma_semaphore, #tpu.memory_space<semaphore_mem>>)
      %dma_wait3A = tpu.memref_slice %arg9[%run_scoped3A_37, %mul3A_8] : memref<16x10240xf32, #tpu.memory_space<vmem_shared>> -> memref<1x640xf32, #tpu.memory_space<vmem_shared>>
      %dma_wait3A_118 = tpu.memref_squeeze %dma_wait3A : memref<1x640xf32, #tpu.memory_space<vmem_shared>> -> memref<640xf32, #tpu.memory_space<vmem_shared>>
      %dma_wait3A_119 = tpu.memref_slice %arg9[%run_scoped3A_37, %mul3A_8] : memref<16x10240xf32, #tpu.memory_space<vmem_shared>> -> memref<1x640xf32, #tpu.memory_space<vmem_shared>>
      %dma_wait3A_120 = tpu.memref_squeeze %dma_wait3A_119 : memref<1x640xf32, #tpu.memory_space<vmem_shared>> -> memref<640xf32, #tpu.memory_space<vmem_shared>>
      tpu.wait_dma2 semaphore(%run_scoped3A_114 : memref<!tpu.dma_semaphore, #tpu.memory_space<semaphore_mem>>) src(%dma_wait3A_120 : memref<640xf32, #tpu.memory_space<vmem_shared>>) dst(%arg8 : memref<640xf32, #tpu.memory_space<vmem>>)
      tpu.yield
    }) : () -> ()
    %scan3A_38 = arith.constant 0 : i32
    %scan3A_39 = arith.constant 0 : i32
    %scan3A_40 = arith.constant 40 : i32
    %scan3A_41 = arith.addi %scan3A_39, %scan3A_40 : i32
    %scan3A_42 = arith.constant 1 : i32
    scf.for %scan3A_114 = %scan3A_39 to %scan3A_41 step %scan3A_42  : i32 {
      %mul3A_115 = arith.constant 16 : i32
      %mul3A_116 = arith.muli %scan3A_114, %mul3A_115 : i32
      %get3A = arith.index_cast %mul3A_116 : i32 to index
      %get3A_117 = tpu.vector_load %arg7[%get3A] {strides = array<i32>} : memref<640xf32, #tpu.memory_space<vmem>>, vector<16xf32>,
      %get3A_118 = arith.index_cast %mul3A_116 : i32 to index
      %get3A_119 = tpu.vector_load %arg8[%get3A_118] {strides = array<i32>} : memref<640xf32, #tpu.memory_space<vmem>>, vector<16xf32>,
      %add3A_120 = arith.addf %get3A_117, %get3A_119 : vector<16xf32>
      %swap3A = arith.index_cast %mul3A_116 : i32 to index
      %swap3A_121 = tpu.vector_load %arg7[%swap3A] {strides = array<i32>} : memref<640xf32, #tpu.memory_space<vmem>>, vector<16xf32>,
      tpu.vector_store %arg7[%swap3A], %add3A_120 {strides = array<i32>} : memref<640xf32, #tpu.memory_space<vmem>>, vector<16xf32>,
    }
    %scan3A_43 = arith.constant 40 : i32
    %run_scoped3A_44 = arith.constant 6 : i32
    "tpu.region"() ({
      %run_scoped3A_114 = tpu.sem_alloc : memref<!tpu.dma_semaphore, #tpu.memory_space<semaphore_mem>>
      %dma_start3A = tpu.memref_slice %arg9[%run_scoped3A_44, %mul3A_8] : memref<16x10240xf32, #tpu.memory_space<vmem_shared>> -> memref<1x640xf32, #tpu.memory_space<vmem_shared>>
      %dma_start3A_115 = tpu.memref_squeeze %dma_start3A : memref<1x640xf32, #tpu.memory_space<vmem_shared>> -> memref<640xf32, #tpu.memory_space<vmem_shared>>
      %dma_start3A_116 = tpu.memref_slice %arg9[%run_scoped3A_44, %mul3A_8] : memref<16x10240xf32, #tpu.memory_space<vmem_shared>> -> memref<1x640xf32, #tpu.memory_space<vmem_shared>>
      %dma_start3A_117 = tpu.memref_squeeze %dma_start3A_116 : memref<1x640xf32, #tpu.memory_space<vmem_shared>> -> memref<640xf32, #tpu.memory_space<vmem_shared>>
      tpu.enqueue_dma source(%dma_start3A_117 : memref<640xf32, #tpu.memory_space<vmem_shared>>) target(%arg8 : memref<640xf32, #tpu.memory_space<vmem>>) target_semaphore(%run_scoped3A_114 : memref<!tpu.dma_semaphore, #tpu.memory_space<semaphore_mem>>)
      %dma_wait3A = tpu.memref_slice %arg9[%run_scoped3A_44, %mul3A_8] : memref<16x10240xf32, #tpu.memory_space<vmem_shared>> -> memref<1x640xf32, #tpu.memory_space<vmem_shared>>
      %dma_wait3A_118 = tpu.memref_squeeze %dma_wait3A : memref<1x640xf32, #tpu.memory_space<vmem_shared>> -> memref<640xf32, #tpu.memory_space<vmem_shared>>
      %dma_wait3A_119 = tpu.memref_slice %arg9[%run_scoped3A_44, %mul3A_8] : memref<16x10240xf32, #tpu.memory_space<vmem_shared>> -> memref<1x640xf32, #tpu.memory_space<vmem_shared>>
      %dma_wait3A_120 = tpu.memref_squeeze %dma_wait3A_119 : memref<1x640xf32, #tpu.memory_space<vmem_shared>> -> memref<640xf32, #tpu.memory_space<vmem_shared>>
      tpu.wait_dma2 semaphore(%run_scoped3A_114 : memref<!tpu.dma_semaphore, #tpu.memory_space<semaphore_mem>>) src(%dma_wait3A_120 : memref<640xf32, #tpu.memory_space<vmem_shared>>) dst(%arg8 : memref<640xf32, #tpu.memory_space<vmem>>)
      tpu.yield
    }) : () -> ()
    %scan3A_45 = arith.constant 0 : i32
    %scan3A_46 = arith.constant 0 : i32
    %scan3A_47 = arith.constant 40 : i32
    %scan3A_48 = arith.addi %scan3A_46, %scan3A_47 : i32
    %scan3A_49 = arith.constant 1 : i32
    scf.for %scan3A_114 = %scan3A_46 to %scan3A_48 step %scan3A_49  : i32 {
      %mul3A_115 = arith.constant 16 : i32
      %mul3A_116 = arith.muli %scan3A_114, %mul3A_115 : i32
      %get3A = arith.index_cast %mul3A_116 : i32 to index
      %get3A_117 = tpu.vector_load %arg7[%get3A] {strides = array<i32>} : memref<640xf32, #tpu.memory_space<vmem>>, vector<16xf32>,
      %get3A_118 = arith.index_cast %mul3A_116 : i32 to index
      %get3A_119 = tpu.vector_load %arg8[%get3A_118] {strides = array<i32>} : memref<640xf32, #tpu.memory_space<vmem>>, vector<16xf32>,
      %add3A_120 = arith.addf %get3A_117, %get3A_119 : vector<16xf32>
      %swap3A = arith.index_cast %mul3A_116 : i32 to index
      %swap3A_121 = tpu.vector_load %arg7[%swap3A] {strides = array<i32>} : memref<640xf32, #tpu.memory_space<vmem>>, vector<16xf32>,
      tpu.vector_store %arg7[%swap3A], %add3A_120 {strides = array<i32>} : memref<640xf32, #tpu.memory_space<vmem>>, vector<16xf32>,
    }
    %scan3A_50 = arith.constant 40 : i32
    %run_scoped3A_51 = arith.constant 7 : i32
    "tpu.region"() ({
      %run_scoped3A_114 = tpu.sem_alloc : memref<!tpu.dma_semaphore, #tpu.memory_space<semaphore_mem>>
      %dma_start3A = tpu.memref_slice %arg9[%run_scoped3A_51, %mul3A_8] : memref<16x10240xf32, #tpu.memory_space<vmem_shared>> -> memref<1x640xf32, #tpu.memory_space<vmem_shared>>
      %dma_start3A_115 = tpu.memref_squeeze %dma_start3A : memref<1x640xf32, #tpu.memory_space<vmem_shared>> -> memref<640xf32, #tpu.memory_space<vmem_shared>>
      %dma_start3A_116 = tpu.memref_slice %arg9[%run_scoped3A_51, %mul3A_8] : memref<16x10240xf32, #tpu.memory_space<vmem_shared>> -> memref<1x640xf32, #tpu.memory_space<vmem_shared>>
      %dma_start3A_117 = tpu.memref_squeeze %dma_start3A_116 : memref<1x640xf32, #tpu.memory_space<vmem_shared>> -> memref<640xf32, #tpu.memory_space<vmem_shared>>
      tpu.enqueue_dma source(%dma_start3A_117 : memref<640xf32, #tpu.memory_space<vmem_shared>>) target(%arg8 : memref<640xf32, #tpu.memory_space<vmem>>) target_semaphore(%run_scoped3A_114 : memref<!tpu.dma_semaphore, #tpu.memory_space<semaphore_mem>>)
      %dma_wait3A = tpu.memref_slice %arg9[%run_scoped3A_51, %mul3A_8] : memref<16x10240xf32, #tpu.memory_space<vmem_shared>> -> memref<1x640xf32, #tpu.memory_space<vmem_shared>>
      %dma_wait3A_118 = tpu.memref_squeeze %dma_wait3A : memref<1x640xf32, #tpu.memory_space<vmem_shared>> -> memref<640xf32, #tpu.memory_space<vmem_shared>>
      %dma_wait3A_119 = tpu.memref_slice %arg9[%run_scoped3A_51, %mul3A_8] : memref<16x10240xf32, #tpu.memory_space<vmem_shared>> -> memref<1x640xf32, #tpu.memory_space<vmem_shared>>
      %dma_wait3A_120 = tpu.memref_squeeze %dma_wait3A_119 : memref<1x640xf32, #tpu.memory_space<vmem_shared>> -> memref<640xf32, #tpu.memory_space<vmem_shared>>
      tpu.wait_dma2 semaphore(%run_scoped3A_114 : memref<!tpu.dma_semaphore, #tpu.memory_space<semaphore_mem>>) src(%dma_wait3A_120 : memref<640xf32, #tpu.memory_space<vmem_shared>>) dst(%arg8 : memref<640xf32, #tpu.memory_space<vmem>>)
      tpu.yield
    }) : () -> ()
    %scan3A_52 = arith.constant 0 : i32
    %scan3A_53 = arith.constant 0 : i32
    %scan3A_54 = arith.constant 40 : i32
    %scan3A_55 = arith.addi %scan3A_53, %scan3A_54 : i32
    %scan3A_56 = arith.constant 1 : i32
    scf.for %scan3A_114 = %scan3A_53 to %scan3A_55 step %scan3A_56  : i32 {
      %mul3A_115 = arith.constant 16 : i32
      %mul3A_116 = arith.muli %scan3A_114, %mul3A_115 : i32
      %get3A = arith.index_cast %mul3A_116 : i32 to index
      %get3A_117 = tpu.vector_load %arg7[%get3A] {strides = array<i32>} : memref<640xf32, #tpu.memory_space<vmem>>, vector<16xf32>,
      %get3A_118 = arith.index_cast %mul3A_116 : i32 to index
      %get3A_119 = tpu.vector_load %arg8[%get3A_118] {strides = array<i32>} : memref<640xf32, #tpu.memory_space<vmem>>, vector<16xf32>,
      %add3A_120 = arith.addf %get3A_117, %get3A_119 : vector<16xf32>
      %swap3A = arith.index_cast %mul3A_116 : i32 to index
      %swap3A_121 = tpu.vector_load %arg7[%swap3A] {strides = array<i32>} : memref<640xf32, #tpu.memory_space<vmem>>, vector<16xf32>,
      tpu.vector_store %arg7[%swap3A], %add3A_120 {strides = array<i32>} : memref<640xf32, #tpu.memory_space<vmem>>, vector<16xf32>,
    }
    %scan3A_57 = arith.constant 40 : i32
    %run_scoped3A_58 = arith.constant 8 : i32
    "tpu.region"() ({
      %run_scoped3A_114 = tpu.sem_alloc : memref<!tpu.dma_semaphore, #tpu.memory_space<semaphore_mem>>
      %dma_start3A = tpu.memref_slice %arg9[%run_scoped3A_58, %mul3A_8] : memref<16x10240xf32, #tpu.memory_space<vmem_shared>> -> memref<1x640xf32, #tpu.memory_space<vmem_shared>>
      %dma_start3A_115 = tpu.memref_squeeze %dma_start3A : memref<1x640xf32, #tpu.memory_space<vmem_shared>> -> memref<640xf32, #tpu.memory_space<vmem_shared>>
      %dma_start3A_116 = tpu.memref_slice %arg9[%run_scoped3A_58, %mul3A_8] : memref<16x10240xf32, #tpu.memory_space<vmem_shared>> -> memref<1x640xf32, #tpu.memory_space<vmem_shared>>
      %dma_start3A_117 = tpu.memref_squeeze %dma_start3A_116 : memref<1x640xf32, #tpu.memory_space<vmem_shared>> -> memref<640xf32, #tpu.memory_space<vmem_shared>>
      tpu.enqueue_dma source(%dma_start3A_117 : memref<640xf32, #tpu.memory_space<vmem_shared>>) target(%arg8 : memref<640xf32, #tpu.memory_space<vmem>>) target_semaphore(%run_scoped3A_114 : memref<!tpu.dma_semaphore, #tpu.memory_space<semaphore_mem>>)
      %dma_wait3A = tpu.memref_slice %arg9[%run_scoped3A_58, %mul3A_8] : memref<16x10240xf32, #tpu.memory_space<vmem_shared>> -> memref<1x640xf32, #tpu.memory_space<vmem_shared>>
      %dma_wait3A_118 = tpu.memref_squeeze %dma_wait3A : memref<1x640xf32, #tpu.memory_space<vmem_shared>> -> memref<640xf32, #tpu.memory_space<vmem_shared>>
      %dma_wait3A_119 = tpu.memref_slice %arg9[%run_scoped3A_58, %mul3A_8] : memref<16x10240xf32, #tpu.memory_space<vmem_shared>> -> memref<1x640xf32, #tpu.memory_space<vmem_shared>>
      %dma_wait3A_120 = tpu.memref_squeeze %dma_wait3A_119 : memref<1x640xf32, #tpu.memory_space<vmem_shared>> -> memref<640xf32, #tpu.memory_space<vmem_shared>>
      tpu.wait_dma2 semaphore(%run_scoped3A_114 : memref<!tpu.dma_semaphore, #tpu.memory_space<semaphore_mem>>) src(%dma_wait3A_120 : memref<640xf32, #tpu.memory_space<vmem_shared>>) dst(%arg8 : memref<640xf32, #tpu.memory_space<vmem>>)
      tpu.yield
    }) : () -> ()
    %scan3A_59 = arith.constant 0 : i32
    %scan3A_60 = arith.constant 0 : i32
    %scan3A_61 = arith.constant 40 : i32
    %scan3A_62 = arith.addi %scan3A_60, %scan3A_61 : i32
    %scan3A_63 = arith.constant 1 : i32
    scf.for %scan3A_114 = %scan3A_60 to %scan3A_62 step %scan3A_63  : i32 {
      %mul3A_115 = arith.constant 16 : i32
      %mul3A_116 = arith.muli %scan3A_114, %mul3A_115 : i32
      %get3A = arith.index_cast %mul3A_116 : i32 to index
      %get3A_117 = tpu.vector_load %arg7[%get3A] {strides = array<i32>} : memref<640xf32, #tpu.memory_space<vmem>>, vector<16xf32>,
      %get3A_118 = arith.index_cast %mul3A_116 : i32 to index
      %get3A_119 = tpu.vector_load %arg8[%get3A_118] {strides = array<i32>} : memref<640xf32, #tpu.memory_space<vmem>>, vector<16xf32>,
      %add3A_120 = arith.addf %get3A_117, %get3A_119 : vector<16xf32>
      %swap3A = arith.index_cast %mul3A_116 : i32 to index
      %swap3A_121 = tpu.vector_load %arg7[%swap3A] {strides = array<i32>} : memref<640xf32, #tpu.memory_space<vmem>>, vector<16xf32>,
      tpu.vector_store %arg7[%swap3A], %add3A_120 {strides = array<i32>} : memref<640xf32, #tpu.memory_space<vmem>>, vector<16xf32>,
    }
    %scan3A_64 = arith.constant 40 : i32
    %run_scoped3A_65 = arith.constant 9 : i32
    "tpu.region"() ({
      %run_scoped3A_114 = tpu.sem_alloc : memref<!tpu.dma_semaphore, #tpu.memory_space<semaphore_mem>>
      %dma_start3A = tpu.memref_slice %arg9[%run_scoped3A_65, %mul3A_8] : memref<16x10240xf32, #tpu.memory_space<vmem_shared>> -> memref<1x640xf32, #tpu.memory_space<vmem_shared>>
      %dma_start3A_115 = tpu.memref_squeeze %dma_start3A : memref<1x640xf32, #tpu.memory_space<vmem_shared>> -> memref<640xf32, #tpu.memory_space<vmem_shared>>
      %dma_start3A_116 = tpu.memref_slice %arg9[%run_scoped3A_65, %mul3A_8] : memref<16x10240xf32, #tpu.memory_space<vmem_shared>> -> memref<1x640xf32, #tpu.memory_space<vmem_shared>>
      %dma_start3A_117 = tpu.memref_squeeze %dma_start3A_116 : memref<1x640xf32, #tpu.memory_space<vmem_shared>> -> memref<640xf32, #tpu.memory_space<vmem_shared>>
      tpu.enqueue_dma source(%dma_start3A_117 : memref<640xf32, #tpu.memory_space<vmem_shared>>) target(%arg8 : memref<640xf32, #tpu.memory_space<vmem>>) target_semaphore(%run_scoped3A_114 : memref<!tpu.dma_semaphore, #tpu.memory_space<semaphore_mem>>)
      %dma_wait3A = tpu.memref_slice %arg9[%run_scoped3A_65, %mul3A_8] : memref<16x10240xf32, #tpu.memory_space<vmem_shared>> -> memref<1x640xf32, #tpu.memory_space<vmem_shared>>
      %dma_wait3A_118 = tpu.memref_squeeze %dma_wait3A : memref<1x640xf32, #tpu.memory_space<vmem_shared>> -> memref<640xf32, #tpu.memory_space<vmem_shared>>
      %dma_wait3A_119 = tpu.memref_slice %arg9[%run_scoped3A_65, %mul3A_8] : memref<16x10240xf32, #tpu.memory_space<vmem_shared>> -> memref<1x640xf32, #tpu.memory_space<vmem_shared>>
      %dma_wait3A_120 = tpu.memref_squeeze %dma_wait3A_119 : memref<1x640xf32, #tpu.memory_space<vmem_shared>> -> memref<640xf32, #tpu.memory_space<vmem_shared>>
      tpu.wait_dma2 semaphore(%run_scoped3A_114 : memref<!tpu.dma_semaphore, #tpu.memory_space<semaphore_mem>>) src(%dma_wait3A_120 : memref<640xf32, #tpu.memory_space<vmem_shared>>) dst(%arg8 : memref<640xf32, #tpu.memory_space<vmem>>)
      tpu.yield
    }) : () -> ()
    %scan3A_66 = arith.constant 0 : i32
    %scan3A_67 = arith.constant 0 : i32
    %scan3A_68 = arith.constant 40 : i32
    %scan3A_69 = arith.addi %scan3A_67, %scan3A_68 : i32
    %scan3A_70 = arith.constant 1 : i32
    scf.for %scan3A_114 = %scan3A_67 to %scan3A_69 step %scan3A_70  : i32 {
      %mul3A_115 = arith.constant 16 : i32
      %mul3A_116 = arith.muli %scan3A_114, %mul3A_115 : i32
      %get3A = arith.index_cast %mul3A_116 : i32 to index
      %get3A_117 = tpu.vector_load %arg7[%get3A] {strides = array<i32>} : memref<640xf32, #tpu.memory_space<vmem>>, vector<16xf32>,
      %get3A_118 = arith.index_cast %mul3A_116 : i32 to index
      %get3A_119 = tpu.vector_load %arg8[%get3A_118] {strides = array<i32>} : memref<640xf32, #tpu.memory_space<vmem>>, vector<16xf32>,
      %add3A_120 = arith.addf %get3A_117, %get3A_119 : vector<16xf32>
      %swap3A = arith.index_cast %mul3A_116 : i32 to index
      %swap3A_121 = tpu.vector_load %arg7[%swap3A] {strides = array<i32>} : memref<640xf32, #tpu.memory_space<vmem>>, vector<16xf32>,
      tpu.vector_store %arg7[%swap3A], %add3A_120 {strides = array<i32>} : memref<640xf32, #tpu.memory_space<vmem>>, vector<16xf32>,
    }
    %scan3A_71 = arith.constant 40 : i32
    %run_scoped3A_72 = arith.constant 10 : i32
    "tpu.region"() ({
      %run_scoped3A_114 = tpu.sem_alloc : memref<!tpu.dma_semaphore, #tpu.memory_space<semaphore_mem>>
      %dma_start3A = tpu.memref_slice %arg9[%run_scoped3A_72, %mul3A_8] : memref<16x10240xf32, #tpu.memory_space<vmem_shared>> -> memref<1x640xf32, #tpu.memory_space<vmem_shared>>
      %dma_start3A_115 = tpu.memref_squeeze %dma_start3A : memref<1x640xf32, #tpu.memory_space<vmem_shared>> -> memref<640xf32, #tpu.memory_space<vmem_shared>>
      %dma_start3A_116 = tpu.memref_slice %arg9[%run_scoped3A_72, %mul3A_8] : memref<16x10240xf32, #tpu.memory_space<vmem_shared>> -> memref<1x640xf32, #tpu.memory_space<vmem_shared>>
      %dma_start3A_117 = tpu.memref_squeeze %dma_start3A_116 : memref<1x640xf32, #tpu.memory_space<vmem_shared>> -> memref<640xf32, #tpu.memory_space<vmem_shared>>
      tpu.enqueue_dma source(%dma_start3A_117 : memref<640xf32, #tpu.memory_space<vmem_shared>>) target(%arg8 : memref<640xf32, #tpu.memory_space<vmem>>) target_semaphore(%run_scoped3A_114 : memref<!tpu.dma_semaphore, #tpu.memory_space<semaphore_mem>>)
      %dma_wait3A = tpu.memref_slice %arg9[%run_scoped3A_72, %mul3A_8] : memref<16x10240xf32, #tpu.memory_space<vmem_shared>> -> memref<1x640xf32, #tpu.memory_space<vmem_shared>>
      %dma_wait3A_118 = tpu.memref_squeeze %dma_wait3A : memref<1x640xf32, #tpu.memory_space<vmem_shared>> -> memref<640xf32, #tpu.memory_space<vmem_shared>>
      %dma_wait3A_119 = tpu.memref_slice %arg9[%run_scoped3A_72, %mul3A_8] : memref<16x10240xf32, #tpu.memory_space<vmem_shared>> -> memref<1x640xf32, #tpu.memory_space<vmem_shared>>
      %dma_wait3A_120 = tpu.memref_squeeze %dma_wait3A_119 : memref<1x640xf32, #tpu.memory_space<vmem_shared>> -> memref<640xf32, #tpu.memory_space<vmem_shared>>
      tpu.wait_dma2 semaphore(%run_scoped3A_114 : memref<!tpu.dma_semaphore, #tpu.memory_space<semaphore_mem>>) src(%dma_wait3A_120 : memref<640xf32, #tpu.memory_space<vmem_shared>>) dst(%arg8 : memref<640xf32, #tpu.memory_space<vmem>>)
      tpu.yield
    }) : () -> ()
    %scan3A_73 = arith.constant 0 : i32
    %scan3A_74 = arith.constant 0 : i32
    %scan3A_75 = arith.constant 40 : i32
    %scan3A_76 = arith.addi %scan3A_74, %scan3A_75 : i32
    %scan3A_77 = arith.constant 1 : i32
    scf.for %scan3A_114 = %scan3A_74 to %scan3A_76 step %scan3A_77  : i32 {
      %mul3A_115 = arith.constant 16 : i32
      %mul3A_116 = arith.muli %scan3A_114, %mul3A_115 : i32
      %get3A = arith.index_cast %mul3A_116 : i32 to index
      %get3A_117 = tpu.vector_load %arg7[%get3A] {strides = array<i32>} : memref<640xf32, #tpu.memory_space<vmem>>, vector<16xf32>,
      %get3A_118 = arith.index_cast %mul3A_116 : i32 to index
      %get3A_119 = tpu.vector_load %arg8[%get3A_118] {strides = array<i32>} : memref<640xf32, #tpu.memory_space<vmem>>, vector<16xf32>,
      %add3A_120 = arith.addf %get3A_117, %get3A_119 : vector<16xf32>
      %swap3A = arith.index_cast %mul3A_116 : i32 to index
      %swap3A_121 = tpu.vector_load %arg7[%swap3A] {strides = array<i32>} : memref<640xf32, #tpu.memory_space<vmem>>, vector<16xf32>,
      tpu.vector_store %arg7[%swap3A], %add3A_120 {strides = array<i32>} : memref<640xf32, #tpu.memory_space<vmem>>, vector<16xf32>,
    }
    %scan3A_78 = arith.constant 40 : i32
    %run_scoped3A_79 = arith.constant 11 : i32
    "tpu.region"() ({
      %run_scoped3A_114 = tpu.sem_alloc : memref<!tpu.dma_semaphore, #tpu.memory_space<semaphore_mem>>
      %dma_start3A = tpu.memref_slice %arg9[%run_scoped3A_79, %mul3A_8] : memref<16x10240xf32, #tpu.memory_space<vmem_shared>> -> memref<1x640xf32, #tpu.memory_space<vmem_shared>>
      %dma_start3A_115 = tpu.memref_squeeze %dma_start3A : memref<1x640xf32, #tpu.memory_space<vmem_shared>> -> memref<640xf32, #tpu.memory_space<vmem_shared>>
      %dma_start3A_116 = tpu.memref_slice %arg9[%run_scoped3A_79, %mul3A_8] : memref<16x10240xf32, #tpu.memory_space<vmem_shared>> -> memref<1x640xf32, #tpu.memory_space<vmem_shared>>
      %dma_start3A_117 = tpu.memref_squeeze %dma_start3A_116 : memref<1x640xf32, #tpu.memory_space<vmem_shared>> -> memref<640xf32, #tpu.memory_space<vmem_shared>>
      tpu.enqueue_dma source(%dma_start3A_117 : memref<640xf32, #tpu.memory_space<vmem_shared>>) target(%arg8 : memref<640xf32, #tpu.memory_space<vmem>>) target_semaphore(%run_scoped3A_114 : memref<!tpu.dma_semaphore, #tpu.memory_space<semaphore_mem>>)
      %dma_wait3A = tpu.memref_slice %arg9[%run_scoped3A_79, %mul3A_8] : memref<16x10240xf32, #tpu.memory_space<vmem_shared>> -> memref<1x640xf32, #tpu.memory_space<vmem_shared>>
      %dma_wait3A_118 = tpu.memref_squeeze %dma_wait3A : memref<1x640xf32, #tpu.memory_space<vmem_shared>> -> memref<640xf32, #tpu.memory_space<vmem_shared>>
      %dma_wait3A_119 = tpu.memref_slice %arg9[%run_scoped3A_79, %mul3A_8] : memref<16x10240xf32, #tpu.memory_space<vmem_shared>> -> memref<1x640xf32, #tpu.memory_space<vmem_shared>>
      %dma_wait3A_120 = tpu.memref_squeeze %dma_wait3A_119 : memref<1x640xf32, #tpu.memory_space<vmem_shared>> -> memref<640xf32, #tpu.memory_space<vmem_shared>>
      tpu.wait_dma2 semaphore(%run_scoped3A_114 : memref<!tpu.dma_semaphore, #tpu.memory_space<semaphore_mem>>) src(%dma_wait3A_120 : memref<640xf32, #tpu.memory_space<vmem_shared>>) dst(%arg8 : memref<640xf32, #tpu.memory_space<vmem>>)
      tpu.yield
    }) : () -> ()
    %scan3A_80 = arith.constant 0 : i32
    %scan3A_81 = arith.constant 0 : i32
    %scan3A_82 = arith.constant 40 : i32
    %scan3A_83 = arith.addi %scan3A_81, %scan3A_82 : i32
    %scan3A_84 = arith.constant 1 : i32
    scf.for %scan3A_114 = %scan3A_81 to %scan3A_83 step %scan3A_84  : i32 {
      %mul3A_115 = arith.constant 16 : i32
      %mul3A_116 = arith.muli %scan3A_114, %mul3A_115 : i32
      %get3A = arith.index_cast %mul3A_116 : i32 to index
      %get3A_117 = tpu.vector_load %arg7[%get3A] {strides = array<i32>} : memref<640xf32, #tpu.memory_space<vmem>>, vector<16xf32>,
      %get3A_118 = arith.index_cast %mul3A_116 : i32 to index
      %get3A_119 = tpu.vector_load %arg8[%get3A_118] {strides = array<i32>} : memref<640xf32, #tpu.memory_space<vmem>>, vector<16xf32>,
      %add3A_120 = arith.addf %get3A_117, %get3A_119 : vector<16xf32>
      %swap3A = arith.index_cast %mul3A_116 : i32 to index
      %swap3A_121 = tpu.vector_load %arg7[%swap3A] {strides = array<i32>} : memref<640xf32, #tpu.memory_space<vmem>>, vector<16xf32>,
      tpu.vector_store %arg7[%swap3A], %add3A_120 {strides = array<i32>} : memref<640xf32, #tpu.memory_space<vmem>>, vector<16xf32>,
    }
    %scan3A_85 = arith.constant 40 : i32
    %run_scoped3A_86 = arith.constant 12 : i32
    "tpu.region"() ({
      %run_scoped3A_114 = tpu.sem_alloc : memref<!tpu.dma_semaphore, #tpu.memory_space<semaphore_mem>>
      %dma_start3A = tpu.memref_slice %arg9[%run_scoped3A_86, %mul3A_8] : memref<16x10240xf32, #tpu.memory_space<vmem_shared>> -> memref<1x640xf32, #tpu.memory_space<vmem_shared>>
      %dma_start3A_115 = tpu.memref_squeeze %dma_start3A : memref<1x640xf32, #tpu.memory_space<vmem_shared>> -> memref<640xf32, #tpu.memory_space<vmem_shared>>
      %dma_start3A_116 = tpu.memref_slice %arg9[%run_scoped3A_86, %mul3A_8] : memref<16x10240xf32, #tpu.memory_space<vmem_shared>> -> memref<1x640xf32, #tpu.memory_space<vmem_shared>>
      %dma_start3A_117 = tpu.memref_squeeze %dma_start3A_116 : memref<1x640xf32, #tpu.memory_space<vmem_shared>> -> memref<640xf32, #tpu.memory_space<vmem_shared>>
      tpu.enqueue_dma source(%dma_start3A_117 : memref<640xf32, #tpu.memory_space<vmem_shared>>) target(%arg8 : memref<640xf32, #tpu.memory_space<vmem>>) target_semaphore(%run_scoped3A_114 : memref<!tpu.dma_semaphore, #tpu.memory_space<semaphore_mem>>)
      %dma_wait3A = tpu.memref_slice %arg9[%run_scoped3A_86, %mul3A_8] : memref<16x10240xf32, #tpu.memory_space<vmem_shared>> -> memref<1x640xf32, #tpu.memory_space<vmem_shared>>
      %dma_wait3A_118 = tpu.memref_squeeze %dma_wait3A : memref<1x640xf32, #tpu.memory_space<vmem_shared>> -> memref<640xf32, #tpu.memory_space<vmem_shared>>
      %dma_wait3A_119 = tpu.memref_slice %arg9[%run_scoped3A_86, %mul3A_8] : memref<16x10240xf32, #tpu.memory_space<vmem_shared>> -> memref<1x640xf32, #tpu.memory_space<vmem_shared>>
      %dma_wait3A_120 = tpu.memref_squeeze %dma_wait3A_119 : memref<1x640xf32, #tpu.memory_space<vmem_shared>> -> memref<640xf32, #tpu.memory_space<vmem_shared>>
      tpu.wait_dma2 semaphore(%run_scoped3A_114 : memref<!tpu.dma_semaphore, #tpu.memory_space<semaphore_mem>>) src(%dma_wait3A_120 : memref<640xf32, #tpu.memory_space<vmem_shared>>) dst(%arg8 : memref<640xf32, #tpu.memory_space<vmem>>)
      tpu.yield
    }) : () -> ()
    %scan3A_87 = arith.constant 0 : i32
    %scan3A_88 = arith.constant 0 : i32
    %scan3A_89 = arith.constant 40 : i32
    %scan3A_90 = arith.addi %scan3A_88, %scan3A_89 : i32
    %scan3A_91 = arith.constant 1 : i32
    scf.for %scan3A_114 = %scan3A_88 to %scan3A_90 step %scan3A_91  : i32 {
      %mul3A_115 = arith.constant 16 : i32
      %mul3A_116 = arith.muli %scan3A_114, %mul3A_115 : i32
      %get3A = arith.index_cast %mul3A_116 : i32 to index
      %get3A_117 = tpu.vector_load %arg7[%get3A] {strides = array<i32>} : memref<640xf32, #tpu.memory_space<vmem>>, vector<16xf32>,
      %get3A_118 = arith.index_cast %mul3A_116 : i32 to index
      %get3A_119 = tpu.vector_load %arg8[%get3A_118] {strides = array<i32>} : memref<640xf32, #tpu.memory_space<vmem>>, vector<16xf32>,
      %add3A_120 = arith.addf %get3A_117, %get3A_119 : vector<16xf32>
      %swap3A = arith.index_cast %mul3A_116 : i32 to index
      %swap3A_121 = tpu.vector_load %arg7[%swap3A] {strides = array<i32>} : memref<640xf32, #tpu.memory_space<vmem>>, vector<16xf32>,
      tpu.vector_store %arg7[%swap3A], %add3A_120 {strides = array<i32>} : memref<640xf32, #tpu.memory_space<vmem>>, vector<16xf32>,
    }
    %scan3A_92 = arith.constant 40 : i32
    %run_scoped3A_93 = arith.constant 13 : i32
    "tpu.region"() ({
      %run_scoped3A_114 = tpu.sem_alloc : memref<!tpu.dma_semaphore, #tpu.memory_space<semaphore_mem>>
      %dma_start3A = tpu.memref_slice %arg9[%run_scoped3A_93, %mul3A_8] : memref<16x10240xf32, #tpu.memory_space<vmem_shared>> -> memref<1x640xf32, #tpu.memory_space<vmem_shared>>
      %dma_start3A_115 = tpu.memref_squeeze %dma_start3A : memref<1x640xf32, #tpu.memory_space<vmem_shared>> -> memref<640xf32, #tpu.memory_space<vmem_shared>>
      %dma_start3A_116 = tpu.memref_slice %arg9[%run_scoped3A_93, %mul3A_8] : memref<16x10240xf32, #tpu.memory_space<vmem_shared>> -> memref<1x640xf32, #tpu.memory_space<vmem_shared>>
      %dma_start3A_117 = tpu.memref_squeeze %dma_start3A_116 : memref<1x640xf32, #tpu.memory_space<vmem_shared>> -> memref<640xf32, #tpu.memory_space<vmem_shared>>
      tpu.enqueue_dma source(%dma_start3A_117 : memref<640xf32, #tpu.memory_space<vmem_shared>>) target(%arg8 : memref<640xf32, #tpu.memory_space<vmem>>) target_semaphore(%run_scoped3A_114 : memref<!tpu.dma_semaphore, #tpu.memory_space<semaphore_mem>>)
      %dma_wait3A = tpu.memref_slice %arg9[%run_scoped3A_93, %mul3A_8] : memref<16x10240xf32, #tpu.memory_space<vmem_shared>> -> memref<1x640xf32, #tpu.memory_space<vmem_shared>>
      %dma_wait3A_118 = tpu.memref_squeeze %dma_wait3A : memref<1x640xf32, #tpu.memory_space<vmem_shared>> -> memref<640xf32, #tpu.memory_space<vmem_shared>>
      %dma_wait3A_119 = tpu.memref_slice %arg9[%run_scoped3A_93, %mul3A_8] : memref<16x10240xf32, #tpu.memory_space<vmem_shared>> -> memref<1x640xf32, #tpu.memory_space<vmem_shared>>
      %dma_wait3A_120 = tpu.memref_squeeze %dma_wait3A_119 : memref<1x640xf32, #tpu.memory_space<vmem_shared>> -> memref<640xf32, #tpu.memory_space<vmem_shared>>
      tpu.wait_dma2 semaphore(%run_scoped3A_114 : memref<!tpu.dma_semaphore, #tpu.memory_space<semaphore_mem>>) src(%dma_wait3A_120 : memref<640xf32, #tpu.memory_space<vmem_shared>>) dst(%arg8 : memref<640xf32, #tpu.memory_space<vmem>>)
      tpu.yield
    }) : () -> ()
    %scan3A_94 = arith.constant 0 : i32
    %scan3A_95 = arith.constant 0 : i32
    %scan3A_96 = arith.constant 40 : i32
    %scan3A_97 = arith.addi %scan3A_95, %scan3A_96 : i32
    %scan3A_98 = arith.constant 1 : i32
    scf.for %scan3A_114 = %scan3A_95 to %scan3A_97 step %scan3A_98  : i32 {
      %mul3A_115 = arith.constant 16 : i32
      %mul3A_116 = arith.muli %scan3A_114, %mul3A_115 : i32
      %get3A = arith.index_cast %mul3A_116 : i32 to index
      %get3A_117 = tpu.vector_load %arg7[%get3A] {strides = array<i32>} : memref<640xf32, #tpu.memory_space<vmem>>, vector<16xf32>,
      %get3A_118 = arith.index_cast %mul3A_116 : i32 to index
      %get3A_119 = tpu.vector_load %arg8[%get3A_118] {strides = array<i32>} : memref<640xf32, #tpu.memory_space<vmem>>, vector<16xf32>,
      %add3A_120 = arith.addf %get3A_117, %get3A_119 : vector<16xf32>
      %swap3A = arith.index_cast %mul3A_116 : i32 to index
      %swap3A_121 = tpu.vector_load %arg7[%swap3A] {strides = array<i32>} : memref<640xf32, #tpu.memory_space<vmem>>, vector<16xf32>,
      tpu.vector_store %arg7[%swap3A], %add3A_120 {strides = array<i32>} : memref<640xf32, #tpu.memory_space<vmem>>, vector<16xf32>,
    }
    %scan3A_99 = arith.constant 40 : i32
    %run_scoped3A_100 = arith.constant 14 : i32
    "tpu.region"() ({
      %run_scoped3A_114 = tpu.sem_alloc : memref<!tpu.dma_semaphore, #tpu.memory_space<semaphore_mem>>
      %dma_start3A = tpu.memref_slice %arg9[%run_scoped3A_100, %mul3A_8] : memref<16x10240xf32, #tpu.memory_space<vmem_shared>> -> memref<1x640xf32, #tpu.memory_space<vmem_shared>>
      %dma_start3A_115 = tpu.memref_squeeze %dma_start3A : memref<1x640xf32, #tpu.memory_space<vmem_shared>> -> memref<640xf32, #tpu.memory_space<vmem_shared>>
      %dma_start3A_116 = tpu.memref_slice %arg9[%run_scoped3A_100, %mul3A_8] : memref<16x10240xf32, #tpu.memory_space<vmem_shared>> -> memref<1x640xf32, #tpu.memory_space<vmem_shared>>
      %dma_start3A_117 = tpu.memref_squeeze %dma_start3A_116 : memref<1x640xf32, #tpu.memory_space<vmem_shared>> -> memref<640xf32, #tpu.memory_space<vmem_shared>>
      tpu.enqueue_dma source(%dma_start3A_117 : memref<640xf32, #tpu.memory_space<vmem_shared>>) target(%arg8 : memref<640xf32, #tpu.memory_space<vmem>>) target_semaphore(%run_scoped3A_114 : memref<!tpu.dma_semaphore, #tpu.memory_space<semaphore_mem>>)
      %dma_wait3A = tpu.memref_slice %arg9[%run_scoped3A_100, %mul3A_8] : memref<16x10240xf32, #tpu.memory_space<vmem_shared>> -> memref<1x640xf32, #tpu.memory_space<vmem_shared>>
      %dma_wait3A_118 = tpu.memref_squeeze %dma_wait3A : memref<1x640xf32, #tpu.memory_space<vmem_shared>> -> memref<640xf32, #tpu.memory_space<vmem_shared>>
      %dma_wait3A_119 = tpu.memref_slice %arg9[%run_scoped3A_100, %mul3A_8] : memref<16x10240xf32, #tpu.memory_space<vmem_shared>> -> memref<1x640xf32, #tpu.memory_space<vmem_shared>>
      %dma_wait3A_120 = tpu.memref_squeeze %dma_wait3A_119 : memref<1x640xf32, #tpu.memory_space<vmem_shared>> -> memref<640xf32, #tpu.memory_space<vmem_shared>>
      tpu.wait_dma2 semaphore(%run_scoped3A_114 : memref<!tpu.dma_semaphore, #tpu.memory_space<semaphore_mem>>) src(%dma_wait3A_120 : memref<640xf32, #tpu.memory_space<vmem_shared>>) dst(%arg8 : memref<640xf32, #tpu.memory_space<vmem>>)
      tpu.yield
    }) : () -> ()
    %scan3A_101 = arith.constant 0 : i32
    %scan3A_102 = arith.constant 0 : i32
    %scan3A_103 = arith.constant 40 : i32
    %scan3A_104 = arith.addi %scan3A_102, %scan3A_103 : i32
    %scan3A_105 = arith.constant 1 : i32
    scf.for %scan3A_114 = %scan3A_102 to %scan3A_104 step %scan3A_105  : i32 {
      %mul3A_115 = arith.constant 16 : i32
      %mul3A_116 = arith.muli %scan3A_114, %mul3A_115 : i32
      %get3A = arith.index_cast %mul3A_116 : i32 to index
      %get3A_117 = tpu.vector_load %arg7[%get3A] {strides = array<i32>} : memref<640xf32, #tpu.memory_space<vmem>>, vector<16xf32>,
      %get3A_118 = arith.index_cast %mul3A_116 : i32 to index
      %get3A_119 = tpu.vector_load %arg8[%get3A_118] {strides = array<i32>} : memref<640xf32, #tpu.memory_space<vmem>>, vector<16xf32>,
      %add3A_120 = arith.addf %get3A_117, %get3A_119 : vector<16xf32>
      %swap3A = arith.index_cast %mul3A_116 : i32 to index
      %swap3A_121 = tpu.vector_load %arg7[%swap3A] {strides = array<i32>} : memref<640xf32, #tpu.memory_space<vmem>>, vector<16xf32>,
      tpu.vector_store %arg7[%swap3A], %add3A_120 {strides = array<i32>} : memref<640xf32, #tpu.memory_space<vmem>>, vector<16xf32>,
    }
    %scan3A_106 = arith.constant 40 : i32
    %run_scoped3A_107 = arith.constant 15 : i32
    "tpu.region"() ({
      %run_scoped3A_114 = tpu.sem_alloc : memref<!tpu.dma_semaphore, #tpu.memory_space<semaphore_mem>>
      %dma_start3A = tpu.memref_slice %arg9[%run_scoped3A_107, %mul3A_8] : memref<16x10240xf32, #tpu.memory_space<vmem_shared>> -> memref<1x640xf32, #tpu.memory_space<vmem_shared>>
      %dma_start3A_115 = tpu.memref_squeeze %dma_start3A : memref<1x640xf32, #tpu.memory_space<vmem_shared>> -> memref<640xf32, #tpu.memory_space<vmem_shared>>
      %dma_start3A_116 = tpu.memref_slice %arg9[%run_scoped3A_107, %mul3A_8] : memref<16x10240xf32, #tpu.memory_space<vmem_shared>> -> memref<1x640xf32, #tpu.memory_space<vmem_shared>>
      %dma_start3A_117 = tpu.memref_squeeze %dma_start3A_116 : memref<1x640xf32, #tpu.memory_space<vmem_shared>> -> memref<640xf32, #tpu.memory_space<vmem_shared>>
      tpu.enqueue_dma source(%dma_start3A_117 : memref<640xf32, #tpu.memory_space<vmem_shared>>) target(%arg8 : memref<640xf32, #tpu.memory_space<vmem>>) target_semaphore(%run_scoped3A_114 : memref<!tpu.dma_semaphore, #tpu.memory_space<semaphore_mem>>)
      %dma_wait3A = tpu.memref_slice %arg9[%run_scoped3A_107, %mul3A_8] : memref<16x10240xf32, #tpu.memory_space<vmem_shared>> -> memref<1x640xf32, #tpu.memory_space<vmem_shared>>
      %dma_wait3A_118 = tpu.memref_squeeze %dma_wait3A : memref<1x640xf32, #tpu.memory_space<vmem_shared>> -> memref<640xf32, #tpu.memory_space<vmem_shared>>
      %dma_wait3A_119 = tpu.memref_slice %arg9[%run_scoped3A_107, %mul3A_8] : memref<16x10240xf32, #tpu.memory_space<vmem_shared>> -> memref<1x640xf32, #tpu.memory_space<vmem_shared>>
      %dma_wait3A_120 = tpu.memref_squeeze %dma_wait3A_119 : memref<1x640xf32, #tpu.memory_space<vmem_shared>> -> memref<640xf32, #tpu.memory_space<vmem_shared>>
      tpu.wait_dma2 semaphore(%run_scoped3A_114 : memref<!tpu.dma_semaphore, #tpu.memory_space<semaphore_mem>>) src(%dma_wait3A_120 : memref<640xf32, #tpu.memory_space<vmem_shared>>) dst(%arg8 : memref<640xf32, #tpu.memory_space<vmem>>)
      tpu.yield
    }) : () -> ()
    %scan3A_108 = arith.constant 0 : i32
    %scan3A_109 = arith.constant 0 : i32
    %scan3A_110 = arith.constant 40 : i32
    %scan3A_111 = arith.addi %scan3A_109, %scan3A_110 : i32
    %scan3A_112 = arith.constant 1 : i32
    scf.for %scan3A_114 = %scan3A_109 to %scan3A_111 step %scan3A_112  : i32 {
      %mul3A_115 = arith.constant 16 : i32
      %mul3A_116 = arith.muli %scan3A_114, %mul3A_115 : i32
      %get3A = arith.index_cast %mul3A_116 : i32 to index
      %get3A_117 = tpu.vector_load %arg7[%get3A] {strides = array<i32>} : memref<640xf32, #tpu.memory_space<vmem>>, vector<16xf32>,
      %get3A_118 = arith.index_cast %mul3A_116 : i32 to index
      %get3A_119 = tpu.vector_load %arg8[%get3A_118] {strides = array<i32>} : memref<640xf32, #tpu.memory_space<vmem>>, vector<16xf32>,
      %add3A_120 = arith.addf %get3A_117, %get3A_119 : vector<16xf32>
      %swap3A = arith.index_cast %mul3A_116 : i32 to index
      %swap3A_121 = tpu.vector_load %arg7[%swap3A] {strides = array<i32>} : memref<640xf32, #tpu.memory_space<vmem>>, vector<16xf32>,
      tpu.vector_store %arg7[%swap3A], %add3A_120 {strides = array<i32>} : memref<640xf32, #tpu.memory_space<vmem>>, vector<16xf32>,
    }
    %scan3A_113 = arith.constant 40 : i32
    "tpu.region"() ({
      %run_scoped3A_114 = tpu.sem_alloc : memref<!tpu.dma_semaphore, #tpu.memory_space<semaphore_mem>>
      %dma_start3A = tpu.memref_slice %arg4[%arg0, %mul3A_8] : memref<2x10240xf32, #tpu.memory_space<hbm>> -> memref<1x640xf32, #tpu.memory_space<hbm>>
      %dma_start3A_115 = tpu.memref_squeeze %dma_start3A : memref<1x640xf32, #tpu.memory_space<hbm>> -> memref<640xf32, #tpu.memory_space<hbm>>
      %dma_start3A_116 = tpu.memref_slice %arg4[%arg0, %mul3A_8] : memref<2x10240xf32, #tpu.memory_space<hbm>> -> memref<1x640xf32, #tpu.memory_space<hbm>>
      %dma_start3A_117 = tpu.memref_squeeze %dma_start3A_116 : memref<1x640xf32, #tpu.memory_space<hbm>> -> memref<640xf32, #tpu.memory_space<hbm>>
      tpu.enqueue_dma source(%arg7 : memref<640xf32, #tpu.memory_space<vmem>>) target(%dma_start3A_117 : memref<640xf32, #tpu.memory_space<hbm>>) target_semaphore(%run_scoped3A_114 : memref<!tpu.dma_semaphore, #tpu.memory_space<semaphore_mem>>)
      %dma_wait3A = tpu.memref_slice %arg4[%arg0, %mul3A_8] : memref<2x10240xf32, #tpu.memory_space<hbm>> -> memref<1x640xf32, #tpu.memory_space<hbm>>
      %dma_wait3A_118 = tpu.memref_squeeze %dma_wait3A : memref<1x640xf32, #tpu.memory_space<hbm>> -> memref<640xf32, #tpu.memory_space<hbm>>
      %dma_wait3A_119 = tpu.memref_slice %arg4[%arg0, %mul3A_8] : memref<2x10240xf32, #tpu.memory_space<hbm>> -> memref<1x640xf32, #tpu.memory_space<hbm>>
      %dma_wait3A_120 = tpu.memref_squeeze %dma_wait3A_119 : memref<1x640xf32, #tpu.memory_space<hbm>> -> memref<640xf32, #tpu.memory_space<hbm>>
      tpu.wait_dma2 semaphore(%run_scoped3A_114 : memref<!tpu.dma_semaphore, #tpu.memory_space<semaphore_mem>>) src(%arg7 : memref<640xf32, #tpu.memory_space<vmem>>) dst(%dma_wait3A_120 : memref<640xf32, #tpu.memory_space<hbm>>)
      tpu.yield
    }) : () -> ()
    return
  }
}

#map = affine_map<(d0, d1) -> (0, 0)>
#map1 = affine_map<(d0, d1) -> (0, 0, 0, 0)>
#map2 = affine_map<(d0, d1) -> (0, 0, 0)>
module attributes {stable_mosaic.version = 14 : i64} {
  func.func @_scat_body(%arg0: i32, %arg1: i32, %arg2: memref<10240x128xf32, #tpu.memory_space<hbm>>, %arg3: memref<32x126x2x80xi32, #tpu.memory_space<hbm>>, %arg4: memref<1256x128xf32, #tpu.memory_space<hbm>>, %arg5: memref<2x10240x128xf32, #tpu.memory_space<hbm>>, %arg6: memref<5x2x80xi32, #tpu.memory_space<vmem>>, %arg7: memref<3x80x128xf32, #tpu.memory_space<vmem>>, %arg8: memref<10048x128xf32, #tpu.memory_space<vmem_shared>>, %arg9: memref<3x!tpu.dma_semaphore, #tpu.memory_space<semaphore_mem>>, %arg10: memref<3x!tpu.dma_semaphore, #tpu.memory_space<semaphore_mem>>, %arg11: memref<5x!tpu.dma_semaphore, #tpu.memory_space<semaphore_mem>>) attributes {dimension_semantics = [#tpu.dimension_semantics<core_parallel>, #tpu.dimension_semantics<subcore_parallel>], iteration_bounds = array<i64: 2, 16>, scalar_prefetch = 0 : i64, scratch_operands = 6 : i64, tpu.core_type = #tpu.core_type<sc_vector_subcore>, window_params = [{transform_indices = #map}, {transform_indices = #map1}, {transform_indices = #map}, {transform_indices = #map2}]} {
    %mul3A = arith.constant 2 : i32
    %mul3A_0 = arith.muli %arg1, %mul3A : i32
    %add3A = arith.addi %mul3A_0, %arg0 : i32
    %lt3A = arith.constant 8 : i32
    %lt3A_1 = arith.cmpi slt, %arg1, %lt3A : i32
    %convert_element_type3A = arith.extui %lt3A_1 : i1 to i32
    %cond3A = arith.constant 0 : i32
    %cond3A_2 = arith.cmpi ne, %convert_element_type3A, %cond3A : i32
    scf.if %cond3A_2 {
      %mul3A_192 = arith.constant 1256 : i32
      %mul3A_193 = arith.muli %arg1, %mul3A_192 : i32
      "tpu.region"() ({
        %run_scoped3A = tpu.sem_alloc : memref<!tpu.dma_semaphore, #tpu.memory_space<semaphore_mem>>
        %dma_start3A_194 = arith.constant 0 : i32
        %dma_start3A_195 = tpu.memref_slice %arg8[%mul3A_193, %dma_start3A_194] : memref<10048x128xf32, #tpu.memory_space<vmem_shared>> -> memref<1256x128xf32, #tpu.memory_space<vmem_shared>>
        tpu.enqueue_dma source(%arg4 : memref<1256x128xf32, #tpu.memory_space<hbm>>) target(%dma_start3A_195 : memref<1256x128xf32, #tpu.memory_space<vmem_shared>>) target_semaphore(%run_scoped3A : memref<!tpu.dma_semaphore, #tpu.memory_space<semaphore_mem>>)
        %dma_wait3A_196 = arith.constant 0 : i32
        %dma_wait3A_197 = tpu.memref_slice %arg8[%mul3A_193, %dma_wait3A_196] : memref<10048x128xf32, #tpu.memory_space<vmem_shared>> -> memref<1256x128xf32, #tpu.memory_space<vmem_shared>>
        tpu.wait_dma2 semaphore(%run_scoped3A : memref<!tpu.dma_semaphore, #tpu.memory_space<semaphore_mem>>) src(%arg4 : memref<1256x128xf32, #tpu.memory_space<hbm>>) dst(%dma_wait3A_197 : memref<1256x128xf32, #tpu.memory_space<vmem_shared>>)
        tpu.yield
      }) : () -> ()
    } else {
    }
    %dma_start3A = arith.constant 0 : i32
    %dma_start3A_3 = arith.constant 0 : i32
    %dma_start3A_4 = arith.constant 0 : i32
    %dma_start3A_5 = arith.constant 0 : i32
    %dma_start3A_6 = arith.constant 0 : i32
    %dma_start3A_7 = tpu.memref_slice %arg6[%dma_start3A_3, %dma_start3A_5, %dma_start3A_6] : memref<5x2x80xi32, #tpu.memory_space<vmem>> -> memref<1x2x80xi32, #tpu.memory_space<vmem>>
    %dma_start3A_8 = tpu.memref_squeeze %dma_start3A_7 : memref<1x2x80xi32, #tpu.memory_space<vmem>> -> memref<2x80xi32, #tpu.memory_space<vmem>>
    %dma_start3A_9 = arith.constant 0 : i32
    %dma_start3A_10 = arith.constant 0 : i32
    %dma_start3A_11 = tpu.memref_slice %arg3[%add3A, %dma_start3A, %dma_start3A_9, %dma_start3A_10] : memref<32x126x2x80xi32, #tpu.memory_space<hbm>> -> memref<1x1x2x80xi32, #tpu.memory_space<hbm>>
    %dma_start3A_12 = tpu.memref_squeeze %dma_start3A_11 : memref<1x1x2x80xi32, #tpu.memory_space<hbm>> -> memref<2x80xi32, #tpu.memory_space<hbm>>
    %dma_start3A_13 = tpu.memref_slice %arg11[%dma_start3A_4] : memref<5x!tpu.dma_semaphore, #tpu.memory_space<semaphore_mem>> -> memref<1x!tpu.dma_semaphore, #tpu.memory_space<semaphore_mem>>
    %dma_start3A_14 = tpu.memref_squeeze %dma_start3A_13 : memref<1x!tpu.dma_semaphore, #tpu.memory_space<semaphore_mem>> -> memref<!tpu.dma_semaphore, #tpu.memory_space<semaphore_mem>>
    %dma_start3A_15 = arith.constant 0 : i32
    %dma_start3A_16 = arith.constant 0 : i32
    %dma_start3A_17 = tpu.memref_slice %arg6[%dma_start3A_3, %dma_start3A_15, %dma_start3A_16] : memref<5x2x80xi32, #tpu.memory_space<vmem>> -> memref<1x2x80xi32, #tpu.memory_space<vmem>>
    %dma_start3A_18 = tpu.memref_squeeze %dma_start3A_17 : memref<1x2x80xi32, #tpu.memory_space<vmem>> -> memref<2x80xi32, #tpu.memory_space<vmem>>
    %dma_start3A_19 = arith.constant 0 : i32
    %dma_start3A_20 = arith.constant 0 : i32
    %dma_start3A_21 = tpu.memref_slice %arg3[%add3A, %dma_start3A, %dma_start3A_19, %dma_start3A_20] : memref<32x126x2x80xi32, #tpu.memory_space<hbm>> -> memref<1x1x2x80xi32, #tpu.memory_space<hbm>>
    %dma_start3A_22 = tpu.memref_squeeze %dma_start3A_21 : memref<1x1x2x80xi32, #tpu.memory_space<hbm>> -> memref<2x80xi32, #tpu.memory_space<hbm>>
    tpu.enqueue_dma source(%dma_start3A_22 : memref<2x80xi32, #tpu.memory_space<hbm>>) target(%dma_start3A_18 : memref<2x80xi32, #tpu.memory_space<vmem>>) target_semaphore(%dma_start3A_14 : memref<!tpu.dma_semaphore, #tpu.memory_space<semaphore_mem>>)
    %dma_start3A_23 = arith.constant 1 : i32
    %dma_start3A_24 = arith.constant 1 : i32
    %dma_start3A_25 = arith.constant 1 : i32
    %dma_start3A_26 = arith.constant 0 : i32
    %dma_start3A_27 = arith.constant 0 : i32
    %dma_start3A_28 = tpu.memref_slice %arg6[%dma_start3A_24, %dma_start3A_26, %dma_start3A_27] : memref<5x2x80xi32, #tpu.memory_space<vmem>> -> memref<1x2x80xi32, #tpu.memory_space<vmem>>
    %dma_start3A_29 = tpu.memref_squeeze %dma_start3A_28 : memref<1x2x80xi32, #tpu.memory_space<vmem>> -> memref<2x80xi32, #tpu.memory_space<vmem>>
    %dma_start3A_30 = arith.constant 0 : i32
    %dma_start3A_31 = arith.constant 0 : i32
    %dma_start3A_32 = tpu.memref_slice %arg3[%add3A, %dma_start3A_23, %dma_start3A_30, %dma_start3A_31] : memref<32x126x2x80xi32, #tpu.memory_space<hbm>> -> memref<1x1x2x80xi32, #tpu.memory_space<hbm>>
    %dma_start3A_33 = tpu.memref_squeeze %dma_start3A_32 : memref<1x1x2x80xi32, #tpu.memory_space<hbm>> -> memref<2x80xi32, #tpu.memory_space<hbm>>
    %dma_start3A_34 = tpu.memref_slice %arg11[%dma_start3A_25] : memref<5x!tpu.dma_semaphore, #tpu.memory_space<semaphore_mem>> -> memref<1x!tpu.dma_semaphore, #tpu.memory_space<semaphore_mem>>
    %dma_start3A_35 = tpu.memref_squeeze %dma_start3A_34 : memref<1x!tpu.dma_semaphore, #tpu.memory_space<semaphore_mem>> -> memref<!tpu.dma_semaphore, #tpu.memory_space<semaphore_mem>>
    %dma_start3A_36 = arith.constant 0 : i32
    %dma_start3A_37 = arith.constant 0 : i32
    %dma_start3A_38 = tpu.memref_slice %arg6[%dma_start3A_24, %dma_start3A_36, %dma_start3A_37] : memref<5x2x80xi32, #tpu.memory_space<vmem>> -> memref<1x2x80xi32, #tpu.memory_space<vmem>>
    %dma_start3A_39 = tpu.memref_squeeze %dma_start3A_38 : memref<1x2x80xi32, #tpu.memory_space<vmem>> -> memref<2x80xi32, #tpu.memory_space<vmem>>
    %dma_start3A_40 = arith.constant 0 : i32
    %dma_start3A_41 = arith.constant 0 : i32
    %dma_start3A_42 = tpu.memref_slice %arg3[%add3A, %dma_start3A_23, %dma_start3A_40, %dma_start3A_41] : memref<32x126x2x80xi32, #tpu.memory_space<hbm>> -> memref<1x1x2x80xi32, #tpu.memory_space<hbm>>
    %dma_start3A_43 = tpu.memref_squeeze %dma_start3A_42 : memref<1x1x2x80xi32, #tpu.memory_space<hbm>> -> memref<2x80xi32, #tpu.memory_space<hbm>>
    tpu.enqueue_dma source(%dma_start3A_43 : memref<2x80xi32, #tpu.memory_space<hbm>>) target(%dma_start3A_39 : memref<2x80xi32, #tpu.memory_space<vmem>>) target_semaphore(%dma_start3A_35 : memref<!tpu.dma_semaphore, #tpu.memory_space<semaphore_mem>>)
    %dma_start3A_44 = arith.constant 2 : i32
    %dma_start3A_45 = arith.constant 2 : i32
    %dma_start3A_46 = arith.constant 2 : i32
    %dma_start3A_47 = arith.constant 0 : i32
    %dma_start3A_48 = arith.constant 0 : i32
    %dma_start3A_49 = tpu.memref_slice %arg6[%dma_start3A_45, %dma_start3A_47, %dma_start3A_48] : memref<5x2x80xi32, #tpu.memory_space<vmem>> -> memref<1x2x80xi32, #tpu.memory_space<vmem>>
    %dma_start3A_50 = tpu.memref_squeeze %dma_start3A_49 : memref<1x2x80xi32, #tpu.memory_space<vmem>> -> memref<2x80xi32, #tpu.memory_space<vmem>>
    %dma_start3A_51 = arith.constant 0 : i32
    %dma_start3A_52 = arith.constant 0 : i32
    %dma_start3A_53 = tpu.memref_slice %arg3[%add3A, %dma_start3A_44, %dma_start3A_51, %dma_start3A_52] : memref<32x126x2x80xi32, #tpu.memory_space<hbm>> -> memref<1x1x2x80xi32, #tpu.memory_space<hbm>>
    %dma_start3A_54 = tpu.memref_squeeze %dma_start3A_53 : memref<1x1x2x80xi32, #tpu.memory_space<hbm>> -> memref<2x80xi32, #tpu.memory_space<hbm>>
    %dma_start3A_55 = tpu.memref_slice %arg11[%dma_start3A_46] : memref<5x!tpu.dma_semaphore, #tpu.memory_space<semaphore_mem>> -> memref<1x!tpu.dma_semaphore, #tpu.memory_space<semaphore_mem>>
    %dma_start3A_56 = tpu.memref_squeeze %dma_start3A_55 : memref<1x!tpu.dma_semaphore, #tpu.memory_space<semaphore_mem>> -> memref<!tpu.dma_semaphore, #tpu.memory_space<semaphore_mem>>
    %dma_start3A_57 = arith.constant 0 : i32
    %dma_start3A_58 = arith.constant 0 : i32
    %dma_start3A_59 = tpu.memref_slice %arg6[%dma_start3A_45, %dma_start3A_57, %dma_start3A_58] : memref<5x2x80xi32, #tpu.memory_space<vmem>> -> memref<1x2x80xi32, #tpu.memory_space<vmem>>
    %dma_start3A_60 = tpu.memref_squeeze %dma_start3A_59 : memref<1x2x80xi32, #tpu.memory_space<vmem>> -> memref<2x80xi32, #tpu.memory_space<vmem>>
    %dma_start3A_61 = arith.constant 0 : i32
    %dma_start3A_62 = arith.constant 0 : i32
    %dma_start3A_63 = tpu.memref_slice %arg3[%add3A, %dma_start3A_44, %dma_start3A_61, %dma_start3A_62] : memref<32x126x2x80xi32, #tpu.memory_space<hbm>> -> memref<1x1x2x80xi32, #tpu.memory_space<hbm>>
    %dma_start3A_64 = tpu.memref_squeeze %dma_start3A_63 : memref<1x1x2x80xi32, #tpu.memory_space<hbm>> -> memref<2x80xi32, #tpu.memory_space<hbm>>
    tpu.enqueue_dma source(%dma_start3A_64 : memref<2x80xi32, #tpu.memory_space<hbm>>) target(%dma_start3A_60 : memref<2x80xi32, #tpu.memory_space<vmem>>) target_semaphore(%dma_start3A_56 : memref<!tpu.dma_semaphore, #tpu.memory_space<semaphore_mem>>)
    %dma_start3A_65 = arith.constant 3 : i32
    %dma_start3A_66 = arith.constant 3 : i32
    %dma_start3A_67 = arith.constant 3 : i32
    %dma_start3A_68 = arith.constant 0 : i32
    %dma_start3A_69 = arith.constant 0 : i32
    %dma_start3A_70 = tpu.memref_slice %arg6[%dma_start3A_66, %dma_start3A_68, %dma_start3A_69] : memref<5x2x80xi32, #tpu.memory_space<vmem>> -> memref<1x2x80xi32, #tpu.memory_space<vmem>>
    %dma_start3A_71 = tpu.memref_squeeze %dma_start3A_70 : memref<1x2x80xi32, #tpu.memory_space<vmem>> -> memref<2x80xi32, #tpu.memory_space<vmem>>
    %dma_start3A_72 = arith.constant 0 : i32
    %dma_start3A_73 = arith.constant 0 : i32
    %dma_start3A_74 = tpu.memref_slice %arg3[%add3A, %dma_start3A_65, %dma_start3A_72, %dma_start3A_73] : memref<32x126x2x80xi32, #tpu.memory_space<hbm>> -> memref<1x1x2x80xi32, #tpu.memory_space<hbm>>
    %dma_start3A_75 = tpu.memref_squeeze %dma_start3A_74 : memref<1x1x2x80xi32, #tpu.memory_space<hbm>> -> memref<2x80xi32, #tpu.memory_space<hbm>>
    %dma_start3A_76 = tpu.memref_slice %arg11[%dma_start3A_67] : memref<5x!tpu.dma_semaphore, #tpu.memory_space<semaphore_mem>> -> memref<1x!tpu.dma_semaphore, #tpu.memory_space<semaphore_mem>>
    %dma_start3A_77 = tpu.memref_squeeze %dma_start3A_76 : memref<1x!tpu.dma_semaphore, #tpu.memory_space<semaphore_mem>> -> memref<!tpu.dma_semaphore, #tpu.memory_space<semaphore_mem>>
    %dma_start3A_78 = arith.constant 0 : i32
    %dma_start3A_79 = arith.constant 0 : i32
    %dma_start3A_80 = tpu.memref_slice %arg6[%dma_start3A_66, %dma_start3A_78, %dma_start3A_79] : memref<5x2x80xi32, #tpu.memory_space<vmem>> -> memref<1x2x80xi32, #tpu.memory_space<vmem>>
    %dma_start3A_81 = tpu.memref_squeeze %dma_start3A_80 : memref<1x2x80xi32, #tpu.memory_space<vmem>> -> memref<2x80xi32, #tpu.memory_space<vmem>>
    %dma_start3A_82 = arith.constant 0 : i32
    %dma_start3A_83 = arith.constant 0 : i32
    %dma_start3A_84 = tpu.memref_slice %arg3[%add3A, %dma_start3A_65, %dma_start3A_82, %dma_start3A_83] : memref<32x126x2x80xi32, #tpu.memory_space<hbm>> -> memref<1x1x2x80xi32, #tpu.memory_space<hbm>>
    %dma_start3A_85 = tpu.memref_squeeze %dma_start3A_84 : memref<1x1x2x80xi32, #tpu.memory_space<hbm>> -> memref<2x80xi32, #tpu.memory_space<hbm>>
    tpu.enqueue_dma source(%dma_start3A_85 : memref<2x80xi32, #tpu.memory_space<hbm>>) target(%dma_start3A_81 : memref<2x80xi32, #tpu.memory_space<vmem>>) target_semaphore(%dma_start3A_77 : memref<!tpu.dma_semaphore, #tpu.memory_space<semaphore_mem>>)
    %dma_wait3A = arith.constant 0 : i32
    %dma_wait3A_86 = arith.constant 0 : i32
    %dma_wait3A_87 = arith.constant 0 : i32
    %dma_wait3A_88 = arith.constant 0 : i32
    %dma_wait3A_89 = arith.constant 0 : i32
    %dma_wait3A_90 = tpu.memref_slice %arg6[%dma_wait3A_86, %dma_wait3A_88, %dma_wait3A_89] : memref<5x2x80xi32, #tpu.memory_space<vmem>> -> memref<1x2x80xi32, #tpu.memory_space<vmem>>
    %dma_wait3A_91 = tpu.memref_squeeze %dma_wait3A_90 : memref<1x2x80xi32, #tpu.memory_space<vmem>> -> memref<2x80xi32, #tpu.memory_space<vmem>>
    %dma_wait3A_92 = arith.constant 0 : i32
    %dma_wait3A_93 = arith.constant 0 : i32
    %dma_wait3A_94 = tpu.memref_slice %arg3[%add3A, %dma_wait3A, %dma_wait3A_92, %dma_wait3A_93] : memref<32x126x2x80xi32, #tpu.memory_space<hbm>> -> memref<1x1x2x80xi32, #tpu.memory_space<hbm>>
    %dma_wait3A_95 = tpu.memref_squeeze %dma_wait3A_94 : memref<1x1x2x80xi32, #tpu.memory_space<hbm>> -> memref<2x80xi32, #tpu.memory_space<hbm>>
    %dma_wait3A_96 = tpu.memref_slice %arg11[%dma_wait3A_87] : memref<5x!tpu.dma_semaphore, #tpu.memory_space<semaphore_mem>> -> memref<1x!tpu.dma_semaphore, #tpu.memory_space<semaphore_mem>>
    %dma_wait3A_97 = tpu.memref_squeeze %dma_wait3A_96 : memref<1x!tpu.dma_semaphore, #tpu.memory_space<semaphore_mem>> -> memref<!tpu.dma_semaphore, #tpu.memory_space<semaphore_mem>>
    %dma_wait3A_98 = arith.constant 0 : i32
    %dma_wait3A_99 = arith.constant 0 : i32
    %dma_wait3A_100 = tpu.memref_slice %arg6[%dma_wait3A_86, %dma_wait3A_98, %dma_wait3A_99] : memref<5x2x80xi32, #tpu.memory_space<vmem>> -> memref<1x2x80xi32, #tpu.memory_space<vmem>>
    %dma_wait3A_101 = tpu.memref_squeeze %dma_wait3A_100 : memref<1x2x80xi32, #tpu.memory_space<vmem>> -> memref<2x80xi32, #tpu.memory_space<vmem>>
    %dma_wait3A_102 = arith.constant 0 : i32
    %dma_wait3A_103 = arith.constant 0 : i32
    %dma_wait3A_104 = tpu.memref_slice %arg3[%add3A, %dma_wait3A, %dma_wait3A_102, %dma_wait3A_103] : memref<32x126x2x80xi32, #tpu.memory_space<hbm>> -> memref<1x1x2x80xi32, #tpu.memory_space<hbm>>
    %dma_wait3A_105 = tpu.memref_squeeze %dma_wait3A_104 : memref<1x1x2x80xi32, #tpu.memory_space<hbm>> -> memref<2x80xi32, #tpu.memory_space<hbm>>
    tpu.wait_dma2 semaphore(%dma_wait3A_97 : memref<!tpu.dma_semaphore, #tpu.memory_space<semaphore_mem>>) src(%dma_wait3A_105 : memref<2x80xi32, #tpu.memory_space<hbm>>) dst(%dma_wait3A_101 : memref<2x80xi32, #tpu.memory_space<vmem>>)
    %rem3A = arith.constant 0 : i32
    %rem3A_106 = arith.constant 5 : i32
    %rem3A_107 = arith.remsi %rem3A, %rem3A_106 : i32
    %dma_start3A_108 = arith.constant 0 : i32
    %dma_start3A_109 = arith.constant 0 : i32
    %dma_start3A_110 = arith.constant 0 : i32
    %dma_start3A_111 = arith.constant 0 : i32
    %dma_start3A_112 = arith.constant 0 : i32
    %dma_start3A_113 = tpu.memref_slice %arg7[%dma_start3A_109, %dma_start3A_111, %dma_start3A_112] : memref<3x80x128xf32, #tpu.memory_space<vmem>> -> memref<1x80x128xf32, #tpu.memory_space<vmem>>
    %dma_start3A_114 = tpu.memref_squeeze %dma_start3A_113 : memref<1x80x128xf32, #tpu.memory_space<vmem>> -> memref<80x128xf32, #tpu.memory_space<vmem>>
    %dma_start3A_115 = arith.constant 0 : i32
    %dma_start3A_116 = tpu.memref_slice %arg6[%rem3A_107, %dma_start3A_108, %dma_start3A_115] : memref<5x2x80xi32, #tpu.memory_space<vmem>> -> memref<1x1x80xi32, #tpu.memory_space<vmem>>
    %dma_start3A_117 = tpu.memref_squeeze %dma_start3A_116 : memref<1x1x80xi32, #tpu.memory_space<vmem>> -> memref<80xi32, #tpu.memory_space<vmem>>
    %dma_start3A_118 = arith.constant 0 : i32
    %dma_start3A_119 = arith.constant 0 : i32
    %dma_start3A_120 = tpu.memref_slice %arg2[%dma_start3A_118, %dma_start3A_119] : memref<10240x128xf32, #tpu.memory_space<hbm>> -> memref<10240x128xf32, #tpu.memory_space<hbm>>
    %dma_start3A_121 = tpu.memref_slice %arg9[%dma_start3A_110] : memref<3x!tpu.dma_semaphore, #tpu.memory_space<semaphore_mem>> -> memref<1x!tpu.dma_semaphore, #tpu.memory_space<semaphore_mem>>
    %dma_start3A_122 = tpu.memref_squeeze %dma_start3A_121 : memref<1x!tpu.dma_semaphore, #tpu.memory_space<semaphore_mem>> -> memref<!tpu.dma_semaphore, #tpu.memory_space<semaphore_mem>>
    tpu.enqueue_indirect_dma source(%dma_start3A_120 : memref<10240x128xf32, #tpu.memory_space<hbm>>) target(%dma_start3A_114 : memref<80x128xf32, #tpu.memory_space<vmem>>) offsets(%dma_start3A_117 : memref<80xi32, #tpu.memory_space<vmem>>) semaphore(%dma_start3A_122 : memref<!tpu.dma_semaphore, #tpu.memory_space<semaphore_mem>>)
    %dma_wait3A_123 = arith.constant 1 : i32
    %dma_wait3A_124 = arith.constant 1 : i32
    %dma_wait3A_125 = arith.constant 1 : i32
    %dma_wait3A_126 = arith.constant 0 : i32
    %dma_wait3A_127 = arith.constant 0 : i32
    %dma_wait3A_128 = tpu.memref_slice %arg6[%dma_wait3A_124, %dma_wait3A_126, %dma_wait3A_127] : memref<5x2x80xi32, #tpu.memory_space<vmem>> -> memref<1x2x80xi32, #tpu.memory_space<vmem>>
    %dma_wait3A_129 = tpu.memref_squeeze %dma_wait3A_128 : memref<1x2x80xi32, #tpu.memory_space<vmem>> -> memref<2x80xi32, #tpu.memory_space<vmem>>
    %dma_wait3A_130 = arith.constant 0 : i32
    %dma_wait3A_131 = arith.constant 0 : i32
    %dma_wait3A_132 = tpu.memref_slice %arg3[%add3A, %dma_wait3A_123, %dma_wait3A_130, %dma_wait3A_131] : memref<32x126x2x80xi32, #tpu.memory_space<hbm>> -> memref<1x1x2x80xi32, #tpu.memory_space<hbm>>
    %dma_wait3A_133 = tpu.memref_squeeze %dma_wait3A_132 : memref<1x1x2x80xi32, #tpu.memory_space<hbm>> -> memref<2x80xi32, #tpu.memory_space<hbm>>
    %dma_wait3A_134 = tpu.memref_slice %arg11[%dma_wait3A_125] : memref<5x!tpu.dma_semaphore, #tpu.memory_space<semaphore_mem>> -> memref<1x!tpu.dma_semaphore, #tpu.memory_space<semaphore_mem>>
    %dma_wait3A_135 = tpu.memref_squeeze %dma_wait3A_134 : memref<1x!tpu.dma_semaphore, #tpu.memory_space<semaphore_mem>> -> memref<!tpu.dma_semaphore, #tpu.memory_space<semaphore_mem>>
    %dma_wait3A_136 = arith.constant 0 : i32
    %dma_wait3A_137 = arith.constant 0 : i32
    %dma_wait3A_138 = tpu.memref_slice %arg6[%dma_wait3A_124, %dma_wait3A_136, %dma_wait3A_137] : memref<5x2x80xi32, #tpu.memory_space<vmem>> -> memref<1x2x80xi32, #tpu.memory_space<vmem>>
    %dma_wait3A_139 = tpu.memref_squeeze %dma_wait3A_138 : memref<1x2x80xi32, #tpu.memory_space<vmem>> -> memref<2x80xi32, #tpu.memory_space<vmem>>
    %dma_wait3A_140 = arith.constant 0 : i32
    %dma_wait3A_141 = arith.constant 0 : i32
    %dma_wait3A_142 = tpu.memref_slice %arg3[%add3A, %dma_wait3A_123, %dma_wait3A_140, %dma_wait3A_141] : memref<32x126x2x80xi32, #tpu.memory_space<hbm>> -> memref<1x1x2x80xi32, #tpu.memory_space<hbm>>
    %dma_wait3A_143 = tpu.memref_squeeze %dma_wait3A_142 : memref<1x1x2x80xi32, #tpu.memory_space<hbm>> -> memref<2x80xi32, #tpu.memory_space<hbm>>
    tpu.wait_dma2 semaphore(%dma_wait3A_135 : memref<!tpu.dma_semaphore, #tpu.memory_space<semaphore_mem>>) src(%dma_wait3A_143 : memref<2x80xi32, #tpu.memory_space<hbm>>) dst(%dma_wait3A_139 : memref<2x80xi32, #tpu.memory_space<vmem>>)
    %rem3A_144 = arith.constant 1 : i32
    %rem3A_145 = arith.constant 5 : i32
    %rem3A_146 = arith.remsi %rem3A_144, %rem3A_145 : i32
    %dma_start3A_147 = arith.constant 0 : i32
    %dma_start3A_148 = arith.constant 1 : i32
    %dma_start3A_149 = arith.constant 1 : i32
    %dma_start3A_150 = arith.constant 0 : i32
    %dma_start3A_151 = arith.constant 0 : i32
    %dma_start3A_152 = tpu.memref_slice %arg7[%dma_start3A_148, %dma_start3A_150, %dma_start3A_151] : memref<3x80x128xf32, #tpu.memory_space<vmem>> -> memref<1x80x128xf32, #tpu.memory_space<vmem>>
    %dma_start3A_153 = tpu.memref_squeeze %dma_start3A_152 : memref<1x80x128xf32, #tpu.memory_space<vmem>> -> memref<80x128xf32, #tpu.memory_space<vmem>>
    %dma_start3A_154 = arith.constant 0 : i32
    %dma_start3A_155 = tpu.memref_slice %arg6[%rem3A_146, %dma_start3A_147, %dma_start3A_154] : memref<5x2x80xi32, #tpu.memory_space<vmem>> -> memref<1x1x80xi32, #tpu.memory_space<vmem>>
    %dma_start3A_156 = tpu.memref_squeeze %dma_start3A_155 : memref<1x1x80xi32, #tpu.memory_space<vmem>> -> memref<80xi32, #tpu.memory_space<vmem>>
    %dma_start3A_157 = arith.constant 0 : i32
    %dma_start3A_158 = arith.constant 0 : i32
    %dma_start3A_159 = tpu.memref_slice %arg2[%dma_start3A_157, %dma_start3A_158] : memref<10240x128xf32, #tpu.memory_space<hbm>> -> memref<10240x128xf32, #tpu.memory_space<hbm>>
    %dma_start3A_160 = tpu.memref_slice %arg9[%dma_start3A_149] : memref<3x!tpu.dma_semaphore, #tpu.memory_space<semaphore_mem>> -> memref<1x!tpu.dma_semaphore, #tpu.memory_space<semaphore_mem>>
    %dma_start3A_161 = tpu.memref_squeeze %dma_start3A_160 : memref<1x!tpu.dma_semaphore, #tpu.memory_space<semaphore_mem>> -> memref<!tpu.dma_semaphore, #tpu.memory_space<semaphore_mem>>
    tpu.enqueue_indirect_dma source(%dma_start3A_159 : memref<10240x128xf32, #tpu.memory_space<hbm>>) target(%dma_start3A_153 : memref<80x128xf32, #tpu.memory_space<vmem>>) offsets(%dma_start3A_156 : memref<80xi32, #tpu.memory_space<vmem>>) semaphore(%dma_start3A_161 : memref<!tpu.dma_semaphore, #tpu.memory_space<semaphore_mem>>)
    %barrier3A = arith.constant 0 : index
    tpu.barrier barrier_id(%barrier3A)
    %scan3A = arith.constant 0 : i32
    %scan3A_162 = arith.constant 0 : i32
    %scan3A_163 = arith.constant 126 : i32
    %scan3A_164 = arith.addi %scan3A_162, %scan3A_163 : i32
    %scan3A_165 = arith.constant 1 : i32
    scf.for %scan3A_192 = %scan3A_162 to %scan3A_164 step %scan3A_165  : i32 {
      %rem3A_193 = arith.constant 3 : i32
      %rem3A_194 = arith.remsi %scan3A_192, %rem3A_193 : i32
      %rem3A_195 = arith.constant 5 : i32
      %rem3A_196 = arith.remsi %scan3A_192, %rem3A_195 : i32
      %dma_wait3A_197 = arith.constant 0 : i32
      %dma_wait3A_198 = arith.constant 0 : i32
      %dma_wait3A_199 = arith.constant 0 : i32
      %dma_wait3A_200 = tpu.memref_slice %arg7[%rem3A_194, %dma_wait3A_198, %dma_wait3A_199] : memref<3x80x128xf32, #tpu.memory_space<vmem>> -> memref<1x80x128xf32, #tpu.memory_space<vmem>>
      %dma_wait3A_201 = tpu.memref_squeeze %dma_wait3A_200 : memref<1x80x128xf32, #tpu.memory_space<vmem>> -> memref<80x128xf32, #tpu.memory_space<vmem>>
      %dma_wait3A_202 = arith.constant 0 : i32
      %dma_wait3A_203 = tpu.memref_slice %arg6[%rem3A_196, %dma_wait3A_197, %dma_wait3A_202] : memref<5x2x80xi32, #tpu.memory_space<vmem>> -> memref<1x1x80xi32, #tpu.memory_space<vmem>>
      %dma_wait3A_204 = tpu.memref_squeeze %dma_wait3A_203 : memref<1x1x80xi32, #tpu.memory_space<vmem>> -> memref<80xi32, #tpu.memory_space<vmem>>
      %dma_wait3A_205 = arith.constant 0 : i32
      %dma_wait3A_206 = arith.constant 0 : i32
      %dma_wait3A_207 = tpu.memref_slice %arg2[%dma_wait3A_205, %dma_wait3A_206] : memref<10240x128xf32, #tpu.memory_space<hbm>> -> memref<10240x128xf32, #tpu.memory_space<hbm>>
      %dma_wait3A_208 = tpu.memref_slice %arg9[%rem3A_194] : memref<3x!tpu.dma_semaphore, #tpu.memory_space<semaphore_mem>> -> memref<1x!tpu.dma_semaphore, #tpu.memory_space<semaphore_mem>>
      %dma_wait3A_209 = tpu.memref_squeeze %dma_wait3A_208 : memref<1x!tpu.dma_semaphore, #tpu.memory_space<semaphore_mem>> -> memref<!tpu.dma_semaphore, #tpu.memory_space<semaphore_mem>>
      tpu.wait_indirect_dma semaphore(%dma_wait3A_209 : memref<!tpu.dma_semaphore, #tpu.memory_space<semaphore_mem>>) src(%dma_wait3A_207 : memref<10240x128xf32, #tpu.memory_space<hbm>>) dst(%dma_wait3A_201 : memref<80x128xf32, #tpu.memory_space<vmem>>)
      %rem3A_210 = arith.constant 5 : i32
      %rem3A_211 = arith.remsi %scan3A_192, %rem3A_210 : i32
      %dma_start3A_212 = arith.constant 1 : i32
      %dma_start3A_213 = arith.constant 0 : i32
      %dma_start3A_214 = arith.constant 0 : i32
      %dma_start3A_215 = tpu.memref_slice %arg7[%rem3A_194, %dma_start3A_213, %dma_start3A_214] : memref<3x80x128xf32, #tpu.memory_space<vmem>> -> memref<1x80x128xf32, #tpu.memory_space<vmem>>
      %dma_start3A_216 = tpu.memref_squeeze %dma_start3A_215 : memref<1x80x128xf32, #tpu.memory_space<vmem>> -> memref<80x128xf32, #tpu.memory_space<vmem>>
      %dma_start3A_217 = arith.constant 0 : i32
      %dma_start3A_218 = tpu.memref_slice %arg6[%rem3A_211, %dma_start3A_212, %dma_start3A_217] : memref<5x2x80xi32, #tpu.memory_space<vmem>> -> memref<1x1x80xi32, #tpu.memory_space<vmem>>
      %dma_start3A_219 = tpu.memref_squeeze %dma_start3A_218 : memref<1x1x80xi32, #tpu.memory_space<vmem>> -> memref<80xi32, #tpu.memory_space<vmem>>
      %dma_start3A_220 = arith.constant 0 : i32
      %dma_start3A_221 = arith.constant 0 : i32
      %dma_start3A_222 = tpu.memref_slice %arg8[%dma_start3A_220, %dma_start3A_221] : memref<10048x128xf32, #tpu.memory_space<vmem_shared>> -> memref<10048x128xf32, #tpu.memory_space<vmem_shared>>
      %dma_start3A_223 = tpu.memref_slice %arg10[%rem3A_194] : memref<3x!tpu.dma_semaphore, #tpu.memory_space<semaphore_mem>> -> memref<1x!tpu.dma_semaphore, #tpu.memory_space<semaphore_mem>>
      %dma_start3A_224 = tpu.memref_squeeze %dma_start3A_223 : memref<1x!tpu.dma_semaphore, #tpu.memory_space<semaphore_mem>> -> memref<!tpu.dma_semaphore, #tpu.memory_space<semaphore_mem>>
      tpu.enqueue_indirect_dma source(%dma_start3A_216 : memref<80x128xf32, #tpu.memory_space<vmem>>) target(%dma_start3A_222 : memref<10048x128xf32, #tpu.memory_space<vmem_shared>>) offsets(%dma_start3A_219 : memref<80xi32, #tpu.memory_space<vmem>>) semaphore(%dma_start3A_224 : memref<!tpu.dma_semaphore, #tpu.memory_space<semaphore_mem>>) {add = true}
      %ge3A = arith.constant 1 : i32
      %ge3A_225 = arith.cmpi sge, %scan3A_192, %ge3A : i32
      %convert_element_type3A_226 = arith.extui %ge3A_225 : i1 to i32
      %cond3A_227 = arith.constant 0 : i32
      %cond3A_228 = arith.cmpi ne, %convert_element_type3A_226, %cond3A_227 : i32
      scf.if %cond3A_228 {
        %sub3A = arith.constant 1 : i32
        %sub3A_243 = arith.subi %scan3A_192, %sub3A : i32
        %sub3A_244 = arith.constant 1 : i32
        %sub3A_245 = arith.subi %scan3A_192, %sub3A_244 : i32
        %rem3A_246 = arith.constant 3 : i32
        %rem3A_247 = arith.remsi %sub3A_245, %rem3A_246 : i32
        %rem3A_248 = arith.constant 5 : i32
        %rem3A_249 = arith.remsi %sub3A_243, %rem3A_248 : i32
        %dma_wait3A_250 = arith.constant 1 : i32
        %dma_wait3A_251 = arith.constant 0 : i32
        %dma_wait3A_252 = arith.constant 0 : i32
        %dma_wait3A_253 = tpu.memref_slice %arg7[%rem3A_247, %dma_wait3A_251, %dma_wait3A_252] : memref<3x80x128xf32, #tpu.memory_space<vmem>> -> memref<1x80x128xf32, #tpu.memory_space<vmem>>
        %dma_wait3A_254 = tpu.memref_squeeze %dma_wait3A_253 : memref<1x80x128xf32, #tpu.memory_space<vmem>> -> memref<80x128xf32, #tpu.memory_space<vmem>>
        %dma_wait3A_255 = arith.constant 0 : i32
        %dma_wait3A_256 = tpu.memref_slice %arg6[%rem3A_249, %dma_wait3A_250, %dma_wait3A_255] : memref<5x2x80xi32, #tpu.memory_space<vmem>> -> memref<1x1x80xi32, #tpu.memory_space<vmem>>
        %dma_wait3A_257 = tpu.memref_squeeze %dma_wait3A_256 : memref<1x1x80xi32, #tpu.memory_space<vmem>> -> memref<80xi32, #tpu.memory_space<vmem>>
        %dma_wait3A_258 = arith.constant 0 : i32
        %dma_wait3A_259 = arith.constant 0 : i32
        %dma_wait3A_260 = tpu.memref_slice %arg8[%dma_wait3A_258, %dma_wait3A_259] : memref<10048x128xf32, #tpu.memory_space<vmem_shared>> -> memref<10048x128xf32, #tpu.memory_space<vmem_shared>>
        %dma_wait3A_261 = tpu.memref_slice %arg10[%rem3A_247] : memref<3x!tpu.dma_semaphore, #tpu.memory_space<semaphore_mem>> -> memref<1x!tpu.dma_semaphore, #tpu.memory_space<semaphore_mem>>
        %dma_wait3A_262 = tpu.memref_squeeze %dma_wait3A_261 : memref<1x!tpu.dma_semaphore, #tpu.memory_space<semaphore_mem>> -> memref<!tpu.dma_semaphore, #tpu.memory_space<semaphore_mem>>
        tpu.wait_indirect_dma semaphore(%dma_wait3A_262 : memref<!tpu.dma_semaphore, #tpu.memory_space<semaphore_mem>>) src(%dma_wait3A_254 : memref<80x128xf32, #tpu.memory_space<vmem>>) dst(%dma_wait3A_260 : memref<10048x128xf32, #tpu.memory_space<vmem_shared>>)
      } else {
      }
      %add3A_229 = arith.constant 4 : i32
      %add3A_230 = arith.addi %scan3A_192, %add3A_229 : i32
      %lt3A_231 = arith.constant 126 : i32
      %lt3A_232 = arith.cmpi slt, %add3A_230, %lt3A_231 : i32
      %convert_element_type3A_233 = arith.extui %lt3A_232 : i1 to i32
      %cond3A_234 = arith.constant 0 : i32
      %cond3A_235 = arith.cmpi ne, %convert_element_type3A_233, %cond3A_234 : i32
      scf.if %cond3A_235 {
        %add3A_243 = arith.constant 4 : i32
        %add3A_244 = arith.addi %scan3A_192, %add3A_243 : i32
        %add3A_245 = arith.constant 4 : i32
        %add3A_246 = arith.addi %scan3A_192, %add3A_245 : i32
        %rem3A_247 = arith.constant 5 : i32
        %rem3A_248 = arith.remsi %add3A_246, %rem3A_247 : i32
        %dma_start3A_249 = arith.constant 0 : i32
        %dma_start3A_250 = arith.constant 0 : i32
        %dma_start3A_251 = tpu.memref_slice %arg6[%rem3A_248, %dma_start3A_249, %dma_start3A_250] : memref<5x2x80xi32, #tpu.memory_space<vmem>> -> memref<1x2x80xi32, #tpu.memory_space<vmem>>
        %dma_start3A_252 = tpu.memref_squeeze %dma_start3A_251 : memref<1x2x80xi32, #tpu.memory_space<vmem>> -> memref<2x80xi32, #tpu.memory_space<vmem>>
        %dma_start3A_253 = arith.constant 0 : i32
        %dma_start3A_254 = arith.constant 0 : i32
        %dma_start3A_255 = tpu.memref_slice %arg3[%add3A, %add3A_244, %dma_start3A_253, %dma_start3A_254] : memref<32x126x2x80xi32, #tpu.memory_space<hbm>> -> memref<1x1x2x80xi32, #tpu.memory_space<hbm>>
        %dma_start3A_256 = tpu.memref_squeeze %dma_start3A_255 : memref<1x1x2x80xi32, #tpu.memory_space<hbm>> -> memref<2x80xi32, #tpu.memory_space<hbm>>
        %dma_start3A_257 = tpu.memref_slice %arg11[%rem3A_248] : memref<5x!tpu.dma_semaphore, #tpu.memory_space<semaphore_mem>> -> memref<1x!tpu.dma_semaphore, #tpu.memory_space<semaphore_mem>>
        %dma_start3A_258 = tpu.memref_squeeze %dma_start3A_257 : memref<1x!tpu.dma_semaphore, #tpu.memory_space<semaphore_mem>> -> memref<!tpu.dma_semaphore, #tpu.memory_space<semaphore_mem>>
        %dma_start3A_259 = arith.constant 0 : i32
        %dma_start3A_260 = arith.constant 0 : i32
        %dma_start3A_261 = tpu.memref_slice %arg6[%rem3A_248, %dma_start3A_259, %dma_start3A_260] : memref<5x2x80xi32, #tpu.memory_space<vmem>> -> memref<1x2x80xi32, #tpu.memory_space<vmem>>
        %dma_start3A_262 = tpu.memref_squeeze %dma_start3A_261 : memref<1x2x80xi32, #tpu.memory_space<vmem>> -> memref<2x80xi32, #tpu.memory_space<vmem>>
        %dma_start3A_263 = arith.constant 0 : i32
        %dma_start3A_264 = arith.constant 0 : i32
        %dma_start3A_265 = tpu.memref_slice %arg3[%add3A, %add3A_244, %dma_start3A_263, %dma_start3A_264] : memref<32x126x2x80xi32, #tpu.memory_space<hbm>> -> memref<1x1x2x80xi32, #tpu.memory_space<hbm>>
        %dma_start3A_266 = tpu.memref_squeeze %dma_start3A_265 : memref<1x1x2x80xi32, #tpu.memory_space<hbm>> -> memref<2x80xi32, #tpu.memory_space<hbm>>
        tpu.enqueue_dma source(%dma_start3A_266 : memref<2x80xi32, #tpu.memory_space<hbm>>) target(%dma_start3A_262 : memref<2x80xi32, #tpu.memory_space<vmem>>) target_semaphore(%dma_start3A_258 : memref<!tpu.dma_semaphore, #tpu.memory_space<semaphore_mem>>)
      } else {
      }
      %add3A_236 = arith.constant 2 : i32
      %add3A_237 = arith.addi %scan3A_192, %add3A_236 : i32
      %lt3A_238 = arith.constant 126 : i32
      %lt3A_239 = arith.cmpi slt, %add3A_237, %lt3A_238 : i32
      %convert_element_type3A_240 = arith.extui %lt3A_239 : i1 to i32
      %cond3A_241 = arith.constant 0 : i32
      %cond3A_242 = arith.cmpi ne, %convert_element_type3A_240, %cond3A_241 : i32
      scf.if %cond3A_242 {
        %add3A_243 = arith.constant 2 : i32
        %add3A_244 = arith.addi %scan3A_192, %add3A_243 : i32
        %add3A_245 = arith.constant 2 : i32
        %add3A_246 = arith.addi %scan3A_192, %add3A_245 : i32
        %rem3A_247 = arith.constant 5 : i32
        %rem3A_248 = arith.remsi %add3A_246, %rem3A_247 : i32
        %dma_wait3A_249 = arith.constant 0 : i32
        %dma_wait3A_250 = arith.constant 0 : i32
        %dma_wait3A_251 = tpu.memref_slice %arg6[%rem3A_248, %dma_wait3A_249, %dma_wait3A_250] : memref<5x2x80xi32, #tpu.memory_space<vmem>> -> memref<1x2x80xi32, #tpu.memory_space<vmem>>
        %dma_wait3A_252 = tpu.memref_squeeze %dma_wait3A_251 : memref<1x2x80xi32, #tpu.memory_space<vmem>> -> memref<2x80xi32, #tpu.memory_space<vmem>>
        %dma_wait3A_253 = arith.constant 0 : i32
        %dma_wait3A_254 = arith.constant 0 : i32
        %dma_wait3A_255 = tpu.memref_slice %arg3[%add3A, %add3A_244, %dma_wait3A_253, %dma_wait3A_254] : memref<32x126x2x80xi32, #tpu.memory_space<hbm>> -> memref<1x1x2x80xi32, #tpu.memory_space<hbm>>
        %dma_wait3A_256 = tpu.memref_squeeze %dma_wait3A_255 : memref<1x1x2x80xi32, #tpu.memory_space<hbm>> -> memref<2x80xi32, #tpu.memory_space<hbm>>
        %dma_wait3A_257 = tpu.memref_slice %arg11[%rem3A_248] : memref<5x!tpu.dma_semaphore, #tpu.memory_space<semaphore_mem>> -> memref<1x!tpu.dma_semaphore, #tpu.memory_space<semaphore_mem>>
        %dma_wait3A_258 = tpu.memref_squeeze %dma_wait3A_257 : memref<1x!tpu.dma_semaphore, #tpu.memory_space<semaphore_mem>> -> memref<!tpu.dma_semaphore, #tpu.memory_space<semaphore_mem>>
        %dma_wait3A_259 = arith.constant 0 : i32
        %dma_wait3A_260 = arith.constant 0 : i32
        %dma_wait3A_261 = tpu.memref_slice %arg6[%rem3A_248, %dma_wait3A_259, %dma_wait3A_260] : memref<5x2x80xi32, #tpu.memory_space<vmem>> -> memref<1x2x80xi32, #tpu.memory_space<vmem>>
        %dma_wait3A_262 = tpu.memref_squeeze %dma_wait3A_261 : memref<1x2x80xi32, #tpu.memory_space<vmem>> -> memref<2x80xi32, #tpu.memory_space<vmem>>
        %dma_wait3A_263 = arith.constant 0 : i32
        %dma_wait3A_264 = arith.constant 0 : i32
        %dma_wait3A_265 = tpu.memref_slice %arg3[%add3A, %add3A_244, %dma_wait3A_263, %dma_wait3A_264] : memref<32x126x2x80xi32, #tpu.memory_space<hbm>> -> memref<1x1x2x80xi32, #tpu.memory_space<hbm>>
        %dma_wait3A_266 = tpu.memref_squeeze %dma_wait3A_265 : memref<1x1x2x80xi32, #tpu.memory_space<hbm>> -> memref<2x80xi32, #tpu.memory_space<hbm>>
        tpu.wait_dma2 semaphore(%dma_wait3A_258 : memref<!tpu.dma_semaphore, #tpu.memory_space<semaphore_mem>>) src(%dma_wait3A_266 : memref<2x80xi32, #tpu.memory_space<hbm>>) dst(%dma_wait3A_262 : memref<2x80xi32, #tpu.memory_space<vmem>>)
        %add3A_267 = arith.constant 2 : i32
        %add3A_268 = arith.addi %scan3A_192, %add3A_267 : i32
        %add3A_269 = arith.constant 2 : i32
        %add3A_270 = arith.addi %scan3A_192, %add3A_269 : i32
        %rem3A_271 = arith.constant 3 : i32
        %rem3A_272 = arith.remsi %add3A_270, %rem3A_271 : i32
        %rem3A_273 = arith.constant 5 : i32
        %rem3A_274 = arith.remsi %add3A_268, %rem3A_273 : i32
        %dma_start3A_275 = arith.constant 0 : i32
        %dma_start3A_276 = arith.constant 0 : i32
        %dma_start3A_277 = arith.constant 0 : i32
        %dma_start3A_278 = tpu.memref_slice %arg7[%rem3A_272, %dma_start3A_276, %dma_start3A_277] : memref<3x80x128xf32, #tpu.memory_space<vmem>> -> memref<1x80x128xf32, #tpu.memory_space<vmem>>
        %dma_start3A_279 = tpu.memref_squeeze %dma_start3A_278 : memref<1x80x128xf32, #tpu.memory_space<vmem>> -> memref<80x128xf32, #tpu.memory_space<vmem>>
        %dma_start3A_280 = arith.constant 0 : i32
        %dma_start3A_281 = tpu.memref_slice %arg6[%rem3A_274, %dma_start3A_275, %dma_start3A_280] : memref<5x2x80xi32, #tpu.memory_space<vmem>> -> memref<1x1x80xi32, #tpu.memory_space<vmem>>
        %dma_start3A_282 = tpu.memref_squeeze %dma_start3A_281 : memref<1x1x80xi32, #tpu.memory_space<vmem>> -> memref<80xi32, #tpu.memory_space<vmem>>
        %dma_start3A_283 = arith.constant 0 : i32
        %dma_start3A_284 = arith.constant 0 : i32
        %dma_start3A_285 = tpu.memref_slice %arg2[%dma_start3A_283, %dma_start3A_284] : memref<10240x128xf32, #tpu.memory_space<hbm>> -> memref<10240x128xf32, #tpu.memory_space<hbm>>
        %dma_start3A_286 = tpu.memref_slice %arg9[%rem3A_272] : memref<3x!tpu.dma_semaphore, #tpu.memory_space<semaphore_mem>> -> memref<1x!tpu.dma_semaphore, #tpu.memory_space<semaphore_mem>>
        %dma_start3A_287 = tpu.memref_squeeze %dma_start3A_286 : memref<1x!tpu.dma_semaphore, #tpu.memory_space<semaphore_mem>> -> memref<!tpu.dma_semaphore, #tpu.memory_space<semaphore_mem>>
        tpu.enqueue_indirect_dma source(%dma_start3A_285 : memref<10240x128xf32, #tpu.memory_space<hbm>>) target(%dma_start3A_279 : memref<80x128xf32, #tpu.memory_space<vmem>>) offsets(%dma_start3A_282 : memref<80xi32, #tpu.memory_space<vmem>>) semaphore(%dma_start3A_287 : memref<!tpu.dma_semaphore, #tpu.memory_space<semaphore_mem>>)
      } else {
      }
    }
    %scan3A_166 = arith.constant 126 : i32
    %rem3A_167 = arith.constant 125 : i32
    %rem3A_168 = arith.constant 3 : i32
    %rem3A_169 = arith.remsi %rem3A_167, %rem3A_168 : i32
    %rem3A_170 = arith.constant 125 : i32
    %rem3A_171 = arith.constant 5 : i32
    %rem3A_172 = arith.remsi %rem3A_170, %rem3A_171 : i32
    %dma_wait3A_173 = arith.constant 1 : i32
    %dma_wait3A_174 = arith.constant 0 : i32
    %dma_wait3A_175 = arith.constant 0 : i32
    %dma_wait3A_176 = tpu.memref_slice %arg7[%rem3A_169, %dma_wait3A_174, %dma_wait3A_175] : memref<3x80x128xf32, #tpu.memory_space<vmem>> -> memref<1x80x128xf32, #tpu.memory_space<vmem>>
    %dma_wait3A_177 = tpu.memref_squeeze %dma_wait3A_176 : memref<1x80x128xf32, #tpu.memory_space<vmem>> -> memref<80x128xf32, #tpu.memory_space<vmem>>
    %dma_wait3A_178 = arith.constant 0 : i32
    %dma_wait3A_179 = tpu.memref_slice %arg6[%rem3A_172, %dma_wait3A_173, %dma_wait3A_178] : memref<5x2x80xi32, #tpu.memory_space<vmem>> -> memref<1x1x80xi32, #tpu.memory_space<vmem>>
    %dma_wait3A_180 = tpu.memref_squeeze %dma_wait3A_179 : memref<1x1x80xi32, #tpu.memory_space<vmem>> -> memref<80xi32, #tpu.memory_space<vmem>>
    %dma_wait3A_181 = arith.constant 0 : i32
    %dma_wait3A_182 = arith.constant 0 : i32
    %dma_wait3A_183 = tpu.memref_slice %arg8[%dma_wait3A_181, %dma_wait3A_182] : memref<10048x128xf32, #tpu.memory_space<vmem_shared>> -> memref<10048x128xf32, #tpu.memory_space<vmem_shared>>
    %dma_wait3A_184 = tpu.memref_slice %arg10[%rem3A_169] : memref<3x!tpu.dma_semaphore, #tpu.memory_space<semaphore_mem>> -> memref<1x!tpu.dma_semaphore, #tpu.memory_space<semaphore_mem>>
    %dma_wait3A_185 = tpu.memref_squeeze %dma_wait3A_184 : memref<1x!tpu.dma_semaphore, #tpu.memory_space<semaphore_mem>> -> memref<!tpu.dma_semaphore, #tpu.memory_space<semaphore_mem>>
    tpu.wait_indirect_dma semaphore(%dma_wait3A_185 : memref<!tpu.dma_semaphore, #tpu.memory_space<semaphore_mem>>) src(%dma_wait3A_177 : memref<80x128xf32, #tpu.memory_space<vmem>>) dst(%dma_wait3A_183 : memref<10048x128xf32, #tpu.memory_space<vmem_shared>>)
    %barrier3A_186 = arith.constant 0 : index
    tpu.barrier barrier_id(%barrier3A_186)
    %lt3A_187 = arith.constant 8 : i32
    %lt3A_188 = arith.cmpi slt, %arg1, %lt3A_187 : i32
    %convert_element_type3A_189 = arith.extui %lt3A_188 : i1 to i32
    %cond3A_190 = arith.constant 0 : i32
    %cond3A_191 = arith.cmpi ne, %convert_element_type3A_189, %cond3A_190 : i32
    scf.if %cond3A_191 {
      %mul3A_192 = arith.constant 1256 : i32
      %mul3A_193 = arith.muli %arg1, %mul3A_192 : i32
      %mul3A_194 = arith.constant 1256 : i32
      %mul3A_195 = arith.muli %arg1, %mul3A_194 : i32
      "tpu.region"() ({
        %run_scoped3A = tpu.sem_alloc : memref<!tpu.dma_semaphore, #tpu.memory_space<semaphore_mem>>
        %dma_start3A_196 = arith.constant 0 : i32
        %dma_start3A_197 = tpu.memref_slice %arg5[%arg0, %mul3A_195, %dma_start3A_196] : memref<2x10240x128xf32, #tpu.memory_space<hbm>> -> memref<1x1256x128xf32, #tpu.memory_space<hbm>>
        %dma_start3A_198 = tpu.memref_squeeze %dma_start3A_197 : memref<1x1256x128xf32, #tpu.memory_space<hbm>> -> memref<1256x128xf32, #tpu.memory_space<hbm>>
        %dma_start3A_199 = arith.constant 0 : i32
        %dma_start3A_200 = tpu.memref_slice %arg8[%mul3A_193, %dma_start3A_199] : memref<10048x128xf32, #tpu.memory_space<vmem_shared>> -> memref<1256x128xf32, #tpu.memory_space<vmem_shared>>
        tpu.enqueue_dma source(%dma_start3A_200 : memref<1256x128xf32, #tpu.memory_space<vmem_shared>>) target(%dma_start3A_198 : memref<1256x128xf32, #tpu.memory_space<hbm>>) target_semaphore(%run_scoped3A : memref<!tpu.dma_semaphore, #tpu.memory_space<semaphore_mem>>)
        %dma_wait3A_201 = arith.constant 0 : i32
        %dma_wait3A_202 = tpu.memref_slice %arg5[%arg0, %mul3A_195, %dma_wait3A_201] : memref<2x10240x128xf32, #tpu.memory_space<hbm>> -> memref<1x1256x128xf32, #tpu.memory_space<hbm>>
        %dma_wait3A_203 = tpu.memref_squeeze %dma_wait3A_202 : memref<1x1256x128xf32, #tpu.memory_space<hbm>> -> memref<1256x128xf32, #tpu.memory_space<hbm>>
        %dma_wait3A_204 = arith.constant 0 : i32
        %dma_wait3A_205 = tpu.memref_slice %arg8[%mul3A_193, %dma_wait3A_204] : memref<10048x128xf32, #tpu.memory_space<vmem_shared>> -> memref<1256x128xf32, #tpu.memory_space<vmem_shared>>
        tpu.wait_dma2 semaphore(%run_scoped3A : memref<!tpu.dma_semaphore, #tpu.memory_space<semaphore_mem>>) src(%dma_wait3A_205 : memref<1256x128xf32, #tpu.memory_space<vmem_shared>>) dst(%dma_wait3A_203 : memref<1256x128xf32, #tpu.memory_space<hbm>>)
        tpu.yield
      }) : () -> ()
    } else {
    }
    return
  }
}

module attributes {stable_mosaic.version = 14 : i64} {
  func.func @_mm1_body(%arg0: i32, %arg1: memref<2x512x1xf32, #tpu.memory_space<vmem>>, %arg2: memref<512x128xf32, #tpu.memory_space<vmem>>, %arg3: memref<128x128xf32, #tpu.memory_space<vmem>>, %arg4: memref<512x128xf32, #tpu.memory_space<vmem>>, %arg5: memref<512x1xf32, #tpu.memory_space<vmem>>) attributes {dimension_semantics = [#tpu.dimension_semantics<arbitrary>], iteration_bounds = array<i64: 20>, scalar_prefetch = 0 : i64, scratch_operands = 0 : i64, tpu.core_type = #tpu.core_type<tc>, window_params = [{transform_indices = @transform_0, window_bounds = array<i64: 2, 512, 1>}, {transform_indices = @transform_1, window_bounds = array<i64: 512, 128>}, {pipeline_mode = #tpu.pipeline_mode<synchronous>, transform_indices = @transform_2, window_bounds = array<i64: 128, 128>}, {transform_indices = @transform_3, window_bounds = array<i64: 512, 128>}, {transform_indices = @transform_4, window_bounds = array<i64: 512, 1>}]} {
    %get3A = arith.constant 0 : index
    %get3A_0 = arith.constant 0 : index
    %get3A_1 = arith.constant 0 : index
    %get3A_2 = vector.load %arg1[%get3A, %get3A_0, %get3A_1] : memref<2x512x1xf32, #tpu.memory_space<vmem>>, vector<1x512x1xf32>
    %get3A_3 = vector.shape_cast %get3A_2 : vector<1x512x1xf32> to vector<512x1xf32>
    %get3A_4 = arith.constant 1 : index
    %get3A_5 = arith.constant 0 : index
    %get3A_6 = arith.constant 0 : index
    %get3A_7 = vector.load %arg1[%get3A_4, %get3A_5, %get3A_6] : memref<2x512x1xf32, #tpu.memory_space<vmem>>, vector<1x512x1xf32>
    %get3A_8 = vector.shape_cast %get3A_7 : vector<1x512x1xf32> to vector<512x1xf32>
    %add3A = arith.addf %get3A_3, %get3A_8 : vector<512x1xf32>
    %add3A_9 = arith.constant 1.000000e+00 : f32
    %add3A_10 = vector.broadcast %add3A_9 : f32 to vector<512x1xf32>
    %add3A_11 = arith.addf %add3A, %add3A_10 : vector<512x1xf32>
    %rsqrt3A = math.rsqrt %add3A_11 : vector<512x1xf32>
    %get3A_12 = arith.constant 0 : index
    %get3A_13 = arith.constant 0 : index
    %get3A_14 = vector.load %arg2[%get3A_12, %get3A_13] : memref<512x128xf32, #tpu.memory_space<vmem>>, vector<512x128xf32>
    %get3A_15 = arith.constant 0 : index
    %get3A_16 = arith.constant 0 : index
    %get3A_17 = vector.load %arg3[%get3A_15, %get3A_16] : memref<128x128xf32, #tpu.memory_space<vmem>>, vector<128x128xf32>
    %dot_general3A = arith.constant dense<0.000000e+00> : vector<512x128xf32>
    %dot_general3A_18 = tpu.matmul %get3A_14, %get3A_17, %dot_general3A {dimension_numbers = #tpu.dot_dimension_numbers<[1], [0], [0], [1], [0, 0, 1, 1], [], []>, transpose_lhs_hint = false} : vector<512x128xf32>, vector<128x128xf32>, vector<512x128xf32> -> vector<512x128xf32>
    %mul3A = vector.broadcast %rsqrt3A : vector<512x1xf32> to vector<512x128xf32>
    %mul3A_19 = arith.mulf %dot_general3A_18, %mul3A : vector<512x128xf32>
    %swap3A = arith.constant 0 : index
    %swap3A_20 = arith.constant 0 : index
    %swap3A_21 = vector.load %arg4[%swap3A, %swap3A_20] : memref<512x128xf32, #tpu.memory_space<vmem>>, vector<512x128xf32>
    tpu.vector_store %arg4[%swap3A, %swap3A_20], %mul3A_19 {strides = array<i32>} : memref<512x128xf32, #tpu.memory_space<vmem>>, vector<512x128xf32>,
    %swap3A_22 = arith.constant 0 : index
    %swap3A_23 = arith.constant 0 : index
    %swap3A_24 = vector.load %arg5[%swap3A_22, %swap3A_23] : memref<512x1xf32, #tpu.memory_space<vmem>>, vector<512x1xf32>
    tpu.vector_store %arg5[%swap3A_22, %swap3A_23], %rsqrt3A {strides = array<i32>} : memref<512x1xf32, #tpu.memory_space<vmem>>, vector<512x1xf32>,
    return
  }
  func.func @transform_0(%arg0: i32) -> (i32, i32, i32) {
    %c0_i32 = arith.constant 0 : i32
    %c0_i32_0 = arith.constant 0 : i32
    %c0_i32_1 = arith.constant 0 : i32
    return %c0_i32, %arg0, %c0_i32_0 : i32, i32, i32
  }
  func.func @transform_1(%arg0: i32) -> (i32, i32) {
    %c0_i32 = arith.constant 0 : i32
    %c0_i32_0 = arith.constant 0 : i32
    return %arg0, %c0_i32 : i32, i32
  }
  func.func @transform_2(%arg0: i32) -> (i32, i32) {
    %c0_i32 = arith.constant 0 : i32
    %c0_i32_0 = arith.constant 0 : i32
    %c0_i32_1 = arith.constant 0 : i32
    return %c0_i32, %c0_i32_0 : i32, i32
  }
  func.func @transform_3(%arg0: i32) -> (i32, i32) {
    %c0_i32 = arith.constant 0 : i32
    %c0_i32_0 = arith.constant 0 : i32
    return %arg0, %c0_i32 : i32, i32
  }
  func.func @transform_4(%arg0: i32) -> (i32, i32) {
    %c0_i32 = arith.constant 0 : i32
    %c0_i32_0 = arith.constant 0 : i32
    return %arg0, %c0_i32 : i32, i32
  }
}

module attributes {stable_mosaic.version = 14 : i64} {
  func.func @_mid_body(%arg0: i32, %arg1: memref<2x512x128xf32, #tpu.memory_space<vmem>>, %arg2: memref<512x128xf32, #tpu.memory_space<vmem>>, %arg3: memref<512x1xf32, #tpu.memory_space<vmem>>, %arg4: memref<1x128xf32, #tpu.memory_space<vmem>>, %arg5: memref<1x1xf32, #tpu.memory_space<vmem>>, %arg6: memref<128x128xf32, #tpu.memory_space<vmem>>, %arg7: memref<512x128xf32, #tpu.memory_space<vmem>>) attributes {dimension_semantics = [#tpu.dimension_semantics<arbitrary>], iteration_bounds = array<i64: 20>, scalar_prefetch = 0 : i64, scratch_operands = 0 : i64, tpu.core_type = #tpu.core_type<tc>, window_params = [{transform_indices = @transform_0, window_bounds = array<i64: 2, 512, 128>}, {transform_indices = @transform_1, window_bounds = array<i64: 512, 128>}, {transform_indices = @transform_2, window_bounds = array<i64: 512, 1>}, {pipeline_mode = #tpu.pipeline_mode<synchronous>, transform_indices = @transform_3, window_bounds = array<i64: 1, 128>}, {pipeline_mode = #tpu.pipeline_mode<synchronous>, transform_indices = @transform_4, window_bounds = array<i64: 1, 1>}, {pipeline_mode = #tpu.pipeline_mode<synchronous>, transform_indices = @transform_5, window_bounds = array<i64: 128, 128>}, {transform_indices = @transform_6, window_bounds = array<i64: 512, 128>}]} {
    %get3A = arith.constant 0 : index
    %get3A_0 = arith.constant 0 : index
    %get3A_1 = vector.load %arg3[%get3A, %get3A_0] : memref<512x1xf32, #tpu.memory_space<vmem>>, vector<512x1xf32>
    %get3A_2 = arith.constant 0 : index
    %get3A_3 = arith.constant 0 : index
    %get3A_4 = arith.constant 0 : index
    %get3A_5 = vector.load %arg1[%get3A_2, %get3A_3, %get3A_4] : memref<2x512x128xf32, #tpu.memory_space<vmem>>, vector<1x512x128xf32>
    %get3A_6 = vector.shape_cast %get3A_5 : vector<1x512x128xf32> to vector<512x128xf32>
    %get3A_7 = arith.constant 1 : index
    %get3A_8 = arith.constant 0 : index
    %get3A_9 = arith.constant 0 : index
    %get3A_10 = vector.load %arg1[%get3A_7, %get3A_8, %get3A_9] : memref<2x512x128xf32, #tpu.memory_space<vmem>>, vector<1x512x128xf32>
    %get3A_11 = vector.shape_cast %get3A_10 : vector<1x512x128xf32> to vector<512x128xf32>
    %add3A = arith.addf %get3A_6, %get3A_11 : vector<512x128xf32>
    %get3A_12 = arith.constant 0 : index
    %get3A_13 = arith.constant 0 : index
    %get3A_14 = vector.load %arg2[%get3A_12, %get3A_13] : memref<512x128xf32, #tpu.memory_space<vmem>>, vector<512x128xf32>
    %add3A_15 = arith.addf %add3A, %get3A_14 : vector<512x128xf32>
    %mul3A = vector.broadcast %get3A_1 : vector<512x1xf32> to vector<512x128xf32>
    %mul3A_16 = arith.mulf %mul3A, %add3A_15 : vector<512x128xf32>
    %get3A_17 = arith.constant 0 : index
    %get3A_18 = arith.constant 0 : index
    %get3A_19 = vector.load %arg4[%get3A_17, %get3A_18] : memref<1x128xf32, #tpu.memory_space<vmem>>, vector<1x128xf32>
    %add3A_20 = vector.broadcast %get3A_19 : vector<1x128xf32> to vector<512x128xf32>
    %add3A_21 = arith.addf %mul3A_16, %add3A_20 : vector<512x128xf32>
    %get3A_22 = arith.constant 0 : index
    %get3A_23 = arith.constant 0 : index
    %get3A_24 = vector.load %arg5[%get3A_22, %get3A_23] : memref<1x1xf32, #tpu.memory_space<vmem>>, vector<1x1xf32>
    %get3A_25 = vector.extract %get3A_24[0, 0] : f32 from vector<1x1xf32>
    %ge3A = arith.constant 0.000000e+00 : f32
    %ge3A_26 = vector.broadcast %ge3A : f32 to vector<512x128xf32>
    %ge3A_27 = arith.cmpf oge, %add3A_21, %ge3A_26 : vector<512x128xf32>
    %mul3A_28 = vector.broadcast %get3A_25 : f32 to vector<512x128xf32>
    %mul3A_29 = arith.mulf %mul3A_28, %add3A_21 : vector<512x128xf32>
    %select_n3A = arith.select %ge3A_27, %add3A_21, %mul3A_29 : vector<512x128xi1>, vector<512x128xf32>
    %get3A_30 = arith.constant 0 : index
    %get3A_31 = arith.constant 0 : index
    %get3A_32 = vector.load %arg6[%get3A_30, %get3A_31] : memref<128x128xf32, #tpu.memory_space<vmem>>, vector<128x128xf32>
    %dot_general3A = arith.constant dense<0.000000e+00> : vector<512x128xf32>
    %dot_general3A_33 = tpu.matmul %select_n3A, %get3A_32, %dot_general3A {dimension_numbers = #tpu.dot_dimension_numbers<[1], [0], [0], [1], [0, 0, 1, 1], [], []>, transpose_lhs_hint = false} : vector<512x128xf32>, vector<128x128xf32>, vector<512x128xf32> -> vector<512x128xf32>
    %mul3A_34 = vector.broadcast %get3A_1 : vector<512x1xf32> to vector<512x128xf32>
    %mul3A_35 = arith.mulf %dot_general3A_33, %mul3A_34 : vector<512x128xf32>
    %swap3A = arith.constant 0 : index
    %swap3A_36 = arith.constant 0 : index
    %swap3A_37 = vector.load %arg7[%swap3A, %swap3A_36] : memref<512x128xf32, #tpu.memory_space<vmem>>, vector<512x128xf32>
    tpu.vector_store %arg7[%swap3A, %swap3A_36], %mul3A_35 {strides = array<i32>} : memref<512x128xf32, #tpu.memory_space<vmem>>, vector<512x128xf32>,
    return
  }
  func.func @transform_0(%arg0: i32) -> (i32, i32, i32) {
    %c0_i32 = arith.constant 0 : i32
    %c0_i32_0 = arith.constant 0 : i32
    %c0_i32_1 = arith.constant 0 : i32
    return %c0_i32, %arg0, %c0_i32_0 : i32, i32, i32
  }
  func.func @transform_1(%arg0: i32) -> (i32, i32) {
    %c0_i32 = arith.constant 0 : i32
    %c0_i32_0 = arith.constant 0 : i32
    return %arg0, %c0_i32 : i32, i32
  }
  func.func @transform_2(%arg0: i32) -> (i32, i32) {
    %c0_i32 = arith.constant 0 : i32
    %c0_i32_0 = arith.constant 0 : i32
    return %arg0, %c0_i32 : i32, i32
  }
  func.func @transform_3(%arg0: i32) -> (i32, i32) {
    %c0_i32 = arith.constant 0 : i32
    %c0_i32_0 = arith.constant 0 : i32
    %c0_i32_1 = arith.constant 0 : i32
    return %c0_i32, %c0_i32_0 : i32, i32
  }
  func.func @transform_4(%arg0: i32) -> (i32, i32) {
    %c0_i32 = arith.constant 0 : i32
    %c0_i32_0 = arith.constant 0 : i32
    %c0_i32_1 = arith.constant 0 : i32
    return %c0_i32, %c0_i32_0 : i32, i32
  }
  func.func @transform_5(%arg0: i32) -> (i32, i32) {
    %c0_i32 = arith.constant 0 : i32
    %c0_i32_0 = arith.constant 0 : i32
    %c0_i32_1 = arith.constant 0 : i32
    return %c0_i32, %c0_i32_0 : i32, i32
  }
  func.func @transform_6(%arg0: i32) -> (i32, i32) {
    %c0_i32 = arith.constant 0 : i32
    %c0_i32_0 = arith.constant 0 : i32
    return %arg0, %c0_i32 : i32, i32
  }
}

module attributes {stable_mosaic.version = 14 : i64} {
  func.func @_fin_body(%arg0: i32, %arg1: memref<2x512x128xf32, #tpu.memory_space<vmem>>, %arg2: memref<512x128xf32, #tpu.memory_space<vmem>>, %arg3: memref<512x1xf32, #tpu.memory_space<vmem>>, %arg4: memref<1x128xf32, #tpu.memory_space<vmem>>, %arg5: memref<1x1xf32, #tpu.memory_space<vmem>>, %arg6: memref<512x128xf32, #tpu.memory_space<vmem>>) attributes {dimension_semantics = [#tpu.dimension_semantics<arbitrary>], iteration_bounds = array<i64: 20>, scalar_prefetch = 0 : i64, scratch_operands = 0 : i64, tpu.core_type = #tpu.core_type<tc>, window_params = [{transform_indices = @transform_0, window_bounds = array<i64: 2, 512, 128>}, {transform_indices = @transform_1, window_bounds = array<i64: 512, 128>}, {transform_indices = @transform_2, window_bounds = array<i64: 512, 1>}, {pipeline_mode = #tpu.pipeline_mode<synchronous>, transform_indices = @transform_3, window_bounds = array<i64: 1, 128>}, {pipeline_mode = #tpu.pipeline_mode<synchronous>, transform_indices = @transform_4, window_bounds = array<i64: 1, 1>}, {transform_indices = @transform_5, window_bounds = array<i64: 512, 128>}]} {
    %get3A = arith.constant 0 : index
    %get3A_0 = arith.constant 0 : index
    %get3A_1 = vector.load %arg3[%get3A, %get3A_0] : memref<512x1xf32, #tpu.memory_space<vmem>>, vector<512x1xf32>
    %get3A_2 = arith.constant 0 : index
    %get3A_3 = arith.constant 0 : index
    %get3A_4 = arith.constant 0 : index
    %get3A_5 = vector.load %arg1[%get3A_2, %get3A_3, %get3A_4] : memref<2x512x128xf32, #tpu.memory_space<vmem>>, vector<1x512x128xf32>
    %get3A_6 = vector.shape_cast %get3A_5 : vector<1x512x128xf32> to vector<512x128xf32>
    %get3A_7 = arith.constant 1 : index
    %get3A_8 = arith.constant 0 : index
    %get3A_9 = arith.constant 0 : index
    %get3A_10 = vector.load %arg1[%get3A_7, %get3A_8, %get3A_9] : memref<2x512x128xf32, #tpu.memory_space<vmem>>, vector<1x512x128xf32>
    %get3A_11 = vector.shape_cast %get3A_10 : vector<1x512x128xf32> to vector<512x128xf32>
    %add3A = arith.addf %get3A_6, %get3A_11 : vector<512x128xf32>
    %get3A_12 = arith.constant 0 : index
    %get3A_13 = arith.constant 0 : index
    %get3A_14 = vector.load %arg2[%get3A_12, %get3A_13] : memref<512x128xf32, #tpu.memory_space<vmem>>, vector<512x128xf32>
    %add3A_15 = arith.addf %add3A, %get3A_14 : vector<512x128xf32>
    %mul3A = vector.broadcast %get3A_1 : vector<512x1xf32> to vector<512x128xf32>
    %mul3A_16 = arith.mulf %mul3A, %add3A_15 : vector<512x128xf32>
    %get3A_17 = arith.constant 0 : index
    %get3A_18 = arith.constant 0 : index
    %get3A_19 = vector.load %arg4[%get3A_17, %get3A_18] : memref<1x128xf32, #tpu.memory_space<vmem>>, vector<1x128xf32>
    %add3A_20 = vector.broadcast %get3A_19 : vector<1x128xf32> to vector<512x128xf32>
    %add3A_21 = arith.addf %mul3A_16, %add3A_20 : vector<512x128xf32>
    %get3A_22 = arith.constant 0 : index
    %get3A_23 = arith.constant 0 : index
    %get3A_24 = vector.load %arg5[%get3A_22, %get3A_23] : memref<1x1xf32, #tpu.memory_space<vmem>>, vector<1x1xf32>
    %get3A_25 = vector.extract %get3A_24[0, 0] : f32 from vector<1x1xf32>
    %ge3A = arith.constant 0.000000e+00 : f32
    %ge3A_26 = vector.broadcast %ge3A : f32 to vector<512x128xf32>
    %ge3A_27 = arith.cmpf oge, %add3A_21, %ge3A_26 : vector<512x128xf32>
    %mul3A_28 = vector.broadcast %get3A_25 : f32 to vector<512x128xf32>
    %mul3A_29 = arith.mulf %mul3A_28, %add3A_21 : vector<512x128xf32>
    %select_n3A = arith.select %ge3A_27, %add3A_21, %mul3A_29 : vector<512x128xi1>, vector<512x128xf32>
    %swap3A = arith.constant 0 : index
    %swap3A_30 = arith.constant 0 : index
    %swap3A_31 = vector.load %arg6[%swap3A, %swap3A_30] : memref<512x128xf32, #tpu.memory_space<vmem>>, vector<512x128xf32>
    tpu.vector_store %arg6[%swap3A, %swap3A_30], %select_n3A {strides = array<i32>} : memref<512x128xf32, #tpu.memory_space<vmem>>, vector<512x128xf32>,
    return
  }
  func.func @transform_0(%arg0: i32) -> (i32, i32, i32) {
    %c0_i32 = arith.constant 0 : i32
    %c0_i32_0 = arith.constant 0 : i32
    %c0_i32_1 = arith.constant 0 : i32
    return %c0_i32, %arg0, %c0_i32_0 : i32, i32, i32
  }
  func.func @transform_1(%arg0: i32) -> (i32, i32) {
    %c0_i32 = arith.constant 0 : i32
    %c0_i32_0 = arith.constant 0 : i32
    return %arg0, %c0_i32 : i32, i32
  }
  func.func @transform_2(%arg0: i32) -> (i32, i32) {
    %c0_i32 = arith.constant 0 : i32
    %c0_i32_0 = arith.constant 0 : i32
    return %arg0, %c0_i32 : i32, i32
  }
  func.func @transform_3(%arg0: i32) -> (i32, i32) {
    %c0_i32 = arith.constant 0 : i32
    %c0_i32_0 = arith.constant 0 : i32
    %c0_i32_1 = arith.constant 0 : i32
    return %c0_i32, %c0_i32_0 : i32, i32
  }
  func.func @transform_4(%arg0: i32) -> (i32, i32) {
    %c0_i32 = arith.constant 0 : i32
    %c0_i32_0 = arith.constant 0 : i32
    %c0_i32_1 = arith.constant 0 : i32
    return %c0_i32, %c0_i32_0 : i32, i32
  }
  func.func @transform_5(%arg0: i32) -> (i32, i32) {
    %c0_i32 = arith.constant 0 : i32
    %c0_i32_0 = arith.constant 0 : i32
    return %arg0, %c0_i32 : i32, i32
  }
}

</mosaic_0001>

<sc_bundles>
// kernel: kernel.11.cloned.1.call-start
scs
__scs_entry_jumppad:
0x0: {  	(pc) =	sbr.rel $0x88, $3  }
0x1: {  	(tag) =	ssettag $0x0;
	lr =	simm.s32 $0x1  }
0x2: {  	[smem:$0x3F9A] =	sst lr;
	_ =	strace $0xD0000000  }
0x3: {  	_ = 	snop  }
0x4: {  	_ = 	snop  }
0x5: {  	_ = 	snop  }
0x6: {  	_ = 	snop  }
0x7: {  	_ = 	snop  }
__scs_overlays_trampoline_lowered:
0x8: {  	[smem:$0x3FA9] =	sst s0  }
0x9: {  	[smem:$0x3FAA] =	sst s1  }
0xa: {  	[smem:$0x3FAB] =	sst s2  }
0xb: {  	[smem:$0x3FAC] =	sst s3  }
0xc: {  	[smem:$0x3FAD] =	sst s4  }
0xd: {  	[smem:$0x3FAE] =	sst s5  }
0xe: {  	[smem:$0x3FAF] =	sst s6  }
0xf: {  	[smem:$0x3FB0] =	sst s7  }
0x10: {  	[smem:$0x3FB1] =	sst s8  }
0x11: {  	[smem:$0x3FB2] =	sst s9;
	s0 =	simm.s32 @!p0 $0x0  }
0x12: {  	s1 =	sld [smem:$0x3F98];
	s0 =	simm.s32 @p0 $0x1  }
0x13: {  	[smem:$0x3FB3] =	sst s0;
	s0 =	simm.s32 @!p1 $0x0  }
0x14: {  	s2 =	sld [smem:$0x3F97];
	s0 =	simm.s32 @p1 $0x1  }
0x15: {  	[smem:$0x3FB4] =	sst s0;
	s0 =	simm.s32 @!p2 $0x0  }
0x16: {  	s3 =	sld [smem:$0x3FDB];
	s0 =	simm.s32 @p2 $0x1  }
0x17: {  	s4 =	simm.s32 $0x1BF5;
	[smem:$0x3FB6] =	sst s0  }
0x18: {  	s0 =	sld [smem:$0x3F99];
	_ =	swait.ge [sflag:s4], $0x0  }
0x19: {  	s7 =	sld [smem:$0x3F9A]  }
0x1a: {  	s8 =	sadd.s32 $0xFFFFE003, lr  }
0x1b: {  	s9 =	sadd.s32 $0xFFFFFEF7, lr;
	s5 =	simm.s32 $0xFFFFFFFF;
	p2 =	slt.u32 s8, $0xFFFFF086  }
0x1c: {  	p1 =	slt.u32 s9, $0xF7A;
	s5 =	simm.s32 @!p2 $0x0  }
0x1d: {  	s5 =	simm.s32 @p1 $0x1;
	p0 =	seq.s32 s7, s2  }
0x1e: {  	s7 =	smul.u32 @!p0 $0xF7A, s2;
	p2 =	seq.s32 @!p0 s5, $0x0  }
0x1f: {  	s9 =	smul.u32 $0xF7A, s1;
	s8 =	simm.s32 @!p0 $0x1BF5;
	p2 =	por !p2, p0  }
0x20: {  	[sflag:s8] =	ssyncset.s32 @!p0 $0xFFFFF086;
	s6 =	sadd.s32 @!p0 s3, s7;
	s7 =	simm.s32 @!p0 $0x108  }
0x21: {  	s3 =	sadd.s32 s3, s9;
	s6 =	sadd.s32 @!p0 $0x88, s6;
	s7 =	simm.s32 @p2 $0x1082  }
0x22: {  	[simem:s7], [sflag:s8] =	dma.local @!p0 [hbm:s6], $0xF7A  }
0x23: {  	s9 =	sor.u32 $0xD0000000, s2;
	s6 =	simm.s32 $0x108;
	_ =	swait.ge @!p0 [sflag:s8], $0x0  }
0x24: {  	s3 =	sadd.s32 $0x88, s3;
	s6 =	simm.s32 @!p1 $0x1082;
	[sflag:s4] =	ssyncset.s32 $0xFFFFF086  }
0x25: {  	[simem:s6], [sflag:s4] =	dma.local [hbm:s3], $0xF7A  }
0x26: {  	[smem:$0x3F9A] =	sst s1;
	(tag) =	ssettag s2;
	_ =	strace s9  }
0x27: {  	s1 =	sld [smem:$0x3FAA]  }
0x28: {  	s2 =	sld [smem:$0x3FAB]  }
0x29: {  	s4 =	sld [smem:$0x3FAD]  }
0x2a: {  	p0 =	seq.s32 s5, $0x0;
	s5 =	sld [smem:$0x3FAE]  }
0x2b: {  	s6 =	sld [smem:$0x3FAF]  }
0x2c: {  	s7 =	sld [smem:$0x3FB0]  }
0x2d: {  	s3 =	simm.s32 $0x108;
	s8 =	sld [smem:$0x3FB1]  }
0x2e: {  	s3 =	simm.s32 @!p0 $0x1082;
	s9 =	sld [smem:$0x3FB2]  }
0x2f: {  	lr =	sadd.s32 s0, s3;
	s0 =	sld [smem:$0x3FA9]  }
0x30: {  	s3 =	sld [smem:$0x3FAC]  }
0x31: {  	[smem:$0x3FB5] =	sst s10  }
0x32: {  	s10 =	sld [smem:$0x3FB3];
	_ =	sdelay $0x3  }
0x33: {  	p0 =	seq.s32 s10, $0x1;
	s10 =	sld [smem:$0x3FB5];
	_ =	sdelay $0x3  }
0x34: {  	[smem:$0x3FB5] =	sst s10  }
0x35: {  	s10 =	sld [smem:$0x3FB4];
	_ =	sdelay $0x3  }
0x36: {  	p1 =	seq.s32 s10, $0x1;
	s10 =	sld [smem:$0x3FB5];
	_ =	sdelay $0x3  }
0x37: {  	[smem:$0x3FB5] =	sst s10  }
0x38: {  	s10 =	sld [smem:$0x3FB6]  }
0x39: {  	_ = 	snop;
	(pc) =	sbr.ind lr, $3  }
0x3a: {  	_ = 	snop  }
0x3b: {  	_ = 	snop  }
0x3c: {  	p2 =	seq.s32 s10, $0x1;
	s10 =	sld [smem:$0x3FB5]  }
0x3d: {  	_ =	shalt  }
0x3e: {  	_ =	shalt  }
0x3f: {  	_ =	shalt  }
0x40: {  	_ =	shalt  }
0x41: {  	_ =	shalt  }
0x42: {  	_ =	shalt  }
0x43: {  	_ =	shalt  }
0x44: {  	_ =	shalt  }
0x45: {  	_ =	shalt  }
0x46: {  	_ =	shalt  }
0x47: {  	_ =	shalt  }
0x48: {  	_ =	shalt  }
0x49: {  	_ =	shalt  }
0x4a: {  	_ =	shalt  }
0x4b: {  	_ =	shalt  }
0x4c: {  	_ =	shalt  }
0x4d: {  	_ =	shalt  }
0x4e: {  	_ =	shalt  }
0x4f: {  	_ =	shalt  }
0x50: {  	_ =	shalt  }
0x51: {  	_ =	shalt  }
0x52: {  	_ =	shalt  }
0x53: {  	_ =	shalt  }
0x54: {  	_ =	shalt  }
0x55: {  	_ =	shalt  }
0x56: {  	_ =	shalt  }
0x57: {  	_ =	shalt  }
0x58: {  	_ =	shalt  }
0x59: {  	_ =	shalt  }
0x5a: {  	_ =	shalt  }
0x5b: {  	_ =	shalt  }
0x5c: {  	_ =	shalt  }
0x5d: {  	_ =	shalt  }
0x5e: {  	_ =	shalt  }
0x5f: {  	_ =	shalt  }
0x60: {  	_ =	shalt  }
0x61: {  	_ =	shalt  }
0x62: {  	_ =	shalt  }
0x63: {  	_ =	shalt  }
0x64: {  	_ =	shalt  }
0x65: {  	_ =	shalt  }
0x66: {  	_ =	shalt  }
0x67: {  	_ =	shalt  }
0x68: {  	_ =	shalt  }
0x69: {  	_ =	shalt  }
0x6a: {  	_ =	shalt  }
0x6b: {  	_ =	shalt  }
0x6c: {  	_ =	shalt  }
0x6d: {  	_ =	shalt  }
0x6e: {  	_ =	shalt  }
0x6f: {  	_ =	shalt  }
0x70: {  	_ =	shalt  }
0x71: {  	_ =	shalt  }
0x72: {  	_ =	shalt  }
0x73: {  	_ =	shalt  }
0x74: {  	_ =	shalt  }
0x75: {  	_ =	shalt  }
0x76: {  	_ =	shalt  }
0x77: {  	_ =	shalt  }
0x78: {  	_ =	shalt  }
0x79: {  	_ =	shalt  }
0x7a: {  	_ =	shalt  }
0x7b: {  	_ =	shalt  }
0x7c: {  	_ =	shalt  }
0x7d: {  	_ =	shalt  }
0x7e: {  	_ =	shalt  }
0x7f: {  	_ =	shalt  }
0x80: {  	_ =	shalt  }
0x81: {  	_ =	shalt  }
0x82: {  	_ =	shalt  }
0x83: {  	_ =	shalt  }
0x84: {  	_ =	shalt  }
0x85: {  	_ =	shalt  }
0x86: {  	_ =	shalt  }
0x87: {  	_ =	shalt  }
.Lfunc_end0:
.L_simem_size_0:
called_computation.1_lowered:
.L_overlay_start_0:
0x88: {  	s2 =	sld [smem:$0x3FD9]  }
0x89: {  	s3 =	sld [smem:$0x3FFE];
	_ =	sdelay $0x1  }
0x8a: {  	s1 =	srdreg.scid  }
0x8b: {  	s0 =	sand.u32 $0x1, s1  }
0x8c: {  	s17 =	sshll.u32 s0, $0xA;
	s2 =	sadd.s32 s3, s2  }
0x8d: {  	s2 =	sadd.s32 s2, s17  }
0x8e: {  	[smem:$0x3FC1] =	sst s2  }
0x8f: {  	_ = 	snop  }
0x90: {  	s2 =	sld [smem:$0x3FD0];
	(tm) =	ssettm $0x1  }
0x91: {  	s18 =	sld [smem:$0x3FFB];
	_ =	sdelay $0x3  }
0x92: {  	_ =	strace s18  }
0x93: {  	s3 =	sld [smem:$0x3FFC];
	_ =	sdelay $0x3  }
0x94: {  	_ =	strace s3  }
0x95: {  	s3 =	sld [smem:$0x3FFD];
	_ =	sdelay $0x3  }
0x96: {  	_ =	strace s3  }
0x97: {  	_ =	strace $0x8FFFFFFF  }
0x98: {  	s19 =	sld [smem:$0x3FDB];
	_ =	sdelay $0x1  }
0x99: {  	s4 =	simm.s32 $_scs_section_size  }
0x9a: {  	s5 =	simm.s32 $_size__tile_overlayer_lowered;
	s6 =	simm.s32 $_tile_overlayer_lowered  }
0x9b: {  	s22 =	simm.s32 $0x1BFF;
	s21 =	sshll.u32 s6, $0x1;
	s3 =	sadd.s32 s4, s19  }
0x9c: {  	s7 =	simm.s32 $0x0;
	s20 =	sshll.u32 s5, $0x1;
	s5 =	sadd.s32 s21, s3  }
0x9d: {  	[timem:s7], [sflag:s22] =	dma.local [hbm:s5], s20  }
0x9e: {  	_ =	swait.ge [sflag:s22], s20  }
0x9f: {  	s4 =	ssub.s32 $0x0, s20;
	[sflag:s22] =	ssyncset.done $0x0  }
0xa0: {  	[sflag:s22] =	ssyncadd.s32 s4;
	_ =	sdelay $0x1  }
0xa1: {  	s23 =	simm.s32 $0x1B8B  }
0xa2: {  	_ =	swait.ge [sflag:s23], $0x1  }
0xa3: {  	[sflag:s23] =	ssyncset.done $0x0  }
0xa4: {  	s25 =	simm.s32 $0x1B8E;
	s24 =	sld [smem:$0x3FFE];
	[sflag:s23] =	ssyncadd.s32 $0xFFFFFFFF  }
0xa5: {  	s26 =	simm.s32 $execute0_lowered;
	[smem:$0x3FD2] =	sst s25  }
0xa6: {  	s5 =	sshll.u32 s26, $0x1;
	_ =	strace $0x80000049;
	[dreg:$0x1] =	wrdreg $0xFFFFFFFF  }
0xa7: {  	s28 =	simm.s32 $_size_execute0_lowered;
	s3 =	sadd.s32 s3, s5;
	[dreg:$0x0] =	wrdreg $0x0  }
0xa8: {  	s5 =	sshll.u32 s28, $0x1;
	[dreg:$0x2] =	wrdreg s3  }
0xa9: {  	[dreg:$0x3] =	wrdreg s5  }
0xaa: {  	[dreg:$0x4] =	wrdreg $0xC0  }
0xab: {  	_ =	task [dreg:s7], $0x5FFFF  }
0xac: {  	[dreg:$0x1] =	wrdreg $0xFFFFFFFF  }
0xad: {  	[dreg:$0x0] =	wrdreg $0x60  }
0xae: {  	[dreg:$0x2] =	wrdreg s24  }
0xaf: {  	[dreg:$0x3] =	wrdreg s2  }
0xb0: {  	[dreg:$0x4] =	wrdreg $0x7D000  }
0xb1: {  	[dreg:$0x5] =	wrdreg $0x9  }
0xb2: {  	_ =	task.clear_ibuf [dreg:s7], $0x6FFFF;
	_ =	strace $0x90000049  }
0xb3: {  	s29 =	simm.s32 $0x9;
	_ =	strace $0x8000004B  }
0xb4: {  	_ =	swait.ge [sflag:s29], $0x1  }
0xb5: {  	[sflag:s29] =	ssyncadd.s32 $0xFFFFFFFF  }
0xb6: {  	_ =	strace $0x9000004B  }
0xb7: {  	_ =	sfence  }
0xb8: {  	s30 =	sld [smem:$0x0];
	_ =	sdelay $0x2  }
0xb9: {  	s31 =	sshll.u32 s1, $0xD;
	s1 =	sshrl.u32 s1, $0x2  }
0xba: {  	s3 =	sand.u32 $0x4000, s31;
	s1 =	sadd.s32 s1, s30  }
0xbb: {  	s0 =	sor.u32 s3, s0;
	s1 =	sshll.u32 s1, $0x11  }
0xbc: {  	s0 =	sor.u32 s1, s0  }
0xbd: {  	s0 =	sadd.s32 $0x8F2B, s0  }
0xbe: {  	[sflag:s0] =	ssyncadd.remote.s32 $0x1  }
0xbf: {  	_ =	sfence.sel $0xFFFF  }
0xc0: {  	[dreg:$0x0] =	wrdreg $0xFFFFFFFF;
	(pc) =	sbr.abs _section_cstart, $3  }
0xc1: {  	[dreg:$0x1] =	wrdreg $0xFFFFFFFF  }
0xc2: {  	_ =	task.clear_ibuf [dreg:s7], $0x2FFFF;
	_ =	strace $0x9FFFFFFF  }
0xc3: {  	(tm) =	ssettm $0x7FFFFFFF  }
tec
execute0_lowered:
.L_overlay_start_1:
0x0: {  	(tag) =	ssettag $0x1  }
0x1: {  	s6 =	rddreg [dreg:$0x0]  }
0x2: {  	s12 =	rddreg [dreg:$0x1]  }
0x3: {  	s1 =	rddreg [dreg:$0x2];
	s2 =	srdreg.scid;
	s3 =	simm.s32 $0x0  }
0x4: {  	s0 =	stileid.u32;
	s16 =	simm.s32 $0x200;
	s17 =	simm.s32 $0x300  }
0x5: {  	s18 =	simm.s32 $0x7;
	s19 =	simm.s32 $0x50;
	s20 =	simm.s32 $0x500  }
0x6: {  	s21 =	simm.s32 $0x8;
	s22 =	simm.s32 $0x2D00;
	s8 =	smul.u32 $0x27400, s0  }
0x7: {  	s23 =	simm.s32 $0x6;
	s24 =	simm.s32 $0x0;
	s10 =	smul.u32 $0x9D000, s0  }
0x8: {  	s7 =	sand.u32 $0x1, s2;
	[smem:$0x7FF] =	sst s3;
	s29 =	smul.u32 $0xFC00, s0  }
0x9: {  	s4 =	sadd.s32 $0x2400, s6;
	s9 =	sshll.u32 s0, $0x1;
	s5 =	smul.u32 $0x140000, s7  }
0xa: {  	p0 =	sgt.u32 s0, $0x7;
	s9 =	sor.u32 s7, s9;
	s14 =	smul.u32 $0x7E00, s7  }
0xb: {  	_ =	strace $0x8000004A;
	s28 =	ssub.s32 $0x2, s7;
	s9 =	smul.u32 $0x7E00, s9  }
0xc: {  	s13 =	sshrl.u32 s28, $0x1;
	s30 =	sshrl.u32 s10, $0x2;
	s8 =	sadd.s32 s8, s5  }
0xd: {  	s5 =	sadd.s32 $0x2A400, s6;
	s13 =	ssub.s32 s28, s13;
	s31 =	sadd.s32 s14, s29  }
0xe: {  	s8 =	sshrl.u32 s8, $0x3;
	s9 =	sshrl.u32 s9, $0x3;
	s14 =	sadd.s32 $0x400, s31  }
.Ltmp0:
0xf: {  	s11 =	sadd.s32 s8, s6;
	s6 =	sadd.s32 s12, s9;
	(pc) =	sbr.rel .LBB2_1-.Ltmp0, $4  }
0x10: {  	s15 =	sadd.s32 s30, s1;
	s14 =	sshrl.u32 s14, $0x3;
	s7 =	sadd.s32 $0x20, s6  }
0x11: {  	s8 =	sadd.s32 $0x40, s6;
	s9 =	sadd.s32 $0x60, s6;
	s10 =	sadd.s32 $0x2F400, s11  }
0x12: {  	s11 =	smax.u32 s13, $0x1;
	s12 =	sadd.s32 s14, s12;
	s13 =	sshll.u32 @!p0 s0, $0x6  }
0x13: {  	s14 =	sshrl.u32 @!p0 s15, $0x3;
	s15 =	simm.s32 $0x100;
	s13 =	sor.u32 @!p0 $0x1C0C, s13  }
.LBB2_7:
0x14: {  	_ =	swait.ge [sflag:s23], $0x2800  }
0x15: {  	s24 =	sadd.s32 $0x1, s24;
	[sflag:s23] =	ssyncset.done $0x0  }
0x16: {  	p1 =	sne.s32 s24, s11;
	[sflag:s23] =	ssyncadd.s32 $0xFFFFD800  }
.Ltmp1:
0x17: {  	s0 =	simm.s32 @!p0 $0xC;
	[bflag:$0x0] =	sbarrier.arrive $0xFFFF;
	(pc) =	sbr.rel @!p1 .LBB2_8-.Ltmp1, $4  }
0x18: {  	[hbm:s10], [sflag:s13] =	dma.local @!p0 [spmem:s14], $0x4E80  }
0x19: {  	_ =	swait.ge @!p0 [sflag:s0], $0x4E80  }
0x1a: {  	[sflag:s0] =	ssyncset.done @!p0 $0x0  }
0x1b: {  	[sflag:s0] =	ssyncadd.s32 @!p0 $0xFFFFB180  }
.LBB2_1:
0x1c: {  	[spmem:s14], [sflag:s13] =	dma.local @!p0 [hbm:s5], $0x4E80  }
0x1d: {  	s25 =	simm.s32 @!p0 $0xC  }
0x1e: {  	_ =	swait.ge @!p0 [sflag:s25], $0x4E80  }
0x1f: {  	[sflag:s25] =	ssyncset.done @!p0 $0x0  }
0x20: {  	[sflag:s25] =	ssyncadd.s32 @!p0 $0xFFFFB180  }
0x21: {  	[tilespmem:s3], [sflag:$0x7] =	stream.linear.gather [hbm4b:s6+s3], $0x100, $0x38;
	[tilespmem:$0x1B700] =	vst v63  }
0x22: {  	_ = 	snop  }
0x23: {  	[tilespmem:s15], [sflag:$0x8] =	stream.linear.gather [hbm4b:s7+s3], $0x100, $0x38;
	[tilespmem:$0x1B700] =	vst v63  }
0x24: {  	_ = 	snop  }
0x25: {  	[tilespmem:s16], [sflag:$0x9] =	stream.linear.gather [hbm4b:s8+s3], $0x100, $0x38;
	[tilespmem:$0x1B700] =	vst v63  }
0x26: {  	_ = 	snop  }
0x27: {  	[tilespmem:s17], [sflag:$0xA] =	stream.linear.gather [hbm4b:s9+s3], $0x100, $0x38;
	[tilespmem:$0x1B700] =	vst v63  }
0x28: {  	_ =	swait.ge [sflag:s18], $0x100  }
0x29: {  	[sflag:s18] =	ssyncset.done $0x0  }
0x2a: {  	[sflag:s18] =	ssyncadd.s32 $0xFFFFFF00  }
0x2b: {  	[tilespmem:s20], [sflag:$0x1] =	stream.indirect.gather [hbm4b:s4+s19], $0x80, s3, s19, $0xb8;
	[tilespmem:$0x1B700] =	vst v63  }
0x2c: {  	_ =	swait.ge [sflag:s21], $0x100  }
.Ltmp2:
0x2d: {  	[sflag:s21] =	ssyncset.done $0x0;
	(pc) =	sbr.rel .LBB2_2-.Ltmp2, $4  }
0x2e: {  	[sflag:s21] =	ssyncadd.s32 $0xFFFFFF00  }
0x2f: {  	[tilespmem:s22], [sflag:$0x2] =	stream.indirect.gather [hbm4b:s4+s19], $0x80, s15, s19, $0xb8;
	[tilespmem:$0x1B700] =	vst v63  }
0x30: {  	[bflag:$0x0] =	sbarrier.arrive $0xFFFF  }
0x31: {  	s26 =	simm.s32 $0x0;
	s25 =	smov.u32 s12  }
.LBB2_3:
0x32: {  	s0 =	sadd.s32 $0x4, s26  }
0x33: {  	s2 =	smul.u32 $0xCD, s0;
	_ =	sdelay $0x1  }
0x34: {  	s2 =	sshrl.u32 s2, $0xA  }
0x35: {  	s2 =	sand.u32 $0x3F, s2  }
0x36: {  	s2 =	smul.u32 $0x5, s2;
	_ =	sdelay $0x1  }
0x37: {  	s0 =	ssub.s32 s0, s2  }
0x38: {  	s0 =	sand.u32 $0xFF, s0  }
0x39: {  	s31 =	sshll.u32 s0, $0x8;
	s0 =	sadd.s32 $0x7, s0  }
0x3a: {  	[tilespmem:s31], [sflag:s0] =	stream.linear.gather [hbm4b:s25+s3], $0x100, $0x38;
	[tilespmem:$0x1B700] =	vst v63  }
.LBB2_5:
0x3b: {  	s0 =	sadd.s32 $0x2, s26  }
0x3c: {  	s2 =	sand.u32 $0xFF, s0  }
0x3d: {  	s28 =	smul.u32 $0xCD, s2  }
0x3e: {  	s2 =	smul.u32 $0xAB, s2  }
0x3f: {  	s28 =	sshrl.u32 s28, $0xA  }
0x40: {  	s2 =	sshrl.u32 s2, $0x9;
	s28 =	smul.u32 $0x5, s28  }
0x41: {  	s2 =	smul.u32 $0x3, s2;
	_ =	sdelay $0x1  }
0x42: {  	s28 =	ssub.s32 s0, s28;
	s0 =	ssub.s32 s0, s2  }
0x43: {  	s28 =	sand.u32 $0xFF, s28;
	s0 =	sand.u32 $0xFF, s0  }
0x44: {  	s30 =	sadd.s32 $0x7, s28;
	s29 =	smul.u32 $0xA000, s0  }
0x45: {  	_ =	swait.ge [sflag:s30], $0x100  }
0x46: {  	s28 =	sshll.u32 s28, $0x8;
	[sflag:s30] =	ssyncset.done $0x0;
	s31 =	sshrl.u32 s29, $0x2  }
0x47: {  	s0 =	sadd.s32 $0x1, s0;
	[sflag:s30] =	ssyncadd.s32 $0xFFFFFF00;
	s2 =	sor.u32 $0x500, s31  }
0x48: {  	[tilespmem:s2], [sflag:s0] =	stream.indirect.gather [hbm4b:s4+s19], $0x80, s28, s19, $0xb8;
	[tilespmem:$0x1B700] =	vst v63  }
.LBB2_6:
0x49: {  	s26 =	sadd.s32 $0x1, s26  }
0x4a: {  	p1 =	sne.s32 s26, $0x7E  }
.Ltmp3:
0x4b: {  	_ = 	snop;
	(pc) =	sbr.rel @!p1 .LBB2_7-.Ltmp3, $2  }
0x4c: {  	_ =	sdelay $0x2  }
0x4d: {  	s25 =	sadd.s32 $0x20, s25  }
.LBB2_2:
0x4e: {  	s28 =	smul.u32 $0xAB, s26;
	p1 =	seq.s32 s26, $0x0  }
0x4f: {  	s29 =	smul.u32 $0xCD, s26;
	s31 =	sadd.s32 @!p1 $0xFFFFFFFF, s26  }
0x50: {  	s28 =	sshrl.u32 s28, $0x9;
	s2 =	sand.u32 @!p1 $0xFF, s31  }
0x51: {  	s29 =	sshrl.u32 s29, $0xA;
	s28 =	sand.u32 $0x7F, s28;
	s2 =	smul.u32 @!p1 $0xAB, s2  }
0x52: {  	s29 =	sand.u32 $0x3F, s29;
	s28 =	smul.u32 $0x3, s28  }
0x53: {  	s29 =	smul.u32 $0x5, s29  }
0x54: {  	p2 =	sgt.u32 @!p1 s26, $0x79;
	s28 =	ssub.s32 s26, s28  }
0x55: {  	s2 =	sshrl.u32 @!p1 s2, $0x9;
	s29 =	ssub.s32 s26, s29;
	s28 =	sand.u32 $0xFF, s28  }
0x56: {  	s29 =	sand.u32 $0xFF, s29;
	s30 =	sadd.s32 $0x1, s28;
	s0 =	smul.u32 $0xA000, s28  }
0x57: {  	s2 =	smul.u32 @!p1 $0x3, s2;
	s29 =	sshll.u32 s29, $0x8;
	_ =	swait.ge [sflag:s30], $0x2800  }
0x58: {  	s28 =	sor.u32 $0x4, s28;
	[sflag:s30] =	ssyncset.done $0x0;
	s0 =	sshrl.u32 s0, $0x2  }
0x59: {  	s29 =	sor.u32 $0x80, s29;
	[sflag:s30] =	ssyncadd.s32 $0xFFFFD800;
	s0 =	sor.u32 $0x500, s0  }
0x5a: {  	[spmem:s1] =	stream.indirect.scatter.add.f32 [tilespmem:s0], [sflag:s28], $0x80, s29, s19, $0xb8;
	[tilespmem:$0x1B700] =	vst v63  }
0x5b: {  	p2 =	por p1, !p2;
	s0 =	ssub.s32 @!p1 s31, s2  }
.Ltmp4:
0x5c: {  	s0 =	sor.u32 @!p1 $0x4, s0;
	(pc) =	sbr.rel @p2 .LBB2_3-.Ltmp4, $4  }
0x5d: {  	s0 =	sand.u32 @!p1 $0xFF, s0  }
0x5e: {  	_ =	swait.ge @!p1 [sflag:s0], $0x2800  }
0x5f: {  	[sflag:s0] =	ssyncset.done @!p1 $0x0  }
0x60: {  	[sflag:s0] =	ssyncadd.s32 @!p1 $0xFFFFD800  }
0x61: {  	p1 =	sgt.u32 s26, $0x7B  }
.Ltmp5:
0x62: {  	_ = 	snop;
	(pc) =	sbr.rel @p1 .LBB2_6-.Ltmp5, $4  }
.Ltmp6:
0x63: {  	_ = 	snop;
	(pc) =	sbr.rel @!p1 .LBB2_5-.Ltmp6, $4  }
0x64: {  	_ = 	snop  }
0x65: {  	_ = 	snop  }
0x66: {  	_ = 	snop  }
0x67: {  	_ = 	snop  }
.LBB2_8:
0x68: {  	_ =	sfence.sel $0x180000  }
0x69: {  	[bflag:$0x0] =	sbarrier.arrive $0xFFFF  }
0x6a: {  	_ =	strace $0x9000004A  }
0x6b: {  	s0 =	stileid.u32;
	[bflag:$0x2] =	sbarrier.arrive $0xFFFF  }
0x6c: {  	p0 =	sne.s32 s0, $0x0;
	s0 =	rddreg [dreg:$0x3]  }
0x6d: {  	s0 =	sadd.s32 @!p0 $0x100000, s0  }
0x6e: {  	[sflag:s0] =	ssyncadd.tile.s32 @!p0 $0x1;
	_ =	shalt  }
.Lfunc_end2:
_tile_overlayer_lowered:
.L_overlay_start_2:
0x6f: {  	(tag) =	ssettag $0x2  }
0x70: {  	s0 =	rddreg [dreg:$0x0];
	s2 =	stileid.u32  }
0x71: {  	s1 =	rddreg [dreg:$0x1];
	p0 =	sne.s32 s2, $0x0  }
0x72: {  	s3 =	rddreg [dreg:$0x2];
	[bflag:$0x3] =	sbarrier.arrive $0xFFFF;
	s2 =	simm.s32 @!p0 $0x1C0C  }
0x73: {  	[timem:s3], [sflag:s2] =	dma.local @!p0 [hbm:s0], s1  }
0x74: {  	s0 =	simm.s32 @!p0 $0xC  }
0x75: {  	_ =	swait.ge @!p0 [sflag:s0], s1  }
0x76: {  	s1 =	ssub.s32 @!p0 $0x0, s1;
	[sflag:s0] =	ssyncset.done @!p0 $0x0  }
0x77: {  	[sflag:s0] =	ssyncadd.s32 @!p0 s1  }
0x78: {  	[bflag:$0x3] =	sbarrier.arrive $0xFFFF  }
0x79: {  	_ =	shalt  }

// kernel: kernel.14.cloned.1.call-start
scs
__scs_entry_jumppad:
0x0: {  	(pc) =	sbr.rel $0x88, $3  }
0x1: {  	(tag) =	ssettag $0x0;
	lr =	simm.s32 $0x1  }
0x2: {  	[smem:$0x3F9A] =	sst lr;
	_ =	strace $0xD0000000  }
0x3: {  	_ = 	snop  }
0x4: {  	_ = 	snop  }
0x5: {  	_ = 	snop  }
0x6: {  	_ = 	snop  }
0x7: {  	_ = 	snop  }
__scs_overlays_trampoline_lowered:
0x8: {  	[smem:$0x3FA9] =	sst s0  }
0x9: {  	[smem:$0x3FAA] =	sst s1  }
0xa: {  	[smem:$0x3FAB] =	sst s2  }
0xb: {  	[smem:$0x3FAC] =	sst s3  }
0xc: {  	[smem:$0x3FAD] =	sst s4  }
0xd: {  	[smem:$0x3FAE] =	sst s5  }
0xe: {  	[smem:$0x3FAF] =	sst s6  }
0xf: {  	[smem:$0x3FB0] =	sst s7  }
0x10: {  	[smem:$0x3FB1] =	sst s8  }
0x11: {  	[smem:$0x3FB2] =	sst s9;
	s0 =	simm.s32 @!p0 $0x0  }
0x12: {  	s1 =	sld [smem:$0x3F98];
	s0 =	simm.s32 @p0 $0x1  }
0x13: {  	[smem:$0x3FB3] =	sst s0;
	s0 =	simm.s32 @!p1 $0x0  }
0x14: {  	s2 =	sld [smem:$0x3F97];
	s0 =	simm.s32 @p1 $0x1  }
0x15: {  	[smem:$0x3FB4] =	sst s0;
	s0 =	simm.s32 @!p2 $0x0  }
0x16: {  	s3 =	sld [smem:$0x3FDB];
	s0 =	simm.s32 @p2 $0x1  }
0x17: {  	s4 =	simm.s32 $0x1BF5;
	[smem:$0x3FB6] =	sst s0  }
0x18: {  	s0 =	sld [smem:$0x3F99];
	_ =	swait.ge [sflag:s4], $0x0  }
0x19: {  	s7 =	sld [smem:$0x3F9A]  }
0x1a: {  	s8 =	sadd.s32 $0xFFFFE003, lr  }
0x1b: {  	s9 =	sadd.s32 $0xFFFFFEF7, lr;
	s5 =	simm.s32 $0xFFFFFFFF;
	p2 =	slt.u32 s8, $0xFFFFF086  }
0x1c: {  	p1 =	slt.u32 s9, $0xF7A;
	s5 =	simm.s32 @!p2 $0x0  }
0x1d: {  	s5 =	simm.s32 @p1 $0x1;
	p0 =	seq.s32 s7, s2  }
0x1e: {  	s7 =	smul.u32 @!p0 $0xF7A, s2;
	p2 =	seq.s32 @!p0 s5, $0x0  }
0x1f: {  	s9 =	smul.u32 $0xF7A, s1;
	s8 =	simm.s32 @!p0 $0x1BF5;
	p2 =	por !p2, p0  }
0x20: {  	[sflag:s8] =	ssyncset.s32 @!p0 $0xFFFFF086;
	s6 =	sadd.s32 @!p0 s3, s7;
	s7 =	simm.s32 @!p0 $0x108  }
0x21: {  	s3 =	sadd.s32 s3, s9;
	s6 =	sadd.s32 @!p0 $0x88, s6;
	s7 =	simm.s32 @p2 $0x1082  }
0x22: {  	[simem:s7], [sflag:s8] =	dma.local @!p0 [hbm:s6], $0xF7A  }
0x23: {  	s9 =	sor.u32 $0xD0000000, s2;
	s6 =	simm.s32 $0x108;
	_ =	swait.ge @!p0 [sflag:s8], $0x0  }
0x24: {  	s3 =	sadd.s32 $0x88, s3;
	s6 =	simm.s32 @!p1 $0x1082;
	[sflag:s4] =	ssyncset.s32 $0xFFFFF086  }
0x25: {  	[simem:s6], [sflag:s4] =	dma.local [hbm:s3], $0xF7A  }
0x26: {  	[smem:$0x3F9A] =	sst s1;
	(tag) =	ssettag s2;
	_ =	strace s9  }
0x27: {  	s1 =	sld [smem:$0x3FAA]  }
0x28: {  	s2 =	sld [smem:$0x3FAB]  }
0x29: {  	s4 =	sld [smem:$0x3FAD]  }
0x2a: {  	p0 =	seq.s32 s5, $0x0;
	s5 =	sld [smem:$0x3FAE]  }
0x2b: {  	s6 =	sld [smem:$0x3FAF]  }
0x2c: {  	s7 =	sld [smem:$0x3FB0]  }
0x2d: {  	s3 =	simm.s32 $0x108;
	s8 =	sld [smem:$0x3FB1]  }
0x2e: {  	s3 =	simm.s32 @!p0 $0x1082;
	s9 =	sld [smem:$0x3FB2]  }
0x2f: {  	lr =	sadd.s32 s0, s3;
	s0 =	sld [smem:$0x3FA9]  }
0x30: {  	s3 =	sld [smem:$0x3FAC]  }
0x31: {  	[smem:$0x3FB5] =	sst s10  }
0x32: {  	s10 =	sld [smem:$0x3FB3];
	_ =	sdelay $0x3  }
0x33: {  	p0 =	seq.s32 s10, $0x1;
	s10 =	sld [smem:$0x3FB5];
	_ =	sdelay $0x3  }
0x34: {  	[smem:$0x3FB5] =	sst s10  }
0x35: {  	s10 =	sld [smem:$0x3FB4];
	_ =	sdelay $0x3  }
0x36: {  	p1 =	seq.s32 s10, $0x1;
	s10 =	sld [smem:$0x3FB5];
	_ =	sdelay $0x3  }
0x37: {  	[smem:$0x3FB5] =	sst s10  }
0x38: {  	s10 =	sld [smem:$0x3FB6]  }
0x39: {  	_ = 	snop;
	(pc) =	sbr.ind lr, $3  }
0x3a: {  	_ = 	snop  }
0x3b: {  	_ = 	snop  }
0x3c: {  	p2 =	seq.s32 s10, $0x1;
	s10 =	sld [smem:$0x3FB5]  }
0x3d: {  	_ =	shalt  }
0x3e: {  	_ =	shalt  }
0x3f: {  	_ =	shalt  }
0x40: {  	_ =	shalt  }
0x41: {  	_ =	shalt  }
0x42: {  	_ =	shalt  }
0x43: {  	_ =	shalt  }
0x44: {  	_ =	shalt  }
0x45: {  	_ =	shalt  }
0x46: {  	_ =	shalt  }
0x47: {  	_ =	shalt  }
0x48: {  	_ =	shalt  }
0x49: {  	_ =	shalt  }
0x4a: {  	_ =	shalt  }
0x4b: {  	_ =	shalt  }
0x4c: {  	_ =	shalt  }
0x4d: {  	_ =	shalt  }
0x4e: {  	_ =	shalt  }
0x4f: {  	_ =	shalt  }
0x50: {  	_ =	shalt  }
0x51: {  	_ =	shalt  }
0x52: {  	_ =	shalt  }
0x53: {  	_ =	shalt  }
0x54: {  	_ =	shalt  }
0x55: {  	_ =	shalt  }
0x56: {  	_ =	shalt  }
0x57: {  	_ =	shalt  }
0x58: {  	_ =	shalt  }
0x59: {  	_ =	shalt  }
0x5a: {  	_ =	shalt  }
0x5b: {  	_ =	shalt  }
0x5c: {  	_ =	shalt  }
0x5d: {  	_ =	shalt  }
0x5e: {  	_ =	shalt  }
0x5f: {  	_ =	shalt  }
0x60: {  	_ =	shalt  }
0x61: {  	_ =	shalt  }
0x62: {  	_ =	shalt  }
0x63: {  	_ =	shalt  }
0x64: {  	_ =	shalt  }
0x65: {  	_ =	shalt  }
0x66: {  	_ =	shalt  }
0x67: {  	_ =	shalt  }
0x68: {  	_ =	shalt  }
0x69: {  	_ =	shalt  }
0x6a: {  	_ =	shalt  }
0x6b: {  	_ =	shalt  }
0x6c: {  	_ =	shalt  }
0x6d: {  	_ =	shalt  }
0x6e: {  	_ =	shalt  }
0x6f: {  	_ =	shalt  }
0x70: {  	_ =	shalt  }
0x71: {  	_ =	shalt  }
0x72: {  	_ =	shalt  }
0x73: {  	_ =	shalt  }
0x74: {  	_ =	shalt  }
0x75: {  	_ =	shalt  }
0x76: {  	_ =	shalt  }
0x77: {  	_ =	shalt  }
0x78: {  	_ =	shalt  }
0x79: {  	_ =	shalt  }
0x7a: {  	_ =	shalt  }
0x7b: {  	_ =	shalt  }
0x7c: {  	_ =	shalt  }
0x7d: {  	_ =	shalt  }
0x7e: {  	_ =	shalt  }
0x7f: {  	_ =	shalt  }
0x80: {  	_ =	shalt  }
0x81: {  	_ =	shalt  }
0x82: {  	_ =	shalt  }
0x83: {  	_ =	shalt  }
0x84: {  	_ =	shalt  }
0x85: {  	_ =	shalt  }
0x86: {  	_ =	shalt  }
0x87: {  	_ =	shalt  }
.Lfunc_end0:
.L_simem_size_0:
called_computation.2_lowered:
.L_overlay_start_0:
0x88: {  	s2 =	sld [smem:$0x3FD9]  }
0x89: {  	s3 =	sld [smem:$0x3FFE];
	_ =	sdelay $0x1  }
0x8a: {  	s1 =	srdreg.scid  }
0x8b: {  	s0 =	sand.u32 $0x1, s1  }
0x8c: {  	s17 =	sshll.u32 s0, $0xA;
	s2 =	sadd.s32 s3, s2  }
0x8d: {  	s2 =	sadd.s32 s2, s17  }
0x8e: {  	[smem:$0x3FC1] =	sst s2  }
0x8f: {  	_ = 	snop  }
0x90: {  	s2 =	sld [smem:$0x3FD0];
	(tm) =	ssettm $0x1  }
0x91: {  	s18 =	sld [smem:$0x3FFB];
	_ =	sdelay $0x3  }
0x92: {  	_ =	strace s18  }
0x93: {  	s3 =	sld [smem:$0x3FFC];
	_ =	sdelay $0x3  }
0x94: {  	_ =	strace s3  }
0x95: {  	s3 =	sld [smem:$0x3FFD];
	_ =	sdelay $0x3  }
0x96: {  	_ =	strace s3  }
0x97: {  	_ =	strace $0x8FFFFFFF  }
0x98: {  	s19 =	sld [smem:$0x3FDB];
	_ =	sdelay $0x1  }
0x99: {  	s4 =	simm.s32 $_scs_section_size  }
0x9a: {  	s5 =	simm.s32 $_size__tile_overlayer_lowered;
	s6 =	simm.s32 $_tile_overlayer_lowered  }
0x9b: {  	s22 =	simm.s32 $0x1BFF;
	s21 =	sshll.u32 s6, $0x1;
	s3 =	sadd.s32 s4, s19  }
0x9c: {  	s7 =	simm.s32 $0x0;
	s20 =	sshll.u32 s5, $0x1;
	s5 =	sadd.s32 s21, s3  }
0x9d: {  	[timem:s7], [sflag:s22] =	dma.local [hbm:s5], s20  }
0x9e: {  	_ =	swait.ge [sflag:s22], s20  }
0x9f: {  	s4 =	ssub.s32 $0x0, s20;
	[sflag:s22] =	ssyncset.done $0x0  }
0xa0: {  	[sflag:s22] =	ssyncadd.s32 s4;
	_ =	sdelay $0x1  }
0xa1: {  	s23 =	simm.s32 $0x1B8B  }
0xa2: {  	_ =	swait.ge [sflag:s23], $0x1  }
0xa3: {  	[sflag:s23] =	ssyncset.done $0x0  }
0xa4: {  	s25 =	simm.s32 $0x1B8E;
	s24 =	sld [smem:$0x3FFE];
	[sflag:s23] =	ssyncadd.s32 $0xFFFFFFFF  }
0xa5: {  	s26 =	simm.s32 $execute0_lowered;
	[smem:$0x3FD2] =	sst s25  }
0xa6: {  	s5 =	sshll.u32 s26, $0x1;
	_ =	strace $0x8000004C;
	[dreg:$0x1] =	wrdreg $0xFFFFFFFF  }
0xa7: {  	s28 =	simm.s32 $_size_execute0_lowered;
	s3 =	sadd.s32 s3, s5;
	[dreg:$0x0] =	wrdreg $0x0  }
0xa8: {  	s5 =	sshll.u32 s28, $0x1;
	[dreg:$0x2] =	wrdreg s3  }
0xa9: {  	[dreg:$0x3] =	wrdreg s5  }
0xaa: {  	[dreg:$0x4] =	wrdreg $0xC0  }
0xab: {  	_ =	task [dreg:s7], $0x5FFFF  }
0xac: {  	[dreg:$0x1] =	wrdreg $0xFFFFFFFF  }
0xad: {  	[dreg:$0x0] =	wrdreg $0x60  }
0xae: {  	[dreg:$0x2] =	wrdreg s24  }
0xaf: {  	[dreg:$0x3] =	wrdreg s2  }
0xb0: {  	[dreg:$0x4] =	wrdreg $0x7D000  }
0xb1: {  	[dreg:$0x5] =	wrdreg $0x9  }
0xb2: {  	_ =	task.clear_ibuf [dreg:s7], $0x6FFFF;
	_ =	strace $0x9000004C  }
0xb3: {  	s29 =	simm.s32 $0x9;
	_ =	strace $0x8000004E  }
0xb4: {  	_ =	swait.ge [sflag:s29], $0x1  }
0xb5: {  	[sflag:s29] =	ssyncadd.s32 $0xFFFFFFFF  }
0xb6: {  	_ =	strace $0x9000004E  }
0xb7: {  	_ =	sfence  }
0xb8: {  	s30 =	sld [smem:$0x0];
	_ =	sdelay $0x2  }
0xb9: {  	s31 =	sshll.u32 s1, $0xD;
	s1 =	sshrl.u32 s1, $0x2  }
0xba: {  	s3 =	sand.u32 $0x4000, s31;
	s1 =	sadd.s32 s1, s30  }
0xbb: {  	s0 =	sor.u32 s3, s0;
	s1 =	sshll.u32 s1, $0x11  }
0xbc: {  	s0 =	sor.u32 s1, s0  }
0xbd: {  	s0 =	sadd.s32 $0x8F2B, s0  }
0xbe: {  	[sflag:s0] =	ssyncadd.remote.s32 $0x1  }
0xbf: {  	_ =	sfence.sel $0xFFFF  }
0xc0: {  	[dreg:$0x0] =	wrdreg $0xFFFFFFFF;
	(pc) =	sbr.abs _section_cstart, $3  }
0xc1: {  	[dreg:$0x1] =	wrdreg $0xFFFFFFFF  }
0xc2: {  	_ =	task.clear_ibuf [dreg:s7], $0x2FFFF;
	_ =	strace $0x9FFFFFFF  }
0xc3: {  	(tm) =	ssettm $0x7FFFFFFF  }
tec
execute0_lowered:
.L_overlay_start_1:
0x0: {  	(tag) =	ssettag $0x1  }
0x1: {  	s6 =	rddreg [dreg:$0x0]  }
0x2: {  	s12 =	rddreg [dreg:$0x1]  }
0x3: {  	s1 =	rddreg [dreg:$0x2];
	s2 =	srdreg.scid;
	s3 =	simm.s32 $0x0  }
0x4: {  	s0 =	stileid.u32;
	s16 =	simm.s32 $0x200;
	s17 =	simm.s32 $0x300  }
0x5: {  	s18 =	simm.s32 $0x7;
	s19 =	simm.s32 $0x50;
	s20 =	simm.s32 $0x500  }
0x6: {  	s21 =	simm.s32 $0x8;
	s22 =	simm.s32 $0x2D00;
	s8 =	smul.u32 $0x27400, s0  }
0x7: {  	s23 =	simm.s32 $0x6;
	s24 =	simm.s32 $0x0;
	s10 =	smul.u32 $0x9D000, s0  }
0x8: {  	s7 =	sand.u32 $0x1, s2;
	[smem:$0x7FF] =	sst s3;
	s29 =	smul.u32 $0xFC00, s0  }
0x9: {  	s4 =	sadd.s32 $0x2400, s6;
	s9 =	sshll.u32 s0, $0x1;
	s5 =	smul.u32 $0x140000, s7  }
0xa: {  	p0 =	sgt.u32 s0, $0x7;
	s9 =	sor.u32 s7, s9;
	s14 =	smul.u32 $0x7E00, s7  }
0xb: {  	_ =	strace $0x8000004D;
	s28 =	ssub.s32 $0x2, s7;
	s9 =	smul.u32 $0x7E00, s9  }
0xc: {  	s13 =	sshrl.u32 s28, $0x1;
	s30 =	sshrl.u32 s10, $0x2;
	s8 =	sadd.s32 s8, s5  }
0xd: {  	s5 =	sadd.s32 $0x2A400, s6;
	s13 =	ssub.s32 s28, s13;
	s31 =	sadd.s32 s14, s29  }
0xe: {  	s8 =	sshrl.u32 s8, $0x3;
	s9 =	sshrl.u32 s9, $0x3;
	s14 =	sadd.s32 $0x400, s31  }
.Ltmp0:
0xf: {  	s11 =	sadd.s32 s8, s6;
	s6 =	sadd.s32 s12, s9;
	(pc) =	sbr.rel .LBB2_1-.Ltmp0, $4  }
0x10: {  	s15 =	sadd.s32 s30, s1;
	s14 =	sshrl.u32 s14, $0x3;
	s7 =	sadd.s32 $0x20, s6  }
0x11: {  	s8 =	sadd.s32 $0x40, s6;
	s9 =	sadd.s32 $0x60, s6;
	s10 =	sadd.s32 $0x2F400, s11  }
0x12: {  	s11 =	smax.u32 s13, $0x1;
	s12 =	sadd.s32 s14, s12;
	s13 =	sshll.u32 @!p0 s0, $0x6  }
0x13: {  	s14 =	sshrl.u32 @!p0 s15, $0x3;
	s15 =	simm.s32 $0x100;
	s13 =	sor.u32 @!p0 $0x1C0C, s13  }
.LBB2_7:
0x14: {  	_ =	swait.ge [sflag:s23], $0x2800  }
0x15: {  	s24 =	sadd.s32 $0x1, s24;
	[sflag:s23] =	ssyncset.done $0x0  }
0x16: {  	p1 =	sne.s32 s24, s11;
	[sflag:s23] =	ssyncadd.s32 $0xFFFFD800  }
.Ltmp1:
0x17: {  	s0 =	simm.s32 @!p0 $0xC;
	[bflag:$0x0] =	sbarrier.arrive $0xFFFF;
	(pc) =	sbr.rel @!p1 .LBB2_8-.Ltmp1, $4  }
0x18: {  	[hbm:s10], [sflag:s13] =	dma.local @!p0 [spmem:s14], $0x4E80  }
0x19: {  	_ =	swait.ge @!p0 [sflag:s0], $0x4E80  }
0x1a: {  	[sflag:s0] =	ssyncset.done @!p0 $0x0  }
0x1b: {  	[sflag:s0] =	ssyncadd.s32 @!p0 $0xFFFFB180  }
.LBB2_1:
0x1c: {  	[spmem:s14], [sflag:s13] =	dma.local @!p0 [hbm:s5], $0x4E80  }
0x1d: {  	s25 =	simm.s32 @!p0 $0xC  }
0x1e: {  	_ =	swait.ge @!p0 [sflag:s25], $0x4E80  }
0x1f: {  	[sflag:s25] =	ssyncset.done @!p0 $0x0  }
0x20: {  	[sflag:s25] =	ssyncadd.s32 @!p0 $0xFFFFB180  }
0x21: {  	[tilespmem:s3], [sflag:$0x7] =	stream.linear.gather [hbm4b:s6+s3], $0x100, $0x38;
	[tilespmem:$0x1B700] =	vst v63  }
0x22: {  	_ = 	snop  }
0x23: {  	[tilespmem:s15], [sflag:$0x8] =	stream.linear.gather [hbm4b:s7+s3], $0x100, $0x38;
	[tilespmem:$0x1B700] =	vst v63  }
0x24: {  	_ = 	snop  }
0x25: {  	[tilespmem:s16], [sflag:$0x9] =	stream.linear.gather [hbm4b:s8+s3], $0x100, $0x38;
	[tilespmem:$0x1B700] =	vst v63  }
0x26: {  	_ = 	snop  }
0x27: {  	[tilespmem:s17], [sflag:$0xA] =	stream.linear.gather [hbm4b:s9+s3], $0x100, $0x38;
	[tilespmem:$0x1B700] =	vst v63  }
0x28: {  	_ =	swait.ge [sflag:s18], $0x100  }
0x29: {  	[sflag:s18] =	ssyncset.done $0x0  }
0x2a: {  	[sflag:s18] =	ssyncadd.s32 $0xFFFFFF00  }
0x2b: {  	[tilespmem:s20], [sflag:$0x1] =	stream.indirect.gather [hbm4b:s4+s19], $0x80, s3, s19, $0xb8;
	[tilespmem:$0x1B700] =	vst v63  }
0x2c: {  	_ =	swait.ge [sflag:s21], $0x100  }
.Ltmp2:
0x2d: {  	[sflag:s21] =	ssyncset.done $0x0;
	(pc) =	sbr.rel .LBB2_2-.Ltmp2, $4  }
0x2e: {  	[sflag:s21] =	ssyncadd.s32 $0xFFFFFF00  }
0x2f: {  	[tilespmem:s22], [sflag:$0x2] =	stream.indirect.gather [hbm4b:s4+s19], $0x80, s15, s19, $0xb8;
	[tilespmem:$0x1B700] =	vst v63  }
0x30: {  	[bflag:$0x0] =	sbarrier.arrive $0xFFFF  }
0x31: {  	s26 =	simm.s32 $0x0;
	s25 =	smov.u32 s12  }
.LBB2_3:
0x32: {  	s0 =	sadd.s32 $0x4, s26  }
0x33: {  	s2 =	smul.u32 $0xCD, s0;
	_ =	sdelay $0x1  }
0x34: {  	s2 =	sshrl.u32 s2, $0xA  }
0x35: {  	s2 =	sand.u32 $0x3F, s2  }
0x36: {  	s2 =	smul.u32 $0x5, s2;
	_ =	sdelay $0x1  }
0x37: {  	s0 =	ssub.s32 s0, s2  }
0x38: {  	s0 =	sand.u32 $0xFF, s0  }
0x39: {  	s31 =	sshll.u32 s0, $0x8;
	s0 =	sadd.s32 $0x7, s0  }
0x3a: {  	[tilespmem:s31], [sflag:s0] =	stream.linear.gather [hbm4b:s25+s3], $0x100, $0x38;
	[tilespmem:$0x1B700] =	vst v63  }
.LBB2_5:
0x3b: {  	s0 =	sadd.s32 $0x2, s26  }
0x3c: {  	s2 =	sand.u32 $0xFF, s0  }
0x3d: {  	s28 =	smul.u32 $0xCD, s2  }
0x3e: {  	s2 =	smul.u32 $0xAB, s2  }
0x3f: {  	s28 =	sshrl.u32 s28, $0xA  }
0x40: {  	s2 =	sshrl.u32 s2, $0x9;
	s28 =	smul.u32 $0x5, s28  }
0x41: {  	s2 =	smul.u32 $0x3, s2;
	_ =	sdelay $0x1  }
0x42: {  	s28 =	ssub.s32 s0, s28;
	s0 =	ssub.s32 s0, s2  }
0x43: {  	s28 =	sand.u32 $0xFF, s28;
	s0 =	sand.u32 $0xFF, s0  }
0x44: {  	s30 =	sadd.s32 $0x7, s28;
	s29 =	smul.u32 $0xA000, s0  }
0x45: {  	_ =	swait.ge [sflag:s30], $0x100  }
0x46: {  	s28 =	sshll.u32 s28, $0x8;
	[sflag:s30] =	ssyncset.done $0x0;
	s31 =	sshrl.u32 s29, $0x2  }
0x47: {  	s0 =	sadd.s32 $0x1, s0;
	[sflag:s30] =	ssyncadd.s32 $0xFFFFFF00;
	s2 =	sor.u32 $0x500, s31  }
0x48: {  	[tilespmem:s2], [sflag:s0] =	stream.indirect.gather [hbm4b:s4+s19], $0x80, s28, s19, $0xb8;
	[tilespmem:$0x1B700] =	vst v63  }
.LBB2_6:
0x49: {  	s26 =	sadd.s32 $0x1, s26  }
0x4a: {  	p1 =	sne.s32 s26, $0x7E  }
.Ltmp3:
0x4b: {  	_ = 	snop;
	(pc) =	sbr.rel @!p1 .LBB2_7-.Ltmp3, $2  }
0x4c: {  	_ =	sdelay $0x2  }
0x4d: {  	s25 =	sadd.s32 $0x20, s25  }
.LBB2_2:
0x4e: {  	s28 =	smul.u32 $0xAB, s26;
	p1 =	seq.s32 s26, $0x0  }
0x4f: {  	s29 =	smul.u32 $0xCD, s26;
	s31 =	sadd.s32 @!p1 $0xFFFFFFFF, s26  }
0x50: {  	s28 =	sshrl.u32 s28, $0x9;
	s2 =	sand.u32 @!p1 $0xFF, s31  }
0x51: {  	s29 =	sshrl.u32 s29, $0xA;
	s28 =	sand.u32 $0x7F, s28;
	s2 =	smul.u32 @!p1 $0xAB, s2  }
0x52: {  	s29 =	sand.u32 $0x3F, s29;
	s28 =	smul.u32 $0x3, s28  }
0x53: {  	s29 =	smul.u32 $0x5, s29  }
0x54: {  	p2 =	sgt.u32 @!p1 s26, $0x79;
	s28 =	ssub.s32 s26, s28  }
0x55: {  	s2 =	sshrl.u32 @!p1 s2, $0x9;
	s29 =	ssub.s32 s26, s29;
	s28 =	sand.u32 $0xFF, s28  }
0x56: {  	s29 =	sand.u32 $0xFF, s29;
	s30 =	sadd.s32 $0x1, s28;
	s0 =	smul.u32 $0xA000, s28  }
0x57: {  	s2 =	smul.u32 @!p1 $0x3, s2;
	s29 =	sshll.u32 s29, $0x8;
	_ =	swait.ge [sflag:s30], $0x2800  }
0x58: {  	s28 =	sor.u32 $0x4, s28;
	[sflag:s30] =	ssyncset.done $0x0;
	s0 =	sshrl.u32 s0, $0x2  }
0x59: {  	s29 =	sor.u32 $0x80, s29;
	[sflag:s30] =	ssyncadd.s32 $0xFFFFD800;
	s0 =	sor.u32 $0x500, s0  }
0x5a: {  	[spmem:s1] =	stream.indirect.scatter.add.f32 [tilespmem:s0], [sflag:s28], $0x80, s29, s19, $0xb8;
	[tilespmem:$0x1B700] =	vst v63  }
0x5b: {  	p2 =	por p1, !p2;
	s0 =	ssub.s32 @!p1 s31, s2  }
.Ltmp4:
0x5c: {  	s0 =	sor.u32 @!p1 $0x4, s0;
	(pc) =	sbr.rel @p2 .LBB2_3-.Ltmp4, $4  }
0x5d: {  	s0 =	sand.u32 @!p1 $0xFF, s0  }
0x5e: {  	_ =	swait.ge @!p1 [sflag:s0], $0x2800  }
0x5f: {  	[sflag:s0] =	ssyncset.done @!p1 $0x0  }
0x60: {  	[sflag:s0] =	ssyncadd.s32 @!p1 $0xFFFFD800  }
0x61: {  	p1 =	sgt.u32 s26, $0x7B  }
.Ltmp5:
0x62: {  	_ = 	snop;
	(pc) =	sbr.rel @p1 .LBB2_6-.Ltmp5, $4  }
.Ltmp6:
0x63: {  	_ = 	snop;
	(pc) =	sbr.rel @!p1 .LBB2_5-.Ltmp6, $4  }
0x64: {  	_ = 	snop  }
0x65: {  	_ = 	snop  }
0x66: {  	_ = 	snop  }
0x67: {  	_ = 	snop  }
.LBB2_8:
0x68: {  	_ =	sfence.sel $0x180000  }
0x69: {  	[bflag:$0x0] =	sbarrier.arrive $0xFFFF  }
0x6a: {  	_ =	strace $0x9000004D  }
0x6b: {  	s0 =	stileid.u32;
	[bflag:$0x2] =	sbarrier.arrive $0xFFFF  }
0x6c: {  	p0 =	sne.s32 s0, $0x0;
	s0 =	rddreg [dreg:$0x3]  }
0x6d: {  	s0 =	sadd.s32 @!p0 $0x100000, s0  }
0x6e: {  	[sflag:s0] =	ssyncadd.tile.s32 @!p0 $0x1;
	_ =	shalt  }
.Lfunc_end2:
_tile_overlayer_lowered:
.L_overlay_start_2:
0x6f: {  	(tag) =	ssettag $0x2  }
0x70: {  	s0 =	rddreg [dreg:$0x0];
	s2 =	stileid.u32  }
0x71: {  	s1 =	rddreg [dreg:$0x1];
	p0 =	sne.s32 s2, $0x0  }
0x72: {  	s3 =	rddreg [dreg:$0x2];
	[bflag:$0x3] =	sbarrier.arrive $0xFFFF;
	s2 =	simm.s32 @!p0 $0x1C0C  }
0x73: {  	[timem:s3], [sflag:s2] =	dma.local @!p0 [hbm:s0], s1  }
0x74: {  	s0 =	simm.s32 @!p0 $0xC  }
0x75: {  	_ =	swait.ge @!p0 [sflag:s0], s1  }
0x76: {  	s1 =	ssub.s32 @!p0 $0x0, s1;
	[sflag:s0] =	ssyncset.done @!p0 $0x0  }
0x77: {  	[sflag:s0] =	ssyncadd.s32 @!p0 s1  }
0x78: {  	[bflag:$0x3] =	sbarrier.arrive $0xFFFF  }
0x79: {  	_ =	shalt  }

// kernel: kernel.8.cloned.1.call-start
scs
__scs_entry_jumppad:
0x0: {  	(pc) =	sbr.rel $0x88, $3  }
0x1: {  	(tag) =	ssettag $0x0;
	lr =	simm.s32 $0x1  }
0x2: {  	[smem:$0x3F9A] =	sst lr;
	_ =	strace $0xD0000000  }
0x3: {  	_ = 	snop  }
0x4: {  	_ = 	snop  }
0x5: {  	_ = 	snop  }
0x6: {  	_ = 	snop  }
0x7: {  	_ = 	snop  }
__scs_overlays_trampoline_lowered:
0x8: {  	[smem:$0x3FA9] =	sst s0  }
0x9: {  	[smem:$0x3FAA] =	sst s1  }
0xa: {  	[smem:$0x3FAB] =	sst s2  }
0xb: {  	[smem:$0x3FAC] =	sst s3  }
0xc: {  	[smem:$0x3FAD] =	sst s4  }
0xd: {  	[smem:$0x3FAE] =	sst s5  }
0xe: {  	[smem:$0x3FAF] =	sst s6  }
0xf: {  	[smem:$0x3FB0] =	sst s7  }
0x10: {  	[smem:$0x3FB1] =	sst s8  }
0x11: {  	[smem:$0x3FB2] =	sst s9;
	s0 =	simm.s32 @!p0 $0x0  }
0x12: {  	s1 =	sld [smem:$0x3F98];
	s0 =	simm.s32 @p0 $0x1  }
0x13: {  	[smem:$0x3FB3] =	sst s0;
	s0 =	simm.s32 @!p1 $0x0  }
0x14: {  	s2 =	sld [smem:$0x3F97];
	s0 =	simm.s32 @p1 $0x1  }
0x15: {  	[smem:$0x3FB4] =	sst s0;
	s0 =	simm.s32 @!p2 $0x0  }
0x16: {  	s3 =	sld [smem:$0x3FDB];
	s0 =	simm.s32 @p2 $0x1  }
0x17: {  	s4 =	simm.s32 $0x1BF5;
	[smem:$0x3FB6] =	sst s0  }
0x18: {  	s0 =	sld [smem:$0x3F99];
	_ =	swait.ge [sflag:s4], $0x0  }
0x19: {  	s7 =	sld [smem:$0x3F9A]  }
0x1a: {  	s8 =	sadd.s32 $0xFFFFE003, lr  }
0x1b: {  	s9 =	sadd.s32 $0xFFFFFEF7, lr;
	s5 =	simm.s32 $0xFFFFFFFF;
	p2 =	slt.u32 s8, $0xFFFFF086  }
0x1c: {  	p1 =	slt.u32 s9, $0xF7A;
	s5 =	simm.s32 @!p2 $0x0  }
0x1d: {  	s5 =	simm.s32 @p1 $0x1;
	p0 =	seq.s32 s7, s2  }
0x1e: {  	s7 =	smul.u32 @!p0 $0xF7A, s2;
	p2 =	seq.s32 @!p0 s5, $0x0  }
0x1f: {  	s9 =	smul.u32 $0xF7A, s1;
	s8 =	simm.s32 @!p0 $0x1BF5;
	p2 =	por !p2, p0  }
0x20: {  	[sflag:s8] =	ssyncset.s32 @!p0 $0xFFFFF086;
	s6 =	sadd.s32 @!p0 s3, s7;
	s7 =	simm.s32 @!p0 $0x108  }
0x21: {  	s3 =	sadd.s32 s3, s9;
	s6 =	sadd.s32 @!p0 $0x88, s6;
	s7 =	simm.s32 @p2 $0x1082  }
0x22: {  	[simem:s7], [sflag:s8] =	dma.local @!p0 [hbm:s6], $0xF7A  }
0x23: {  	s9 =	sor.u32 $0xD0000000, s2;
	s6 =	simm.s32 $0x108;
	_ =	swait.ge @!p0 [sflag:s8], $0x0  }
0x24: {  	s3 =	sadd.s32 $0x88, s3;
	s6 =	simm.s32 @!p1 $0x1082;
	[sflag:s4] =	ssyncset.s32 $0xFFFFF086  }
0x25: {  	[simem:s6], [sflag:s4] =	dma.local [hbm:s3], $0xF7A  }
0x26: {  	[smem:$0x3F9A] =	sst s1;
	(tag) =	ssettag s2;
	_ =	strace s9  }
0x27: {  	s1 =	sld [smem:$0x3FAA]  }
0x28: {  	s2 =	sld [smem:$0x3FAB]  }
0x29: {  	s4 =	sld [smem:$0x3FAD]  }
0x2a: {  	p0 =	seq.s32 s5, $0x0;
	s5 =	sld [smem:$0x3FAE]  }
0x2b: {  	s6 =	sld [smem:$0x3FAF]  }
0x2c: {  	s7 =	sld [smem:$0x3FB0]  }
0x2d: {  	s3 =	simm.s32 $0x108;
	s8 =	sld [smem:$0x3FB1]  }
0x2e: {  	s3 =	simm.s32 @!p0 $0x1082;
	s9 =	sld [smem:$0x3FB2]  }
0x2f: {  	lr =	sadd.s32 s0, s3;
	s0 =	sld [smem:$0x3FA9]  }
0x30: {  	s3 =	sld [smem:$0x3FAC]  }
0x31: {  	[smem:$0x3FB5] =	sst s10  }
0x32: {  	s10 =	sld [smem:$0x3FB3];
	_ =	sdelay $0x3  }
0x33: {  	p0 =	seq.s32 s10, $0x1;
	s10 =	sld [smem:$0x3FB5];
	_ =	sdelay $0x3  }
0x34: {  	[smem:$0x3FB5] =	sst s10  }
0x35: {  	s10 =	sld [smem:$0x3FB4];
	_ =	sdelay $0x3  }
0x36: {  	p1 =	seq.s32 s10, $0x1;
	s10 =	sld [smem:$0x3FB5];
	_ =	sdelay $0x3  }
0x37: {  	[smem:$0x3FB5] =	sst s10  }
0x38: {  	s10 =	sld [smem:$0x3FB6]  }
0x39: {  	_ = 	snop;
	(pc) =	sbr.ind lr, $3  }
0x3a: {  	_ = 	snop  }
0x3b: {  	_ = 	snop  }
0x3c: {  	p2 =	seq.s32 s10, $0x1;
	s10 =	sld [smem:$0x3FB5]  }
0x3d: {  	_ =	shalt  }
0x3e: {  	_ =	shalt  }
0x3f: {  	_ =	shalt  }
0x40: {  	_ =	shalt  }
0x41: {  	_ =	shalt  }
0x42: {  	_ =	shalt  }
0x43: {  	_ =	shalt  }
0x44: {  	_ =	shalt  }
0x45: {  	_ =	shalt  }
0x46: {  	_ =	shalt  }
0x47: {  	_ =	shalt  }
0x48: {  	_ =	shalt  }
0x49: {  	_ =	shalt  }
0x4a: {  	_ =	shalt  }
0x4b: {  	_ =	shalt  }
0x4c: {  	_ =	shalt  }
0x4d: {  	_ =	shalt  }
0x4e: {  	_ =	shalt  }
0x4f: {  	_ =	shalt  }
0x50: {  	_ =	shalt  }
0x51: {  	_ =	shalt  }
0x52: {  	_ =	shalt  }
0x53: {  	_ =	shalt  }
0x54: {  	_ =	shalt  }
0x55: {  	_ =	shalt  }
0x56: {  	_ =	shalt  }
0x57: {  	_ =	shalt  }
0x58: {  	_ =	shalt  }
0x59: {  	_ =	shalt  }
0x5a: {  	_ =	shalt  }
0x5b: {  	_ =	shalt  }
0x5c: {  	_ =	shalt  }
0x5d: {  	_ =	shalt  }
0x5e: {  	_ =	shalt  }
0x5f: {  	_ =	shalt  }
0x60: {  	_ =	shalt  }
0x61: {  	_ =	shalt  }
0x62: {  	_ =	shalt  }
0x63: {  	_ =	shalt  }
0x64: {  	_ =	shalt  }
0x65: {  	_ =	shalt  }
0x66: {  	_ =	shalt  }
0x67: {  	_ =	shalt  }
0x68: {  	_ =	shalt  }
0x69: {  	_ =	shalt  }
0x6a: {  	_ =	shalt  }
0x6b: {  	_ =	shalt  }
0x6c: {  	_ =	shalt  }
0x6d: {  	_ =	shalt  }
0x6e: {  	_ =	shalt  }
0x6f: {  	_ =	shalt  }
0x70: {  	_ =	shalt  }
0x71: {  	_ =	shalt  }
0x72: {  	_ =	shalt  }
0x73: {  	_ =	shalt  }
0x74: {  	_ =	shalt  }
0x75: {  	_ =	shalt  }
0x76: {  	_ =	shalt  }
0x77: {  	_ =	shalt  }
0x78: {  	_ =	shalt  }
0x79: {  	_ =	shalt  }
0x7a: {  	_ =	shalt  }
0x7b: {  	_ =	shalt  }
0x7c: {  	_ =	shalt  }
0x7d: {  	_ =	shalt  }
0x7e: {  	_ =	shalt  }
0x7f: {  	_ =	shalt  }
0x80: {  	_ =	shalt  }
0x81: {  	_ =	shalt  }
0x82: {  	_ =	shalt  }
0x83: {  	_ =	shalt  }
0x84: {  	_ =	shalt  }
0x85: {  	_ =	shalt  }
0x86: {  	_ =	shalt  }
0x87: {  	_ =	shalt  }
.Lfunc_end0:
.L_simem_size_0:
called_computation_lowered:
.L_overlay_start_0:
0x88: {  	s2 =	sld [smem:$0x3FD9]  }
0x89: {  	s3 =	sld [smem:$0x3FFE];
	_ =	sdelay $0x1  }
0x8a: {  	s1 =	srdreg.scid  }
0x8b: {  	s0 =	sand.u32 $0x1, s1  }
0x8c: {  	s16 =	sshll.u32 s0, $0xA;
	s2 =	sadd.s32 s3, s2  }
0x8d: {  	s2 =	sadd.s32 s2, s16  }
0x8e: {  	[smem:$0x3FC1] =	sst s2  }
0x8f: {  	_ = 	snop  }
0x90: {  	(tm) =	ssettm $0x1  }
0x91: {  	s17 =	sld [smem:$0x3FFB];
	_ =	sdelay $0x3  }
0x92: {  	_ =	strace s17  }
0x93: {  	s2 =	sld [smem:$0x3FFC];
	_ =	sdelay $0x3  }
0x94: {  	_ =	strace s2  }
0x95: {  	s2 =	sld [smem:$0x3FFD];
	_ =	sdelay $0x3  }
0x96: {  	_ =	strace s2  }
0x97: {  	_ =	strace $0x8FFFFFFF  }
0x98: {  	s18 =	sld [smem:$0x3FDB];
	_ =	sdelay $0x1  }
0x99: {  	s19 =	simm.s32 $_scs_section_size  }
0x9a: {  	s4 =	simm.s32 $_size__tile_overlayer_lowered;
	s5 =	simm.s32 $_tile_overlayer_lowered  }
0x9b: {  	s22 =	simm.s32 $0x1BFF;
	s21 =	sshll.u32 s5, $0x1;
	s2 =	sadd.s32 s19, s18  }
0x9c: {  	s6 =	simm.s32 $0x0;
	s20 =	sshll.u32 s4, $0x1;
	s4 =	sadd.s32 s21, s2  }
0x9d: {  	[timem:s6], [sflag:s22] =	dma.local [hbm:s4], s20  }
0x9e: {  	_ =	swait.ge [sflag:s22], s20  }
0x9f: {  	s3 =	ssub.s32 $0x0, s20;
	[sflag:s22] =	ssyncset.done $0x0  }
0xa0: {  	[sflag:s22] =	ssyncadd.s32 s3;
	_ =	sdelay $0x1  }
0xa1: {  	s23 =	simm.s32 $0x1B8B  }
0xa2: {  	_ =	swait.ge [sflag:s23], $0x1  }
0xa3: {  	[sflag:s23] =	ssyncset.done $0x0  }
0xa4: {  	s25 =	simm.s32 $0x1B8E;
	s24 =	sld [smem:$0x3FFE];
	[sflag:s23] =	ssyncadd.s32 $0xFFFFFFFF  }
0xa5: {  	s26 =	simm.s32 $execute0_lowered;
	[smem:$0x3FD2] =	sst s25  }
0xa6: {  	s4 =	sshll.u32 s26, $0x1;
	_ =	strace $0x80000046;
	[dreg:$0x1] =	wrdreg $0xFFFFFFFF  }
0xa7: {  	s28 =	simm.s32 $_size_execute0_lowered;
	s2 =	sadd.s32 s2, s4;
	[dreg:$0x0] =	wrdreg $0x0  }
0xa8: {  	s4 =	sshll.u32 s28, $0x1;
	[dreg:$0x2] =	wrdreg s2  }
0xa9: {  	[dreg:$0x3] =	wrdreg s4  }
0xaa: {  	[dreg:$0x4] =	wrdreg $0xC0  }
0xab: {  	_ =	task [dreg:s6], $0x5FFFF  }
0xac: {  	[dreg:$0x1] =	wrdreg $0xFFFFFFFF  }
0xad: {  	[dreg:$0x0] =	wrdreg $0x60  }
0xae: {  	[dreg:$0x2] =	wrdreg s24  }
0xaf: {  	[dreg:$0x3] =	wrdreg $0x6D000  }
0xb0: {  	[dreg:$0x4] =	wrdreg $0x9  }
0xb1: {  	_ =	task.clear_ibuf [dreg:s6], $0x5FFFF;
	_ =	strace $0x90000046  }
0xb2: {  	s29 =	simm.s32 $0x9;
	_ =	strace $0x80000048  }
0xb3: {  	_ =	swait.ge [sflag:s29], $0x1  }
0xb4: {  	[sflag:s29] =	ssyncadd.s32 $0xFFFFFFFF  }
0xb5: {  	_ =	strace $0x90000048  }
0xb6: {  	_ =	sfence  }
0xb7: {  	s30 =	sld [smem:$0x0];
	_ =	sdelay $0x2  }
0xb8: {  	s31 =	sshll.u32 s1, $0xD;
	s1 =	sshrl.u32 s1, $0x2  }
0xb9: {  	s3 =	sand.u32 $0x4000, s31;
	s1 =	sadd.s32 s1, s30  }
0xba: {  	s0 =	sor.u32 s3, s0;
	s1 =	sshll.u32 s1, $0x11  }
0xbb: {  	s0 =	sor.u32 s1, s0  }
0xbc: {  	s0 =	sadd.s32 $0x8F2B, s0  }
0xbd: {  	[sflag:s0] =	ssyncadd.remote.s32 $0x1  }
0xbe: {  	_ =	sfence.sel $0xFFFF  }
0xbf: {  	[dreg:$0x0] =	wrdreg $0xFFFFFFFF;
	(pc) =	sbr.abs _section_cstart, $3  }
0xc0: {  	[dreg:$0x1] =	wrdreg $0xFFFFFFFF  }
0xc1: {  	_ =	task.clear_ibuf [dreg:s6], $0x2FFFF;
	_ =	strace $0x9FFFFFFF  }
0xc2: {  	(tm) =	ssettm $0x7FFFFFFF  }
0xc3: {  	_ =	shalt  }
tec
execute0_lowered:
.L_overlay_start_1:
0x0: {  	(tag) =	ssettag $0x1  }
0x1: {  	s0 =	rddreg [dreg:$0x0]  }
0x2: {  	s1 =	rddreg [dreg:$0x1]  }
0x3: {  	s3 =	srdreg.scid;
	s5 =	simm.s32 $0x0;
	s2 =	stileid.u32  }
0x4: {  	s28 =	simm.s32 $0x400;
	s29 =	simm.s32 $0x6800;
	s30 =	simm.s32 $0x6A80  }
0x5: {  	s4 =	sand.u32 $0x1, s3;
	[smem:$0x7FF] =	sst s5;
	s20 =	smul.u32 $0x500, s2  }
0x6: {  	s21 =	sshrl.u32 s2, $0x3;
	s9 =	sshll.u32 s2, $0xC;
	s10 =	smul.u32 $0x5000, s2  }
0x7: {  	s24 =	sshll.u32 s2, $0x7;
	s3 =	sshll.u32 s4, $0xB;
	_ =	strace $0x80000047  }
0x8: {  	s7 =	sshll.u32 s4, $0x7;
	s4 =	ssub.s32 $0x2, s4;
	s31 =	sand.u32 $0x380, s24  }
0x9: {  	s24 =	simm.s32 $0x4000;
	s6 =	sadd.s32 s3, s0;
	s3 =	sadd.s32 $0x12400, s0  }
0xa: {  	s5 =	sor.u32 s7, s20;
	s7 =	smul.u32 $0x50000, s21;
	s8 =	sshrl.u32 s4, $0x1  }
0xb: {  	s26 =	sshrl.u32 s10, $0x2;
	s5 =	sshrl.u32 s5, $0x3;
	s23 =	ssub.s32 s4, s8  }
0xc: {  	s22 =	sadd.s32 s9, s6;
	s4 =	sadd.s32 s26, s1;
	s26 =	simm.s32 $0x80  }
0xd: {  	s0 =	sadd.s32 s5, s0;
	s25 =	sshrl.u32 s7, $0x2;
	s5 =	sadd.s32 $0x2400, s22  }
0xe: {  	s7 =	sadd.s32 $0x80, s4;
	s8 =	sadd.s32 $0x100, s4;
	s9 =	sadd.s32 $0x180, s4  }
0xf: {  	s10 =	sadd.s32 $0x200, s4;
	s11 =	sadd.s32 $0x280, s4;
	s12 =	sadd.s32 $0x300, s4  }
0x10: {  	s13 =	sadd.s32 $0x380, s4;
	s14 =	sadd.s32 $0x14000, s4;
	s15 =	sadd.s32 $0x14080, s4  }
0x11: {  	s16 =	sadd.s32 $0x14100, s4;
	s17 =	sadd.s32 $0x14180, s4;
	s18 =	sadd.s32 $0x14200, s4  }
0x12: {  	s19 =	sadd.s32 $0x14280, s4;
	s20 =	sadd.s32 $0x14300, s4;
	s21 =	sadd.s32 $0x14380, s4  }
0x13: {  	s23 =	smax.u32 s23, $0x1;
	s6 =	sadd.s32 s25, s1;
	s22 =	sadd.s32 $0x12A00, s0  }
0x14: {  	v0 =	vimm.f32 $1.000000000e+00;
	s25 =	simm.s32 $0x1;
	s0 =	simm.s32 $0x0;
	s6 =	sadd.s32 s31, s6  }
.LBB2_1:
0x15: {  	s1 =	simm.s32 $0x0  }
0x16: {  	[tilespmem:s24], [sflag:$0x1] =	stream.linear.gather [hbm4b:s3+s1], $0x2800, $0x38;
	[tilespmem:$0x9500] =	vst v63  }
0x17: {  	_ =	swait.ge [sflag:s25], $0x2800  }
0x18: {  	[sflag:s25] =	ssyncset.done $0x0  }
0x19: {  	[sflag:s25] =	ssyncadd.s32 $0xFFFFD800  }
0x1a: {  	[tilespmem:s1], [sflag:$0x1] =	stream.linear.gather [hbm4b:s5+s1], $0x3F00, $0x38;
	[tilespmem:$0x9500] =	vst v63  }
0x1b: {  	_ =	swait.ge [sflag:s25], $0x3F00  }
0x1c: {  	[sflag:s25] =	ssyncset.done $0x0  }
0x1d: {  	s1 =	simm.s32 $0x0;
	[sflag:s25] =	ssyncadd.s32 $0xFFFFC100  }
.LBB2_2:
0x1e: {  	s31 =	sshra.s32 s1, $0x2  }
0x1f: {  	v1 =	vld [tilespmem:s31+$0x0];
	_ =	sdelay $0x7  }
0x20: {  	[tilespmem:v1+s24+$0x0] =	vst.idx.add.f32.msk $0xffff, v0  }
0x21: {  	v1 =	vld [tilespmem:s31+$0x10];
	_ =	sdelay $0x7  }
0x22: {  	[tilespmem:v1+s24+$0x0] =	vst.idx.add.f32.msk $0xffff, v0  }
0x23: {  	v1 =	vld [tilespmem:s31+$0x20];
	_ =	sdelay $0x7  }
0x24: {  	[tilespmem:v1+s24+$0x0] =	vst.idx.add.f32.msk $0xffff, v0  }
0x25: {  	v1 =	vld [tilespmem:s31+$0x30];
	_ =	sdelay $0x7  }
0x26: {  	[tilespmem:v1+s24+$0x0] =	vst.idx.add.f32.msk $0xffff, v0  }
0x27: {  	v1 =	vld [tilespmem:s31+$0x40];
	_ =	sdelay $0x2  }
0x28: {  	p0 =	sne.s32 s1, $0xFA00  }
.Ltmp0:
0x29: {  	_ = 	snop;
	(pc) =	sbr.rel @p0 .LBB2_2-.Ltmp0, $2  }
0x2a: {  	_ =	sdelay $0x2  }
0x2b: {  	s1 =	sadd.s32 $0x200, s1;
	[tilespmem:v1+s24+$0x0] =	vst.idx.add.f32.msk $0xffff, v0  }
0x2c: {  	[spmem:s6] =	stream.strided.scatter [tilespmem:s24], [sflag:$0x1], $0x2800, s28, s26, $0x38;
	[tilespmem:$0x9500] =	vst v63  }
0x2d: {  	_ =	swait.ge [sflag:s25], $0x2800  }
0x2e: {  	[sflag:s25] =	ssyncset.done $0x0  }
0x2f: {  	[sflag:s25] =	ssyncadd.s32 $0xFFFFD800  }
0x30: {  	[bflag:$0x0] =	sbarrier.arrive $0xFFFF  }
0x31: {  	[tilespmem:s29], [sflag:$0x1] =	stream.strided.gather [spmem:s4], $0x280, s28, s26, $0x38;
	[tilespmem:$0x9500] =	vst v63  }
0x32: {  	_ =	swait.ge [sflag:s25], $0x280  }
0x33: {  	[sflag:s25] =	ssyncset.done $0x0  }
0x34: {  	[sflag:s25] =	ssyncadd.s32 $0xFFFFFD80  }
0x35: {  	[tilespmem:s30], [sflag:$0x1] =	stream.strided.gather [spmem:s7], $0x280, s28, s26, $0x38;
	[tilespmem:$0x9500] =	vst v63  }
0x36: {  	_ =	swait.ge [sflag:s25], $0x280  }
0x37: {  	[sflag:s25] =	ssyncset.done $0x0  }
0x38: {  	s1 =	simm.s32 $0x0;
	[sflag:s25] =	ssyncadd.s32 $0xFFFFFD80  }
0x39: {  	s31 =	simm.s32 $0x40;
	v1 =	vld [tilespmem:s1+$0x6A80]  }
.LBB2_4:
0x3a: {  	p0 =	sne.s32 s31, $0x9C0;
	v2 =	vld [tilespmem:s1+$0x6800];
	_ =	sdelay $0x2  }
.Ltmp1:
0x3b: {  	(pc) =	sbr.rel @p0 .LBB2_4-.Ltmp1, $4  }
0x3c: {  	_ = 	snop  }
0x3d: {  	v2 =	vadd.f32 v1, v2  }
0x3e: {  	s2 =	sshra.s32 s31, $0x2  }
0x3f: {  	s31 =	sadd.s32 $0x40, s31;
	v1 =	vld [tilespmem:s2+$0x6A80];
	[tilespmem:s1+$0x6800] =	vst v2;
	s1 =	smov.u32 s2  }
0x40: {  	v2 =	vld [tilespmem:s1+$0x6800];
	_ =	sdelay $0x4  }
0x41: {  	v1 =	vadd.f32 v1, v2;
	_ =	sdelay $0x1  }
0x42: {  	[tilespmem:s1+$0x6800] =	vst v1  }
0x43: {  	[tilespmem:s30], [sflag:$0x1] =	stream.strided.gather [spmem:s8], $0x280, s28, s26, $0x38;
	[tilespmem:$0x9500] =	vst v63  }
0x44: {  	_ =	swait.ge [sflag:s25], $0x280  }
0x45: {  	[sflag:s25] =	ssyncset.done $0x0  }
0x46: {  	s1 =	simm.s32 $0x0;
	[sflag:s25] =	ssyncadd.s32 $0xFFFFFD80  }
0x47: {  	s31 =	simm.s32 $0x40;
	v1 =	vld [tilespmem:s1+$0x6A80]  }
.LBB2_6:
0x48: {  	p0 =	sne.s32 s31, $0x9C0;
	v2 =	vld [tilespmem:s1+$0x6800];
	_ =	sdelay $0x2  }
.Ltmp2:
0x49: {  	(pc) =	sbr.rel @p0 .LBB2_6-.Ltmp2, $4  }
0x4a: {  	_ = 	snop  }
0x4b: {  	v2 =	vadd.f32 v1, v2  }
0x4c: {  	s2 =	sshra.s32 s31, $0x2  }
0x4d: {  	s31 =	sadd.s32 $0x40, s31;
	v1 =	vld [tilespmem:s2+$0x6A80];
	[tilespmem:s1+$0x6800] =	vst v2;
	s1 =	smov.u32 s2  }
0x4e: {  	v2 =	vld [tilespmem:s1+$0x6800];
	_ =	sdelay $0x4  }
0x4f: {  	v1 =	vadd.f32 v1, v2;
	_ =	sdelay $0x1  }
0x50: {  	[tilespmem:s1+$0x6800] =	vst v1  }
0x51: {  	[tilespmem:s30], [sflag:$0x1] =	stream.strided.gather [spmem:s9], $0x280, s28, s26, $0x38;
	[tilespmem:$0x9500] =	vst v63  }
0x52: {  	_ =	swait.ge [sflag:s25], $0x280  }
0x53: {  	[sflag:s25] =	ssyncset.done $0x0  }
0x54: {  	s1 =	simm.s32 $0x0;
	[sflag:s25] =	ssyncadd.s32 $0xFFFFFD80  }
0x55: {  	s31 =	simm.s32 $0x40;
	v1 =	vld [tilespmem:s1+$0x6A80]  }
.LBB2_8:
0x56: {  	p0 =	sne.s32 s31, $0x9C0;
	v2 =	vld [tilespmem:s1+$0x6800];
	_ =	sdelay $0x2  }
.Ltmp3:
0x57: {  	(pc) =	sbr.rel @p0 .LBB2_8-.Ltmp3, $4  }
0x58: {  	_ = 	snop  }
0x59: {  	v2 =	vadd.f32 v1, v2  }
0x5a: {  	s2 =	sshra.s32 s31, $0x2  }
0x5b: {  	s31 =	sadd.s32 $0x40, s31;
	v1 =	vld [tilespmem:s2+$0x6A80];
	[tilespmem:s1+$0x6800] =	vst v2;
	s1 =	smov.u32 s2  }
0x5c: {  	v2 =	vld [tilespmem:s1+$0x6800];
	_ =	sdelay $0x4  }
0x5d: {  	v1 =	vadd.f32 v1, v2;
	_ =	sdelay $0x1  }
0x5e: {  	[tilespmem:s1+$0x6800] =	vst v1  }
0x5f: {  	[tilespmem:s30], [sflag:$0x1] =	stream.strided.gather [spmem:s10], $0x280, s28, s26, $0x38;
	[tilespmem:$0x9500] =	vst v63  }
0x60: {  	_ =	swait.ge [sflag:s25], $0x280  }
0x61: {  	[sflag:s25] =	ssyncset.done $0x0  }
0x62: {  	s1 =	simm.s32 $0x0;
	[sflag:s25] =	ssyncadd.s32 $0xFFFFFD80  }
0x63: {  	s31 =	simm.s32 $0x40;
	v1 =	vld [tilespmem:s1+$0x6A80]  }
.LBB2_10:
0x64: {  	p0 =	sne.s32 s31, $0x9C0;
	v2 =	vld [tilespmem:s1+$0x6800];
	_ =	sdelay $0x2  }
.Ltmp4:
0x65: {  	(pc) =	sbr.rel @p0 .LBB2_10-.Ltmp4, $4  }
0x66: {  	_ = 	snop  }
0x67: {  	v2 =	vadd.f32 v1, v2  }
0x68: {  	s2 =	sshra.s32 s31, $0x2  }
0x69: {  	s31 =	sadd.s32 $0x40, s31;
	v1 =	vld [tilespmem:s2+$0x6A80];
	[tilespmem:s1+$0x6800] =	vst v2;
	s1 =	smov.u32 s2  }
0x6a: {  	v2 =	vld [tilespmem:s1+$0x6800];
	_ =	sdelay $0x4  }
0x6b: {  	v1 =	vadd.f32 v1, v2;
	_ =	sdelay $0x1  }
0x6c: {  	[tilespmem:s1+$0x6800] =	vst v1  }
0x6d: {  	[tilespmem:s30], [sflag:$0x1] =	stream.strided.gather [spmem:s11], $0x280, s28, s26, $0x38;
	[tilespmem:$0x9500] =	vst v63  }
0x6e: {  	_ =	swait.ge [sflag:s25], $0x280  }
0x6f: {  	[sflag:s25] =	ssyncset.done $0x0  }
0x70: {  	s1 =	simm.s32 $0x0;
	[sflag:s25] =	ssyncadd.s32 $0xFFFFFD80  }
0x71: {  	s31 =	simm.s32 $0x40;
	v1 =	vld [tilespmem:s1+$0x6A80]  }
.LBB2_12:
0x72: {  	p0 =	sne.s32 s31, $0x9C0;
	v2 =	vld [tilespmem:s1+$0x6800];
	_ =	sdelay $0x2  }
.Ltmp5:
0x73: {  	(pc) =	sbr.rel @p0 .LBB2_12-.Ltmp5, $4  }
0x74: {  	_ = 	snop  }
0x75: {  	v2 =	vadd.f32 v1, v2  }
0x76: {  	s2 =	sshra.s32 s31, $0x2  }
0x77: {  	s31 =	sadd.s32 $0x40, s31;
	v1 =	vld [tilespmem:s2+$0x6A80];
	[tilespmem:s1+$0x6800] =	vst v2;
	s1 =	smov.u32 s2  }
0x78: {  	v2 =	vld [tilespmem:s1+$0x6800];
	_ =	sdelay $0x4  }
0x79: {  	v1 =	vadd.f32 v1, v2;
	_ =	sdelay $0x1  }
0x7a: {  	[tilespmem:s1+$0x6800] =	vst v1  }
0x7b: {  	[tilespmem:s30], [sflag:$0x1] =	stream.strided.gather [spmem:s12], $0x280, s28, s26, $0x38;
	[tilespmem:$0x9500] =	vst v63  }
0x7c: {  	_ =	swait.ge [sflag:s25], $0x280  }
0x7d: {  	[sflag:s25] =	ssyncset.done $0x0  }
0x7e: {  	s1 =	simm.s32 $0x0;
	[sflag:s25] =	ssyncadd.s32 $0xFFFFFD80  }
0x7f: {  	s31 =	simm.s32 $0x40;
	v1 =	vld [tilespmem:s1+$0x6A80]  }
.LBB2_14:
0x80: {  	p0 =	sne.s32 s31, $0x9C0;
	v2 =	vld [tilespmem:s1+$0x6800];
	_ =	sdelay $0x2  }
.Ltmp6:
0x81: {  	(pc) =	sbr.rel @p0 .LBB2_14-.Ltmp6, $4  }
0x82: {  	_ = 	snop  }
0x83: {  	v2 =	vadd.f32 v1, v2  }
0x84: {  	s2 =	sshra.s32 s31, $0x2  }
0x85: {  	s31 =	sadd.s32 $0x40, s31;
	v1 =	vld [tilespmem:s2+$0x6A80];
	[tilespmem:s1+$0x6800] =	vst v2;
	s1 =	smov.u32 s2  }
0x86: {  	v2 =	vld [tilespmem:s1+$0x6800];
	_ =	sdelay $0x4  }
0x87: {  	v1 =	vadd.f32 v1, v2;
	_ =	sdelay $0x1  }
0x88: {  	[tilespmem:s1+$0x6800] =	vst v1  }
0x89: {  	[tilespmem:s30], [sflag:$0x1] =	stream.strided.gather [spmem:s13], $0x280, s28, s26, $0x38;
	[tilespmem:$0x9500] =	vst v63  }
0x8a: {  	_ =	swait.ge [sflag:s25], $0x280  }
0x8b: {  	[sflag:s25] =	ssyncset.done $0x0  }
0x8c: {  	s1 =	simm.s32 $0x0;
	[sflag:s25] =	ssyncadd.s32 $0xFFFFFD80  }
0x8d: {  	s31 =	simm.s32 $0x40;
	v1 =	vld [tilespmem:s1+$0x6A80]  }
.LBB2_16:
0x8e: {  	p0 =	sne.s32 s31, $0x9C0;
	v2 =	vld [tilespmem:s1+$0x6800];
	_ =	sdelay $0x2  }
.Ltmp7:
0x8f: {  	(pc) =	sbr.rel @p0 .LBB2_16-.Ltmp7, $4  }
0x90: {  	_ = 	snop  }
0x91: {  	v2 =	vadd.f32 v1, v2  }
0x92: {  	s2 =	sshra.s32 s31, $0x2  }
0x93: {  	s31 =	sadd.s32 $0x40, s31;
	v1 =	vld [tilespmem:s2+$0x6A80];
	[tilespmem:s1+$0x6800] =	vst v2;
	s1 =	smov.u32 s2  }
0x94: {  	v2 =	vld [tilespmem:s1+$0x6800];
	_ =	sdelay $0x4  }
0x95: {  	v1 =	vadd.f32 v1, v2;
	_ =	sdelay $0x1  }
0x96: {  	[tilespmem:s1+$0x6800] =	vst v1  }
0x97: {  	[tilespmem:s30], [sflag:$0x1] =	stream.strided.gather [spmem:s14], $0x280, s28, s26, $0x38;
	[tilespmem:$0x9500] =	vst v63  }
0x98: {  	_ =	swait.ge [sflag:s25], $0x280  }
0x99: {  	[sflag:s25] =	ssyncset.done $0x0  }
0x9a: {  	s1 =	simm.s32 $0x0;
	[sflag:s25] =	ssyncadd.s32 $0xFFFFFD80  }
0x9b: {  	s31 =	simm.s32 $0x40;
	v1 =	vld [tilespmem:s1+$0x6A80]  }
.LBB2_18:
0x9c: {  	p0 =	sne.s32 s31, $0x9C0;
	v2 =	vld [tilespmem:s1+$0x6800];
	_ =	sdelay $0x2  }
.Ltmp8:
0x9d: {  	(pc) =	sbr.rel @p0 .LBB2_18-.Ltmp8, $4  }
0x9e: {  	_ = 	snop  }
0x9f: {  	v2 =	vadd.f32 v1, v2  }
0xa0: {  	s2 =	sshra.s32 s31, $0x2  }
0xa1: {  	s31 =	sadd.s32 $0x40, s31;
	v1 =	vld [tilespmem:s2+$0x6A80];
	[tilespmem:s1+$0x6800] =	vst v2;
	s1 =	smov.u32 s2  }
0xa2: {  	v2 =	vld [tilespmem:s1+$0x6800];
	_ =	sdelay $0x4  }
0xa3: {  	v1 =	vadd.f32 v1, v2;
	_ =	sdelay $0x1  }
0xa4: {  	[tilespmem:s1+$0x6800] =	vst v1  }
0xa5: {  	[tilespmem:s30], [sflag:$0x1] =	stream.strided.gather [spmem:s15], $0x280, s28, s26, $0x38;
	[tilespmem:$0x9500] =	vst v63  }
0xa6: {  	_ =	swait.ge [sflag:s25], $0x280  }
0xa7: {  	[sflag:s25] =	ssyncset.done $0x0  }
0xa8: {  	s1 =	simm.s32 $0x0;
	[sflag:s25] =	ssyncadd.s32 $0xFFFFFD80  }
0xa9: {  	s31 =	simm.s32 $0x40;
	v1 =	vld [tilespmem:s1+$0x6A80]  }
.LBB2_20:
0xaa: {  	p0 =	sne.s32 s31, $0x9C0;
	v2 =	vld [tilespmem:s1+$0x6800];
	_ =	sdelay $0x2  }
.Ltmp9:
0xab: {  	(pc) =	sbr.rel @p0 .LBB2_20-.Ltmp9, $4  }
0xac: {  	_ = 	snop  }
0xad: {  	v2 =	vadd.f32 v1, v2  }
0xae: {  	s2 =	sshra.s32 s31, $0x2  }
0xaf: {  	s31 =	sadd.s32 $0x40, s31;
	v1 =	vld [tilespmem:s2+$0x6A80];
	[tilespmem:s1+$0x6800] =	vst v2;
	s1 =	smov.u32 s2  }
0xb0: {  	v2 =	vld [tilespmem:s1+$0x6800];
	_ =	sdelay $0x4  }
0xb1: {  	v1 =	vadd.f32 v1, v2;
	_ =	sdelay $0x1  }
0xb2: {  	[tilespmem:s1+$0x6800] =	vst v1  }
0xb3: {  	[tilespmem:s30], [sflag:$0x1] =	stream.strided.gather [spmem:s16], $0x280, s28, s26, $0x38;
	[tilespmem:$0x9500] =	vst v63  }
0xb4: {  	_ =	swait.ge [sflag:s25], $0x280  }
0xb5: {  	[sflag:s25] =	ssyncset.done $0x0  }
0xb6: {  	s1 =	simm.s32 $0x0;
	[sflag:s25] =	ssyncadd.s32 $0xFFFFFD80  }
0xb7: {  	s31 =	simm.s32 $0x40;
	v1 =	vld [tilespmem:s1+$0x6A80]  }
.LBB2_22:
0xb8: {  	p0 =	sne.s32 s31, $0x9C0;
	v2 =	vld [tilespmem:s1+$0x6800];
	_ =	sdelay $0x2  }
.Ltmp10:
0xb9: {  	(pc) =	sbr.rel @p0 .LBB2_22-.Ltmp10, $4  }
0xba: {  	_ = 	snop  }
0xbb: {  	v2 =	vadd.f32 v1, v2  }
0xbc: {  	s2 =	sshra.s32 s31, $0x2  }
0xbd: {  	s31 =	sadd.s32 $0x40, s31;
	v1 =	vld [tilespmem:s2+$0x6A80];
	[tilespmem:s1+$0x6800] =	vst v2;
	s1 =	smov.u32 s2  }
0xbe: {  	v2 =	vld [tilespmem:s1+$0x6800];
	_ =	sdelay $0x4  }
0xbf: {  	v1 =	vadd.f32 v1, v2;
	_ =	sdelay $0x1  }
0xc0: {  	[tilespmem:s1+$0x6800] =	vst v1  }
0xc1: {  	[tilespmem:s30], [sflag:$0x1] =	stream.strided.gather [spmem:s17], $0x280, s28, s26, $0x38;
	[tilespmem:$0x9500] =	vst v63  }
0xc2: {  	_ =	swait.ge [sflag:s25], $0x280  }
0xc3: {  	[sflag:s25] =	ssyncset.done $0x0  }
0xc4: {  	s1 =	simm.s32 $0x0;
	[sflag:s25] =	ssyncadd.s32 $0xFFFFFD80  }
0xc5: {  	s31 =	simm.s32 $0x40;
	v1 =	vld [tilespmem:s1+$0x6A80]  }
.LBB2_24:
0xc6: {  	p0 =	sne.s32 s31, $0x9C0;
	v2 =	vld [tilespmem:s1+$0x6800];
	_ =	sdelay $0x2  }
.Ltmp11:
0xc7: {  	(pc) =	sbr.rel @p0 .LBB2_24-.Ltmp11, $4  }
0xc8: {  	_ = 	snop  }
0xc9: {  	v2 =	vadd.f32 v1, v2  }
0xca: {  	s2 =	sshra.s32 s31, $0x2  }
0xcb: {  	s31 =	sadd.s32 $0x40, s31;
	v1 =	vld [tilespmem:s2+$0x6A80];
	[tilespmem:s1+$0x6800] =	vst v2;
	s1 =	smov.u32 s2  }
0xcc: {  	v2 =	vld [tilespmem:s1+$0x6800];
	_ =	sdelay $0x4  }
0xcd: {  	v1 =	vadd.f32 v1, v2;
	_ =	sdelay $0x1  }
0xce: {  	[tilespmem:s1+$0x6800] =	vst v1  }
0xcf: {  	[tilespmem:s30], [sflag:$0x1] =	stream.strided.gather [spmem:s18], $0x280, s28, s26, $0x38;
	[tilespmem:$0x9500] =	vst v63  }
0xd0: {  	_ =	swait.ge [sflag:s25], $0x280  }
0xd1: {  	[sflag:s25] =	ssyncset.done $0x0  }
0xd2: {  	s1 =	simm.s32 $0x0;
	[sflag:s25] =	ssyncadd.s32 $0xFFFFFD80  }
0xd3: {  	s31 =	simm.s32 $0x40;
	v1 =	vld [tilespmem:s1+$0x6A80]  }
.LBB2_26:
0xd4: {  	p0 =	sne.s32 s31, $0x9C0;
	v2 =	vld [tilespmem:s1+$0x6800];
	_ =	sdelay $0x2  }
.Ltmp12:
0xd5: {  	(pc) =	sbr.rel @p0 .LBB2_26-.Ltmp12, $4  }
0xd6: {  	_ = 	snop  }
0xd7: {  	v2 =	vadd.f32 v1, v2  }
0xd8: {  	s2 =	sshra.s32 s31, $0x2  }
0xd9: {  	s31 =	sadd.s32 $0x40, s31;
	v1 =	vld [tilespmem:s2+$0x6A80];
	[tilespmem:s1+$0x6800] =	vst v2;
	s1 =	smov.u32 s2  }
0xda: {  	v2 =	vld [tilespmem:s1+$0x6800];
	_ =	sdelay $0x4  }
0xdb: {  	v1 =	vadd.f32 v1, v2;
	_ =	sdelay $0x1  }
0xdc: {  	[tilespmem:s1+$0x6800] =	vst v1  }
0xdd: {  	[tilespmem:s30], [sflag:$0x1] =	stream.strided.gather [spmem:s19], $0x280, s28, s26, $0x38;
	[tilespmem:$0x9500] =	vst v63  }
0xde: {  	_ =	swait.ge [sflag:s25], $0x280  }
0xdf: {  	[sflag:s25] =	ssyncset.done $0x0  }
0xe0: {  	s1 =	simm.s32 $0x0;
	[sflag:s25] =	ssyncadd.s32 $0xFFFFFD80  }
0xe1: {  	s31 =	simm.s32 $0x40;
	v1 =	vld [tilespmem:s1+$0x6A80]  }
.LBB2_28:
0xe2: {  	p0 =	sne.s32 s31, $0x9C0;
	v2 =	vld [tilespmem:s1+$0x6800];
	_ =	sdelay $0x2  }
.Ltmp13:
0xe3: {  	(pc) =	sbr.rel @p0 .LBB2_28-.Ltmp13, $4  }
0xe4: {  	_ = 	snop  }
0xe5: {  	v2 =	vadd.f32 v1, v2  }
0xe6: {  	s2 =	sshra.s32 s31, $0x2  }
0xe7: {  	s31 =	sadd.s32 $0x40, s31;
	v1 =	vld [tilespmem:s2+$0x6A80];
	[tilespmem:s1+$0x6800] =	vst v2;
	s1 =	smov.u32 s2  }
0xe8: {  	v2 =	vld [tilespmem:s1+$0x6800];
	_ =	sdelay $0x4  }
0xe9: {  	v1 =	vadd.f32 v1, v2;
	_ =	sdelay $0x1  }
0xea: {  	[tilespmem:s1+$0x6800] =	vst v1  }
0xeb: {  	[tilespmem:s30], [sflag:$0x1] =	stream.strided.gather [spmem:s20], $0x280, s28, s26, $0x38;
	[tilespmem:$0x9500] =	vst v63  }
0xec: {  	_ =	swait.ge [sflag:s25], $0x280  }
0xed: {  	[sflag:s25] =	ssyncset.done $0x0  }
0xee: {  	s1 =	simm.s32 $0x0;
	[sflag:s25] =	ssyncadd.s32 $0xFFFFFD80  }
0xef: {  	s31 =	simm.s32 $0x40;
	v1 =	vld [tilespmem:s1+$0x6A80]  }
.LBB2_30:
0xf0: {  	p0 =	sne.s32 s31, $0x9C0;
	v2 =	vld [tilespmem:s1+$0x6800];
	_ =	sdelay $0x2  }
.Ltmp14:
0xf1: {  	(pc) =	sbr.rel @p0 .LBB2_30-.Ltmp14, $4  }
0xf2: {  	_ = 	snop  }
0xf3: {  	v2 =	vadd.f32 v1, v2  }
0xf4: {  	s2 =	sshra.s32 s31, $0x2  }
0xf5: {  	s31 =	sadd.s32 $0x40, s31;
	v1 =	vld [tilespmem:s2+$0x6A80];
	[tilespmem:s1+$0x6800] =	vst v2;
	s1 =	smov.u32 s2  }
0xf6: {  	v2 =	vld [tilespmem:s1+$0x6800];
	_ =	sdelay $0x4  }
0xf7: {  	v1 =	vadd.f32 v1, v2;
	_ =	sdelay $0x1  }
0xf8: {  	[tilespmem:s1+$0x6800] =	vst v1  }
0xf9: {  	[tilespmem:s30], [sflag:$0x1] =	stream.strided.gather [spmem:s21], $0x280, s28, s26, $0x38;
	[tilespmem:$0x9500] =	vst v63  }
0xfa: {  	_ =	swait.ge [sflag:s25], $0x280  }
0xfb: {  	[sflag:s25] =	ssyncset.done $0x0  }
0xfc: {  	s1 =	simm.s32 $0x0;
	[sflag:s25] =	ssyncadd.s32 $0xFFFFFD80  }
0xfd: {  	s31 =	simm.s32 $0x40;
	v1 =	vld [tilespmem:s1+$0x6A80]  }
.LBB2_32:
0xfe: {  	p0 =	sne.s32 s31, $0x9C0;
	v2 =	vld [tilespmem:s1+$0x6800];
	_ =	sdelay $0x2  }
.Ltmp15:
0xff: {  	(pc) =	sbr.rel @p0 .LBB2_32-.Ltmp15, $4  }
0x100: {  	_ = 	snop  }
0x101: {  	v2 =	vadd.f32 v1, v2  }
0x102: {  	s2 =	sshra.s32 s31, $0x2  }
0x103: {  	s31 =	sadd.s32 $0x40, s31;
	v1 =	vld [tilespmem:s2+$0x6A80];
	[tilespmem:s1+$0x6800] =	vst v2;
	s1 =	smov.u32 s2  }
0x104: {  	v2 =	vld [tilespmem:s1+$0x6800];
	_ =	sdelay $0x4  }
0x105: {  	s0 =	sadd.s32 $0x1, s0;
	v1 =	vadd.f32 v1, v2  }
0x106: {  	p0 =	sne.s32 s0, s23  }
.Ltmp16:
0x107: {  	s31 =	simm.s32 $0x100;
	[tilespmem:s1+$0x6800] =	vst v1;
	(pc) =	sbr.rel @p0 .LBB2_1-.Ltmp16, $4  }
0x108: {  	[hbm4b:s22+s26] =	stream.strided.scatter [tilespmem:s29], [sflag:$0x1], $0x280, s31, s26, $0x38;
	[tilespmem:$0x9500] =	vst v63  }
0x109: {  	_ =	swait.ge [sflag:s25], $0x280  }
0x10a: {  	[sflag:s25] =	ssyncset.done $0x0  }
0x10b: {  	[sflag:s25] =	ssyncadd.s32 $0xFFFFFD80  }
0x10c: {  	_ =	sfence.sel $0x180000  }
0x10d: {  	[bflag:$0x0] =	sbarrier.arrive $0xFFFF  }
0x10e: {  	_ =	strace $0x90000047  }
0x10f: {  	s0 =	stileid.u32;
	[bflag:$0x2] =	sbarrier.arrive $0xFFFF  }
0x110: {  	p0 =	sne.s32 s0, $0x0;
	s0 =	rddreg [dreg:$0x2]  }
0x111: {  	s0 =	sadd.s32 @!p0 $0x100000, s0  }
0x112: {  	[sflag:s0] =	ssyncadd.tile.s32 @!p0 $0x1;
	_ =	shalt  }
.Lfunc_end2:
_tile_overlayer_lowered:
.L_overlay_start_2:
0x113: {  	(tag) =	ssettag $0x2  }
0x114: {  	s0 =	rddreg [dreg:$0x0];
	s2 =	stileid.u32  }
0x115: {  	s1 =	rddreg [dreg:$0x1];
	p0 =	sne.s32 s2, $0x0  }
0x116: {  	s3 =	rddreg [dreg:$0x2];
	[bflag:$0x3] =	sbarrier.arrive $0xFFFF;
	s2 =	simm.s32 @!p0 $0x1C01  }
0x117: {  	[timem:s3], [sflag:s2] =	dma.local @!p0 [hbm:s0], s1  }
0x118: {  	s0 =	simm.s32 @!p0 $0x1  }
0x119: {  	_ =	swait.ge @!p0 [sflag:s0], s1  }
0x11a: {  	s1 =	ssub.s32 @!p0 $0x0, s1;
	[sflag:s0] =	ssyncset.done @!p0 $0x0  }
0x11b: {  	[sflag:s0] =	ssyncadd.s32 @!p0 s1  }
0x11c: {  	[bflag:$0x3] =	sbarrier.arrive $0xFFFF  }
0x11d: {  	_ =	shalt  }

</sc_bundles>
